<compile_context>
chip_gen: v7x
topology: tpu7x:2x2x1
jax: 0.10.2.dev20260603
libtpu: 0.0.44.dev20260713+nightly
codegen_flags: <defaults>
</compile_context>

<pallas_src>
import functools

import jax
import jax.numpy as jnp
from jax import lax
from jax.experimental import pallas as pl
from jax.experimental.pallas import tpu as pltpu
from jax.experimental.pallas import tpu_sc as plsc

N = 10000
E = 320000
D_IN = 128
D_HID = 256
D_OUT = 256
CB1 = 512
CB2 = 1024
PH_O = 64
COMMIT_W = 0.25

NC = 2
NS = 16
NW = NC * NS
N_PAD = 10240
SLAB = N_PAD // NS
E_PER_W = E // NW
W_FULL = 128
N_WIN = E_PER_W // W_FULL
W_TAIL = E_PER_W - N_WIN * W_FULL

@functools.lru_cache(maxsize=None)
def _mesh():
    return plsc.VectorSubcoreMesh(core_axis_name="c", subcore_axis_name="s",
                                  num_cores=NC, num_subcores=NS)


def _wid(c, s):
    return s * NC + c


def _deg_body(src_hbm, dst_hbm, zeros1, ones_hbm, out, src_v, dst_v, ones_v,
              src_t, dst_t, ones_t, acc_o, acc_i):
    c = lax.axis_index("c")
    s = lax.axis_index("s")
    w = _wid(c, s)
    pltpu.sync_copy(zeros1.at[pl.ds(s * SLAB, SLAB)], acc_o.at[pl.ds(s * SLAB, SLAB)])
    pltpu.sync_copy(zeros1.at[pl.ds(s * SLAB, SLAB)], acc_i.at[pl.ds(s * SLAB, SLAB)])
    pltpu.sync_copy(ones_hbm, ones_v)
    pltpu.sync_copy(ones_hbm.at[pl.ds(0, W_TAIL)], ones_t)
    plsc.subcore_barrier()

    e0 = w * E_PER_W

    def body(i, carry):
        base = e0 + i * W_FULL
        pltpu.sync_copy(src_hbm.at[pl.ds(base, W_FULL)], src_v)
        pltpu.sync_copy(dst_hbm.at[pl.ds(base, W_FULL)], dst_v)
        pltpu.sync_copy(ones_v, acc_o.at[src_v], add=True)
        pltpu.sync_copy(ones_v, acc_i.at[dst_v], add=True)
        return carry

    lax.fori_loop(0, N_WIN, body, 0)
    base = e0 + N_WIN * W_FULL
    pltpu.sync_copy(src_hbm.at[pl.ds(base, W_TAIL)], src_t)
    pltpu.sync_copy(dst_hbm.at[pl.ds(base, W_TAIL)], dst_t)
    pltpu.sync_copy(ones_t, acc_o.at[src_t], add=True)
    pltpu.sync_copy(ones_t, acc_i.at[dst_t], add=True)

    plsc.subcore_barrier()
    pltpu.sync_copy(acc_o.at[pl.ds(s * SLAB, SLAB)], out.at[c, 0, pl.ds(s * SLAB, SLAB)])
    pltpu.sync_copy(acc_i.at[pl.ds(s * SLAB, SLAB)], out.at[c, 1, pl.ds(s * SLAB, SLAB)])


@functools.lru_cache(maxsize=None)
def _deg_kernel():
    return pl.kernel(
        _deg_body,
        out_type=jax.ShapeDtypeStruct((NC, 2, N_PAD), jnp.float32),
        mesh=_mesh(),
        scratch_types=[
            pltpu.VMEM((W_FULL,), jnp.int32),
            pltpu.VMEM((W_FULL,), jnp.int32),
            pltpu.VMEM((W_FULL,), jnp.float32),
            pltpu.VMEM((W_TAIL,), jnp.int32),
            pltpu.VMEM((W_TAIL,), jnp.int32),
            pltpu.VMEM((W_TAIL,), jnp.float32),
            pltpu.VMEM_SHARED((N_PAD,), jnp.float32),
            pltpu.VMEM_SHARED((N_PAD,), jnp.float32),
        ],
    )


def _deg_call(src, dst, zeros1, ones):
    return _deg_kernel()(src, dst, zeros1, ones)


def _agg_body(table, src_hbm, dst_hbm, zeros2, out, src_v, dst_v, src_t,
              dst_t, rows_v, rows_t, acc, sem):
    c = lax.axis_index("c")
    s = lax.axis_index("s")
    w = _wid(c, s)
    pltpu.sync_copy(zeros2.at[pl.ds(s * SLAB, SLAB)], acc.at[pl.ds(s * SLAB, SLAB)])
    plsc.subcore_barrier()

    e0 = w * E_PER_W

    def body(i, carry):
        base = e0 + i * W_FULL
        pltpu.sync_copy(src_hbm.at[pl.ds(base, W_FULL)], src_v)
        pltpu.sync_copy(dst_hbm.at[pl.ds(base, W_FULL)], dst_v)
        pltpu.async_copy(table.at[src_v], rows_v, sem).wait()
        pltpu.sync_copy(rows_v, acc.at[dst_v], add=True)
        return carry

    lax.fori_loop(0, N_WIN, body, 0)
    base = e0 + N_WIN * W_FULL
    pltpu.sync_copy(src_hbm.at[pl.ds(base, W_TAIL)], src_t)
    pltpu.sync_copy(dst_hbm.at[pl.ds(base, W_TAIL)], dst_t)
    pltpu.async_copy(table.at[src_t], rows_t, sem).wait()
    pltpu.sync_copy(rows_t, acc.at[dst_t], add=True)

    plsc.subcore_barrier()
    pltpu.sync_copy(acc.at[pl.ds(s * SLAB, SLAB)], out.at[c, pl.ds(s * SLAB, SLAB)])


@functools.lru_cache(maxsize=None)
def _agg_kernel():
    return pl.kernel(
        _agg_body,
        out_type=jax.ShapeDtypeStruct((NC, N_PAD, D_IN), jnp.float32),
        mesh=_mesh(),
        scratch_types=[
            pltpu.VMEM((W_FULL,), jnp.int32),
            pltpu.VMEM((W_FULL,), jnp.int32),
            pltpu.VMEM((W_TAIL,), jnp.int32),
            pltpu.VMEM((W_TAIL,), jnp.int32),
            pltpu.VMEM((W_FULL, D_IN), jnp.float32),
            pltpu.VMEM((W_TAIL, D_IN), jnp.float32),
            pltpu.VMEM_SHARED((N_PAD, D_IN), jnp.float32),
            pltpu.SemaphoreType.DMA,
        ],
    )


def _agg_call(table, src, dst, zeros2):
    return _agg_kernel()(table, src, dst, zeros2)


_R_PER_W = N_PAD // NW
_GW = 80


def _prj_body(t1, t2, i1, i2, o1, o2, idx_v, rows_v, sem):
    c = lax.axis_index("c")
    s = lax.axis_index("s")
    w = _wid(c, s)
    r0 = w * _R_PER_W

    def body(i, carry):
        base = r0 + i * _GW
        pltpu.sync_copy(i1.at[pl.ds(base, _GW)], idx_v)
        pltpu.async_copy(t1.at[idx_v], rows_v, sem).wait()
        pltpu.sync_copy(rows_v, o1.at[pl.ds(base, _GW)])
        pltpu.sync_copy(i2.at[pl.ds(base, _GW)], idx_v)
        pltpu.async_copy(t2.at[idx_v], rows_v, sem).wait()
        pltpu.sync_copy(rows_v, o2.at[pl.ds(base, _GW)])
        return carry

    lax.fori_loop(0, _R_PER_W // _GW, body, 0)


@functools.lru_cache(maxsize=None)
def _prj_kernel():
    return pl.kernel(
        _prj_body,
        out_type=[jax.ShapeDtypeStruct((N_PAD, D_IN), jnp.float32),
                  jax.ShapeDtypeStruct((N_PAD, D_IN), jnp.float32)],
        mesh=_mesh(),
        scratch_types=[
            pltpu.VMEM((_GW,), jnp.int32),
            pltpu.VMEM((_GW, D_IN), jnp.float32),
            pltpu.SemaphoreType.DMA,
        ],
    )


def _prj_call(t1, t2, i1, i2):
    return _prj_kernel()(t1, t2, i1, i2)


_BLK = 1024
_NB = N_PAD // _BLK


def _mlp1_kernel(p_ref, si_ref, so_ref, w1_ref, b1_ref, lo_ref, hi_ref):
    a = (p_ref[0] + p_ref[1]) * si_ref[...]
    h = jnp.maximum(
        jax.lax.dot_general(a, w1_ref[...], (((1,), (0,)), ((), ())),
                            preferred_element_type=jnp.float32) + b1_ref[...],
        0.0)
    hs = h * so_ref[...]
    lo_ref[...] = hs[:, :D_IN]
    hi_ref[...] = hs[:, D_IN:]


def _mlp1(parts, s_in, s_out, W1, b1):
    return pl.pallas_call(
        _mlp1_kernel,
        grid=(_NB,),
        in_specs=[
            pl.BlockSpec((NC, _BLK, D_IN), lambda i: (0, i, 0)),
            pl.BlockSpec((_BLK, 1), lambda i: (i, 0)),
            pl.BlockSpec((_BLK, 1), lambda i: (i, 0)),
            pl.BlockSpec((D_IN, D_HID), lambda i: (0, 0)),
            pl.BlockSpec((1, D_HID), lambda i: (0, 0)),
        ],
        out_specs=[
            pl.BlockSpec((_BLK, D_IN), lambda i: (i, 0)),
            pl.BlockSpec((_BLK, D_IN), lambda i: (i, 0)),
        ],
        out_shape=[jax.ShapeDtypeStruct((N_PAD, D_IN), jnp.float32),
                   jax.ShapeDtypeStruct((N_PAD, D_IN), jnp.float32)],
    )(parts, s_in, s_out, W1, b1)


def _cbt_kernel(cbn1_ref, cbn2_ref, w11, b11, w12, b12, w21, b21, w22, b22,
                t1_ref, t2_ref):
    cbn1 = cbn1_ref[...]
    cbn2 = cbn2_ref[...]

    def mlp(q, wa, ba, wb, bb):
        h = jnp.maximum(
            jax.lax.dot_general(q, wa[...], (((1,), (0,)), ((), ())),
                                preferred_element_type=jnp.float32) + ba[...], 0.0)
        return (jax.lax.dot_general(h, wb[...], (((1,), (0,)), ((), ())),
                                    preferred_element_type=jnp.float32) + bb[...])

    z1 = jnp.zeros((CB1, D_IN - PH_O), jnp.float32)
    z2 = jnp.zeros((CB2, D_IN - PH_O), jnp.float32)
    t1_ref[...] = jnp.concatenate([mlp(cbn1, w11, b11, w12, b12), z1], axis=1)
    t2_ref[...] = jnp.concatenate([mlp(cbn2, w21, b21, w22, b22), z2], axis=1)


def _cb_tables(cbn1, cbn2, p1w1, p1b1, p1w2, p1b2, p2w1, p2b1, p2w2, p2b2):
    return pl.pallas_call(
        _cbt_kernel,
        out_shape=[jax.ShapeDtypeStruct((CB1, D_IN), jnp.float32),
                   jax.ShapeDtypeStruct((CB2, D_IN), jnp.float32)],
    )(cbn1, cbn2, p1w1, p1b1.reshape(1, -1), p1w2, p1b2.reshape(1, -1),
      p2w1, p2b1.reshape(1, -1), p2w2, p2b2.reshape(1, -1))


def _h2_kernel(lo_p, hi_p, si_ref, w2_ref, b2_ref, h2_ref):
    lo = (lo_p[0] + lo_p[1]) * si_ref[...]
    hi = (hi_p[0] + hi_p[1]) * si_ref[...]
    w2 = w2_ref[...]
    h2_ref[...] = (jax.lax.dot_general(lo, w2[:D_IN], (((1,), (0,)), ((), ())),
                                       preferred_element_type=jnp.float32)
                   + jax.lax.dot_general(hi, w2[D_IN:], (((1,), (0,)), ((), ())),
                                         preferred_element_type=jnp.float32)
                   + b2_ref[...])


def _h2_stage(lo_parts, hi_parts, s_in, W2, b2):
    return pl.pallas_call(
        _h2_kernel,
        grid=(_NB,),
        in_specs=[
            pl.BlockSpec((NC, _BLK, D_IN), lambda i: (0, i, 0)),
            pl.BlockSpec((NC, _BLK, D_IN), lambda i: (0, i, 0)),
            pl.BlockSpec((_BLK, 1), lambda i: (i, 0)),
            pl.BlockSpec((D_OUT, D_OUT), lambda i: (0, 0)),
            pl.BlockSpec((1, D_OUT), lambda i: (0, 0)),
        ],
        out_specs=pl.BlockSpec((_BLK, D_OUT), lambda i: (i, 0)),
        out_shape=jax.ShapeDtypeStruct((N_PAD, D_OUT), jnp.float32),
    )(lo_parts, hi_parts, s_in, W2, b2)


def _vq_kernel(hn_ref, nv_ref, cbn1_ref, cbn2_ref,
               i1_ref, i2_ref, c1_ref, c2_ref):
    i = pl.program_id(0)
    hn = hn_ref[...]
    nr_col = nv_ref[...]

    def vq(cbn, ncb):
        sim = jax.lax.dot_general(hn, cbn, (((1,), (1,)), ((), ())),
                                  preferred_element_type=jnp.float32)
        m = jnp.max(sim, axis=1, keepdims=True)
        col = jax.lax.broadcasted_iota(jnp.int32, sim.shape, 1)
        idx = jnp.min(jnp.where(sim == m, col, ncb), axis=1)
        return m[:, 0], idx

    m1, idx1 = vq(cbn1_ref[...], CB1)
    m2, idx2 = vq(cbn2_ref[...], CB2)
    i1_ref[...] = idx1.reshape(1, 1, _BLK)
    i2_ref[...] = idx2.reshape(1, 1, _BLK)

    row = jax.lax.broadcasted_iota(jnp.int32, (_BLK,), 0) + i * _BLK
    valid = row < N
    nr = nr_col[:, 0]
    ss = nr * nr
    part1 = jnp.sum(jnp.where(valid, 1.0 - 2.0 * m1 * nr + ss, 0.0))
    part2 = jnp.sum(jnp.where(valid, 1.0 - 2.0 * m2 * nr + ss, 0.0))

    @pl.when(i == 0)
    def _():
        c1_ref[...] = jnp.zeros_like(c1_ref)
        c2_ref[...] = jnp.zeros_like(c2_ref)

    c1_ref[...] = c1_ref[...] + part1
    c2_ref[...] = c2_ref[...] + part2


def _vq_stage(hn, nv, cbn1, cbn2):
    return pl.pallas_call(
        _vq_kernel,
        grid=(_NB,),
        in_specs=[
            pl.BlockSpec((_BLK, D_OUT), lambda i: (i, 0)),
            pl.BlockSpec((_BLK, 1), lambda i: (i, 0)),
            pl.BlockSpec((CB1, D_OUT), lambda i: (0, 0)),
            pl.BlockSpec((CB2, D_OUT), lambda i: (0, 0)),
        ],
        out_specs=[
            pl.BlockSpec((1, 1, _BLK), lambda i: (i, 0, 0)),
            pl.BlockSpec((1, 1, _BLK), lambda i: (i, 0, 0)),
            pl.BlockSpec((1, 1), lambda i: (0, 0)),
            pl.BlockSpec((1, 1), lambda i: (0, 0)),
        ],
        out_shape=[jax.ShapeDtypeStruct((_NB, 1, _BLK), jnp.int32),
                   jax.ShapeDtypeStruct((_NB, 1, _BLK), jnp.int32),
                   jax.ShapeDtypeStruct((1, 1), jnp.float32),
                   jax.ShapeDtypeStruct((1, 1), jnp.float32)],
    )(hn, nv, cbn1, cbn2)


def kernel(feats, edge_index, W1, b1, W2, b2, cb1, cb2,
           p1w1, p1b1, p1w2, p1b2, p2w1, p2b1, p2w2, p2b2):
    zeros1 = jnp.zeros((N_PAD,), jnp.float32)
    zeros2 = jnp.zeros((N_PAD, D_IN), jnp.float32)
    ones = jnp.ones((W_FULL,), jnp.float32)

    src = edge_index[0]
    dst = edge_index[1]
    deg = _deg_call(src, dst, zeros1, ones)
    sdst, ssrc = jax.lax.sort((dst, src), num_keys=1, is_stable=True)
    deg_out = jnp.clip(deg[0, 0] + deg[1, 0], 1.0)
    deg_in = jnp.clip(deg[0, 1] + deg[1, 1], 1.0)
    s_out = deg_out ** -0.5
    s_in = deg_in ** -0.5

    cbn1 = cb1 / (jnp.linalg.norm(cb1, axis=-1, keepdims=True) + 1e-12)
    cbn2 = cb2 / (jnp.linalg.norm(cb2, axis=-1, keepdims=True) + 1e-12)
    t1, t2 = _cb_tables(cbn1, cbn2, p1w1, p1b1, p1w2, p1b2,
                        p2w1, p2b1, p2w2, p2b2)

    h0 = feats * s_out[:N, None]
    agg1 = _agg_call(h0, ssrc, sdst, zeros2)

    h1s = _mlp1(agg1, s_in[:, None], s_out[:, None], W1, b1.reshape(1, -1))
    lo_parts = _agg_call(h1s[0], ssrc, sdst, zeros2)
    hi_parts = _agg_call(h1s[1], ssrc, sdst, zeros2)

    h2 = _h2_stage(lo_parts, hi_parts, s_in[:, None], W2, b2.reshape(1, -1))
    nv = jnp.linalg.norm(h2, axis=-1, keepdims=True) + 1e-12
    hn = h2 / nv
    i1, i2, c1s, c2s = _vq_stage(hn, nv, cbn1, cbn2)

    o1, o2 = _prj_call(t1, t2, i1.reshape(N_PAD), i2.reshape(N_PAD))

    scale = COMMIT_W / (N * D_OUT)
    c1 = (c1s[0, 0] * scale).astype(jnp.float32)
    c2 = (c2s[0, 0] * scale).astype(jnp.float32)
    return (o1[:N, :PH_O], o2[:N, :PH_O], c1, c2)

# --- scband reference (transcript-rebuilt; emitter-appended) ---
"""Pipeline reference for scband-dual-vqgnn-16724602651150 (READ-ONLY COPY).

The authoritative reference and input builder live on the scoring server;
editing this copy changes nothing except your own understanding.
"""

import jax, jax.numpy as jnp
import numpy as np

N = 10000
E = 320000
D_IN = 128
D_HID = 256
D_OUT = 256
VQ_DIM = 256
CB1 = 512
CB2 = 1024
PH_H = 128
PH_O = 64
COMMIT_W = 0.25


def setup_inputs(seed: int = 0) -> dict:
    key = jax.random.key(seed)
    ks = jax.random.split(key, 20)
    feats = jax.random.normal(ks[0], (N, D_IN), jnp.float32)
    edge_index = jax.random.randint(ks[1], (2, E), 0, N, dtype=jnp.int32)
    W1 = jax.random.normal(ks[2], (D_IN, D_HID), jnp.float32) / np.sqrt(D_IN)
    b1 = jnp.zeros((D_HID,), jnp.float32)
    W2 = jax.random.normal(ks[3], (D_HID, D_OUT), jnp.float32) / np.sqrt(D_HID)
    b2 = jnp.zeros((D_OUT,), jnp.float32)
    cb1 = jax.random.normal(ks[4], (CB1, VQ_DIM), jnp.float32)
    cb2 = jax.random.normal(ks[5], (CB2, VQ_DIM), jnp.float32)
    p1w1 = jax.random.normal(ks[6], (VQ_DIM, PH_H), jnp.float32) / np.sqrt(VQ_DIM)
    p1b1 = jnp.zeros((PH_H,), jnp.float32)
    p1w2 = jax.random.normal(ks[7], (PH_H, PH_O), jnp.float32) / np.sqrt(PH_H)
    p1b2 = jnp.zeros((PH_O,), jnp.float32)
    p2w1 = jax.random.normal(ks[8], (VQ_DIM, PH_H), jnp.float32) / np.sqrt(VQ_DIM)
    p2b1 = jnp.zeros((PH_H,), jnp.float32)
    p2w2 = jax.random.normal(ks[9], (PH_H, PH_O), jnp.float32) / np.sqrt(PH_H)
    p2b2 = jnp.zeros((PH_O,), jnp.float32)
    return {"feats": feats, "edge_index": edge_index, "W1": W1, "b1": b1,
            "W2": W2, "b2": b2, "cb1": cb1, "cb2": cb2,
            "p1w1": p1w1, "p1b1": p1b1, "p1w2": p1w2, "p1b2": p1b2,
            "p2w1": p2w1, "p2b1": p2b1, "p2w2": p2w2, "p2b2": p2b2}


def _l2norm(t):
    return t / (jnp.linalg.norm(t, axis=-1, keepdims=True) + 1e-12)


def _graph_conv(x, src, dst, W, b):
    # DGL GraphConv norm='both': D_out^{-1/2} on src side, sum-aggregate, D_in^{-1/2} on dst side
    deg_out = jnp.clip(jnp.bincount(src, length=N).astype(x.dtype), 1.0)
    deg_in = jnp.clip(jnp.bincount(dst, length=N).astype(x.dtype), 1.0)
    h = x * (deg_out ** -0.5)[:, None]
    msg = jnp.take(h, src, axis=0)
    agg = jax.ops.segment_sum(msg, dst, num_segments=N)
    agg = agg * (deg_in ** -0.5)[:, None]
    return agg @ W + b


def _vq(h, codebook):
    hn = _l2norm(h)
    cbn = _l2norm(codebook)
    sim = hn @ cbn.T
    idx = jnp.argmax(sim, axis=-1)
    q = jnp.take(cbn, idx, axis=0)
    commit = COMMIT_W * jnp.mean((jax.lax.stop_gradient(q) - h) ** 2)
    q_st = h + jax.lax.stop_gradient(q - h)
    return q_st, idx, commit


def reference(feats, edge_index, W1, b1, W2, b2, cb1, cb2,
              p1w1, p1b1, p1w2, p1b2, p2w1, p2b1, p2w2, p2b2):
    src = edge_index[0]
    dst = edge_index[1]
    h = _graph_conv(feats, src, dst, W1, b1)
    h = jax.nn.relu(h)
    # dropout_ratio = 0.0 -> identity
    h = _graph_conv(h, src, dst, W2, b2)
    q1, _, c1 = _vq(h, cb1)
    q2, _, c2 = _vq(h, cb2)
    proj1 = jax.nn.relu(q1 @ p1w1 + p1b1) @ p1w2 + p1b2
    proj2 = jax.nn.relu(q2 @ p2w1 + p2b1) @ p2w2 + p2b2
    return (proj1, proj2, c1, c2)

if __name__ == "__main__":
    import jax
    _d = setup_inputs()
    print(jax.jit(kernel)(*tuple(_d.values())))

</pallas_src>

<mosaic_0001>
#map = affine_map<(d0, d1) -> (0)>
#map1 = affine_map<(d0, d1) -> (0, 0, 0)>
module attributes {stable_mosaic.version = 14 : i64} {
  func.func @_deg_body(%arg0: i32, %arg1: i32, %arg2: memref<320000xi32, #tpu.memory_space<hbm>>, %arg3: memref<320000xi32, #tpu.memory_space<hbm>>, %arg4: memref<10240xf32, #tpu.memory_space<hbm>>, %arg5: memref<128xf32, #tpu.memory_space<hbm>>, %arg6: memref<2x2x10240xf32, #tpu.memory_space<hbm>>, %arg7: memref<128xi32, #tpu.memory_space<vmem>>, %arg8: memref<128xi32, #tpu.memory_space<vmem>>, %arg9: memref<128xf32, #tpu.memory_space<vmem>>, %arg10: memref<16xi32, #tpu.memory_space<vmem>>, %arg11: memref<16xi32, #tpu.memory_space<vmem>>, %arg12: memref<16xf32, #tpu.memory_space<vmem>>, %arg13: memref<10240xf32, #tpu.memory_space<vmem_shared>>, %arg14: memref<10240xf32, #tpu.memory_space<vmem_shared>>) attributes {dimension_semantics = [#tpu.dimension_semantics<core_parallel>, #tpu.dimension_semantics<subcore_parallel>], iteration_bounds = array<i64: 2, 16>, scalar_prefetch = 0 : i64, scratch_operands = 8 : i64, tpu.core_type = #tpu.core_type<sc_vector_subcore>, window_params = [{transform_indices = #map}, {transform_indices = #map}, {transform_indices = #map}, {transform_indices = #map}, {transform_indices = #map1}]} {
    %mul3A = arith.constant 2 : i32
    %mul3A_0 = arith.muli %arg1, %mul3A : i32
    %add3A = arith.addi %mul3A_0, %arg0 : i32
    %mul3A_1 = arith.constant 640 : i32
    %mul3A_2 = arith.muli %arg1, %mul3A_1 : i32
    %mul3A_3 = arith.constant 640 : i32
    %mul3A_4 = arith.muli %arg1, %mul3A_3 : i32
    "tpu.region"() ({
      %run_scoped3A_28 = tpu.sem_alloc : memref<!tpu.dma_semaphore, #tpu.memory_space<semaphore_mem>>
      %dma_start3A = tpu.memref_slice %arg13[%mul3A_4] : memref<10240xf32, #tpu.memory_space<vmem_shared>> -> memref<640xf32, #tpu.memory_space<vmem_shared>>
      %dma_start3A_29 = tpu.memref_slice %arg4[%mul3A_2] : memref<10240xf32, #tpu.memory_space<hbm>> -> memref<640xf32, #tpu.memory_space<hbm>>
      tpu.enqueue_dma source(%dma_start3A_29 : memref<640xf32, #tpu.memory_space<hbm>>) target(%dma_start3A : memref<640xf32, #tpu.memory_space<vmem_shared>>) target_semaphore(%run_scoped3A_28 : memref<!tpu.dma_semaphore, #tpu.memory_space<semaphore_mem>>)
      %dma_wait3A = tpu.memref_slice %arg13[%mul3A_4] : memref<10240xf32, #tpu.memory_space<vmem_shared>> -> memref<640xf32, #tpu.memory_space<vmem_shared>>
      %dma_wait3A_30 = tpu.memref_slice %arg4[%mul3A_2] : memref<10240xf32, #tpu.memory_space<hbm>> -> memref<640xf32, #tpu.memory_space<hbm>>
      tpu.wait_dma2 semaphore(%run_scoped3A_28 : memref<!tpu.dma_semaphore, #tpu.memory_space<semaphore_mem>>) src(%dma_wait3A_30 : memref<640xf32, #tpu.memory_space<hbm>>) dst(%dma_wait3A : memref<640xf32, #tpu.memory_space<vmem_shared>>)
      tpu.yield
    }) : () -> ()
    %mul3A_5 = arith.constant 640 : i32
    %mul3A_6 = arith.muli %arg1, %mul3A_5 : i32
    %mul3A_7 = arith.constant 640 : i32
    %mul3A_8 = arith.muli %arg1, %mul3A_7 : i32
    "tpu.region"() ({
      %run_scoped3A_28 = tpu.sem_alloc : memref<!tpu.dma_semaphore, #tpu.memory_space<semaphore_mem>>
      %dma_start3A = tpu.memref_slice %arg14[%mul3A_8] : memref<10240xf32, #tpu.memory_space<vmem_shared>> -> memref<640xf32, #tpu.memory_space<vmem_shared>>
      %dma_start3A_29 = tpu.memref_slice %arg4[%mul3A_6] : memref<10240xf32, #tpu.memory_space<hbm>> -> memref<640xf32, #tpu.memory_space<hbm>>
      tpu.enqueue_dma source(%dma_start3A_29 : memref<640xf32, #tpu.memory_space<hbm>>) target(%dma_start3A : memref<640xf32, #tpu.memory_space<vmem_shared>>) target_semaphore(%run_scoped3A_28 : memref<!tpu.dma_semaphore, #tpu.memory_space<semaphore_mem>>)
      %dma_wait3A = tpu.memref_slice %arg14[%mul3A_8] : memref<10240xf32, #tpu.memory_space<vmem_shared>> -> memref<640xf32, #tpu.memory_space<vmem_shared>>
      %dma_wait3A_30 = tpu.memref_slice %arg4[%mul3A_6] : memref<10240xf32, #tpu.memory_space<hbm>> -> memref<640xf32, #tpu.memory_space<hbm>>
      tpu.wait_dma2 semaphore(%run_scoped3A_28 : memref<!tpu.dma_semaphore, #tpu.memory_space<semaphore_mem>>) src(%dma_wait3A_30 : memref<640xf32, #tpu.memory_space<hbm>>) dst(%dma_wait3A : memref<640xf32, #tpu.memory_space<vmem_shared>>)
      tpu.yield
    }) : () -> ()
    "tpu.region"() ({
      %run_scoped3A_28 = tpu.sem_alloc : memref<!tpu.dma_semaphore, #tpu.memory_space<semaphore_mem>>
      tpu.enqueue_dma source(%arg5 : memref<128xf32, #tpu.memory_space<hbm>>) target(%arg9 : memref<128xf32, #tpu.memory_space<vmem>>) target_semaphore(%run_scoped3A_28 : memref<!tpu.dma_semaphore, #tpu.memory_space<semaphore_mem>>)
      tpu.wait_dma2 semaphore(%run_scoped3A_28 : memref<!tpu.dma_semaphore, #tpu.memory_space<semaphore_mem>>) src(%arg5 : memref<128xf32, #tpu.memory_space<hbm>>) dst(%arg9 : memref<128xf32, #tpu.memory_space<vmem>>)
      tpu.yield
    }) : () -> ()
    "tpu.region"() ({
      %run_scoped3A_28 = tpu.sem_alloc : memref<!tpu.dma_semaphore, #tpu.memory_space<semaphore_mem>>
      %dma_start3A = arith.constant 0 : i32
      %dma_start3A_29 = tpu.memref_slice %arg5[%dma_start3A] : memref<128xf32, #tpu.memory_space<hbm>> -> memref<16xf32, #tpu.memory_space<hbm>>
      %dma_start3A_30 = arith.constant 0 : i32
      %dma_start3A_31 = tpu.memref_slice %arg5[%dma_start3A_30] : memref<128xf32, #tpu.memory_space<hbm>> -> memref<16xf32, #tpu.memory_space<hbm>>
      tpu.enqueue_dma source(%dma_start3A_31 : memref<16xf32, #tpu.memory_space<hbm>>) target(%arg12 : memref<16xf32, #tpu.memory_space<vmem>>) target_semaphore(%run_scoped3A_28 : memref<!tpu.dma_semaphore, #tpu.memory_space<semaphore_mem>>)
      %dma_wait3A = arith.constant 0 : i32
      %dma_wait3A_32 = tpu.memref_slice %arg5[%dma_wait3A] : memref<128xf32, #tpu.memory_space<hbm>> -> memref<16xf32, #tpu.memory_space<hbm>>
      %dma_wait3A_33 = arith.constant 0 : i32
      %dma_wait3A_34 = tpu.memref_slice %arg5[%dma_wait3A_33] : memref<128xf32, #tpu.memory_space<hbm>> -> memref<16xf32, #tpu.memory_space<hbm>>
      tpu.wait_dma2 semaphore(%run_scoped3A_28 : memref<!tpu.dma_semaphore, #tpu.memory_space<semaphore_mem>>) src(%dma_wait3A_34 : memref<16xf32, #tpu.memory_space<hbm>>) dst(%arg12 : memref<16xf32, #tpu.memory_space<vmem>>)
      tpu.yield
    }) : () -> ()
    %barrier3A = arith.constant 0 : index
    tpu.barrier barrier_id(%barrier3A)
    %mul3A_9 = arith.constant 10000 : i32
    %mul3A_10 = arith.muli %add3A, %mul3A_9 : i32
    %scan3A = arith.constant 0 : i32
    %scan3A_11 = arith.constant 0 : i32
    %scan3A_12 = arith.constant 78 : i32
    %scan3A_13 = arith.addi %scan3A_11, %scan3A_12 : i32
    %scan3A_14 = arith.constant 1 : i32
    scf.for %scan3A_28 = %scan3A_11 to %scan3A_13 step %scan3A_14  : i32 {
      %mul3A_29 = arith.constant 128 : i32
      %mul3A_30 = arith.muli %scan3A_28, %mul3A_29 : i32
      %add3A_31 = arith.addi %mul3A_10, %mul3A_30 : i32
      "tpu.region"() ({
        %run_scoped3A_32 = tpu.sem_alloc : memref<!tpu.dma_semaphore, #tpu.memory_space<semaphore_mem>>
        %dma_start3A = tpu.memref_slice %arg2[%add3A_31] : memref<320000xi32, #tpu.memory_space<hbm>> -> memref<128xi32, #tpu.memory_space<hbm>>
        %dma_start3A_33 = tpu.memref_slice %arg2[%add3A_31] : memref<320000xi32, #tpu.memory_space<hbm>> -> memref<128xi32, #tpu.memory_space<hbm>>
        tpu.enqueue_dma source(%dma_start3A_33 : memref<128xi32, #tpu.memory_space<hbm>>) target(%arg7 : memref<128xi32, #tpu.memory_space<vmem>>) target_semaphore(%run_scoped3A_32 : memref<!tpu.dma_semaphore, #tpu.memory_space<semaphore_mem>>)
        %dma_wait3A = tpu.memref_slice %arg2[%add3A_31] : memref<320000xi32, #tpu.memory_space<hbm>> -> memref<128xi32, #tpu.memory_space<hbm>>
        %dma_wait3A_34 = tpu.memref_slice %arg2[%add3A_31] : memref<320000xi32, #tpu.memory_space<hbm>> -> memref<128xi32, #tpu.memory_space<hbm>>
        tpu.wait_dma2 semaphore(%run_scoped3A_32 : memref<!tpu.dma_semaphore, #tpu.memory_space<semaphore_mem>>) src(%dma_wait3A_34 : memref<128xi32, #tpu.memory_space<hbm>>) dst(%arg7 : memref<128xi32, #tpu.memory_space<vmem>>)
        tpu.yield
      }) : () -> ()
      "tpu.region"() ({
        %run_scoped3A_32 = tpu.sem_alloc : memref<!tpu.dma_semaphore, #tpu.memory_space<semaphore_mem>>
        %dma_start3A = tpu.memref_slice %arg3[%add3A_31] : memref<320000xi32, #tpu.memory_space<hbm>> -> memref<128xi32, #tpu.memory_space<hbm>>
        %dma_start3A_33 = tpu.memref_slice %arg3[%add3A_31] : memref<320000xi32, #tpu.memory_space<hbm>> -> memref<128xi32, #tpu.memory_space<hbm>>
        tpu.enqueue_dma source(%dma_start3A_33 : memref<128xi32, #tpu.memory_space<hbm>>) target(%arg8 : memref<128xi32, #tpu.memory_space<vmem>>) target_semaphore(%run_scoped3A_32 : memref<!tpu.dma_semaphore, #tpu.memory_space<semaphore_mem>>)
        %dma_wait3A = tpu.memref_slice %arg3[%add3A_31] : memref<320000xi32, #tpu.memory_space<hbm>> -> memref<128xi32, #tpu.memory_space<hbm>>
        %dma_wait3A_34 = tpu.memref_slice %arg3[%add3A_31] : memref<320000xi32, #tpu.memory_space<hbm>> -> memref<128xi32, #tpu.memory_space<hbm>>
        tpu.wait_dma2 semaphore(%run_scoped3A_32 : memref<!tpu.dma_semaphore, #tpu.memory_space<semaphore_mem>>) src(%dma_wait3A_34 : memref<128xi32, #tpu.memory_space<hbm>>) dst(%arg8 : memref<128xi32, #tpu.memory_space<vmem>>)
        tpu.yield
      }) : () -> ()
      "tpu.region"() ({
        %run_scoped3A_32 = tpu.sem_alloc : memref<!tpu.dma_semaphore, #tpu.memory_space<semaphore_mem>>
        %dma_start3A = arith.constant 0 : i32
        %dma_start3A_33 = tpu.memref_slice %arg13[%dma_start3A] : memref<10240xf32, #tpu.memory_space<vmem_shared>> -> memref<10240xf32, #tpu.memory_space<vmem_shared>>
        tpu.enqueue_indirect_dma source(%arg9 : memref<128xf32, #tpu.memory_space<vmem>>) target(%dma_start3A_33 : memref<10240xf32, #tpu.memory_space<vmem_shared>>) offsets(%arg7 : memref<128xi32, #tpu.memory_space<vmem>>) semaphore(%run_scoped3A_32 : memref<!tpu.dma_semaphore, #tpu.memory_space<semaphore_mem>>) {add = true}
        %dma_wait3A = arith.constant 0 : i32
        %dma_wait3A_34 = tpu.memref_slice %arg13[%dma_wait3A] : memref<10240xf32, #tpu.memory_space<vmem_shared>> -> memref<10240xf32, #tpu.memory_space<vmem_shared>>
        tpu.wait_indirect_dma semaphore(%run_scoped3A_32 : memref<!tpu.dma_semaphore, #tpu.memory_space<semaphore_mem>>) src(%arg9 : memref<128xf32, #tpu.memory_space<vmem>>) dst(%dma_wait3A_34 : memref<10240xf32, #tpu.memory_space<vmem_shared>>)
        tpu.yield
      }) : () -> ()
      "tpu.region"() ({
        %run_scoped3A_32 = tpu.sem_alloc : memref<!tpu.dma_semaphore, #tpu.memory_space<semaphore_mem>>
        %dma_start3A = arith.constant 0 : i32
        %dma_start3A_33 = tpu.memref_slice %arg14[%dma_start3A] : memref<10240xf32, #tpu.memory_space<vmem_shared>> -> memref<10240xf32, #tpu.memory_space<vmem_shared>>
        tpu.enqueue_indirect_dma source(%arg9 : memref<128xf32, #tpu.memory_space<vmem>>) target(%dma_start3A_33 : memref<10240xf32, #tpu.memory_space<vmem_shared>>) offsets(%arg8 : memref<128xi32, #tpu.memory_space<vmem>>) semaphore(%run_scoped3A_32 : memref<!tpu.dma_semaphore, #tpu.memory_space<semaphore_mem>>) {add = true}
        %dma_wait3A = arith.constant 0 : i32
        %dma_wait3A_34 = tpu.memref_slice %arg14[%dma_wait3A] : memref<10240xf32, #tpu.memory_space<vmem_shared>> -> memref<10240xf32, #tpu.memory_space<vmem_shared>>
        tpu.wait_indirect_dma semaphore(%run_scoped3A_32 : memref<!tpu.dma_semaphore, #tpu.memory_space<semaphore_mem>>) src(%arg9 : memref<128xf32, #tpu.memory_space<vmem>>) dst(%dma_wait3A_34 : memref<10240xf32, #tpu.memory_space<vmem_shared>>)
        tpu.yield
      }) : () -> ()
    }
    %scan3A_15 = arith.constant 78 : i32
    %add3A_16 = arith.constant 9984 : i32
    %add3A_17 = arith.addi %mul3A_10, %add3A_16 : i32
    "tpu.region"() ({
      %run_scoped3A_28 = tpu.sem_alloc : memref<!tpu.dma_semaphore, #tpu.memory_space<semaphore_mem>>
      %dma_start3A = tpu.memref_slice %arg2[%add3A_17] : memref<320000xi32, #tpu.memory_space<hbm>> -> memref<16xi32, #tpu.memory_space<hbm>>
      %dma_start3A_29 = tpu.memref_slice %arg2[%add3A_17] : memref<320000xi32, #tpu.memory_space<hbm>> -> memref<16xi32, #tpu.memory_space<hbm>>
      tpu.enqueue_dma source(%dma_start3A_29 : memref<16xi32, #tpu.memory_space<hbm>>) target(%arg10 : memref<16xi32, #tpu.memory_space<vmem>>) target_semaphore(%run_scoped3A_28 : memref<!tpu.dma_semaphore, #tpu.memory_space<semaphore_mem>>)
      %dma_wait3A = tpu.memref_slice %arg2[%add3A_17] : memref<320000xi32, #tpu.memory_space<hbm>> -> memref<16xi32, #tpu.memory_space<hbm>>
      %dma_wait3A_30 = tpu.memref_slice %arg2[%add3A_17] : memref<320000xi32, #tpu.memory_space<hbm>> -> memref<16xi32, #tpu.memory_space<hbm>>
      tpu.wait_dma2 semaphore(%run_scoped3A_28 : memref<!tpu.dma_semaphore, #tpu.memory_space<semaphore_mem>>) src(%dma_wait3A_30 : memref<16xi32, #tpu.memory_space<hbm>>) dst(%arg10 : memref<16xi32, #tpu.memory_space<vmem>>)
      tpu.yield
    }) : () -> ()
    "tpu.region"() ({
      %run_scoped3A_28 = tpu.sem_alloc : memref<!tpu.dma_semaphore, #tpu.memory_space<semaphore_mem>>
      %dma_start3A = tpu.memref_slice %arg3[%add3A_17] : memref<320000xi32, #tpu.memory_space<hbm>> -> memref<16xi32, #tpu.memory_space<hbm>>
      %dma_start3A_29 = tpu.memref_slice %arg3[%add3A_17] : memref<320000xi32, #tpu.memory_space<hbm>> -> memref<16xi32, #tpu.memory_space<hbm>>
      tpu.enqueue_dma source(%dma_start3A_29 : memref<16xi32, #tpu.memory_space<hbm>>) target(%arg11 : memref<16xi32, #tpu.memory_space<vmem>>) target_semaphore(%run_scoped3A_28 : memref<!tpu.dma_semaphore, #tpu.memory_space<semaphore_mem>>)
      %dma_wait3A = tpu.memref_slice %arg3[%add3A_17] : memref<320000xi32, #tpu.memory_space<hbm>> -> memref<16xi32, #tpu.memory_space<hbm>>
      %dma_wait3A_30 = tpu.memref_slice %arg3[%add3A_17] : memref<320000xi32, #tpu.memory_space<hbm>> -> memref<16xi32, #tpu.memory_space<hbm>>
      tpu.wait_dma2 semaphore(%run_scoped3A_28 : memref<!tpu.dma_semaphore, #tpu.memory_space<semaphore_mem>>) src(%dma_wait3A_30 : memref<16xi32, #tpu.memory_space<hbm>>) dst(%arg11 : memref<16xi32, #tpu.memory_space<vmem>>)
      tpu.yield
    }) : () -> ()
    "tpu.region"() ({
      %run_scoped3A_28 = tpu.sem_alloc : memref<!tpu.dma_semaphore, #tpu.memory_space<semaphore_mem>>
      %dma_start3A = arith.constant 0 : i32
      %dma_start3A_29 = tpu.memref_slice %arg13[%dma_start3A] : memref<10240xf32, #tpu.memory_space<vmem_shared>> -> memref<10240xf32, #tpu.memory_space<vmem_shared>>
      tpu.enqueue_indirect_dma source(%arg12 : memref<16xf32, #tpu.memory_space<vmem>>) target(%dma_start3A_29 : memref<10240xf32, #tpu.memory_space<vmem_shared>>) offsets(%arg10 : memref<16xi32, #tpu.memory_space<vmem>>) semaphore(%run_scoped3A_28 : memref<!tpu.dma_semaphore, #tpu.memory_space<semaphore_mem>>) {add = true}
      %dma_wait3A = arith.constant 0 : i32
      %dma_wait3A_30 = tpu.memref_slice %arg13[%dma_wait3A] : memref<10240xf32, #tpu.memory_space<vmem_shared>> -> memref<10240xf32, #tpu.memory_space<vmem_shared>>
      tpu.wait_indirect_dma semaphore(%run_scoped3A_28 : memref<!tpu.dma_semaphore, #tpu.memory_space<semaphore_mem>>) src(%arg12 : memref<16xf32, #tpu.memory_space<vmem>>) dst(%dma_wait3A_30 : memref<10240xf32, #tpu.memory_space<vmem_shared>>)
      tpu.yield
    }) : () -> ()
    "tpu.region"() ({
      %run_scoped3A_28 = tpu.sem_alloc : memref<!tpu.dma_semaphore, #tpu.memory_space<semaphore_mem>>
      %dma_start3A = arith.constant 0 : i32
      %dma_start3A_29 = tpu.memref_slice %arg14[%dma_start3A] : memref<10240xf32, #tpu.memory_space<vmem_shared>> -> memref<10240xf32, #tpu.memory_space<vmem_shared>>
      tpu.enqueue_indirect_dma source(%arg12 : memref<16xf32, #tpu.memory_space<vmem>>) target(%dma_start3A_29 : memref<10240xf32, #tpu.memory_space<vmem_shared>>) offsets(%arg11 : memref<16xi32, #tpu.memory_space<vmem>>) semaphore(%run_scoped3A_28 : memref<!tpu.dma_semaphore, #tpu.memory_space<semaphore_mem>>) {add = true}
      %dma_wait3A = arith.constant 0 : i32
      %dma_wait3A_30 = tpu.memref_slice %arg14[%dma_wait3A] : memref<10240xf32, #tpu.memory_space<vmem_shared>> -> memref<10240xf32, #tpu.memory_space<vmem_shared>>
      tpu.wait_indirect_dma semaphore(%run_scoped3A_28 : memref<!tpu.dma_semaphore, #tpu.memory_space<semaphore_mem>>) src(%arg12 : memref<16xf32, #tpu.memory_space<vmem>>) dst(%dma_wait3A_30 : memref<10240xf32, #tpu.memory_space<vmem_shared>>)
      tpu.yield
    }) : () -> ()
    %barrier3A_18 = arith.constant 0 : index
    tpu.barrier barrier_id(%barrier3A_18)
    %mul3A_19 = arith.constant 640 : i32
    %mul3A_20 = arith.muli %arg1, %mul3A_19 : i32
    %mul3A_21 = arith.constant 640 : i32
    %mul3A_22 = arith.muli %arg1, %mul3A_21 : i32
    %run_scoped3A = arith.constant 0 : i32
    "tpu.region"() ({
      %run_scoped3A_28 = tpu.sem_alloc : memref<!tpu.dma_semaphore, #tpu.memory_space<semaphore_mem>>
      %dma_start3A = tpu.memref_slice %arg6[%arg0, %run_scoped3A, %mul3A_22] : memref<2x2x10240xf32, #tpu.memory_space<hbm>> -> memref<1x1x640xf32, #tpu.memory_space<hbm>>
      %dma_start3A_29 = tpu.memref_squeeze %dma_start3A : memref<1x1x640xf32, #tpu.memory_space<hbm>> -> memref<640xf32, #tpu.memory_space<hbm>>
      %dma_start3A_30 = tpu.memref_slice %arg13[%mul3A_20] : memref<10240xf32, #tpu.memory_space<vmem_shared>> -> memref<640xf32, #tpu.memory_space<vmem_shared>>
      tpu.enqueue_dma source(%dma_start3A_30 : memref<640xf32, #tpu.memory_space<vmem_shared>>) target(%dma_start3A_29 : memref<640xf32, #tpu.memory_space<hbm>>) target_semaphore(%run_scoped3A_28 : memref<!tpu.dma_semaphore, #tpu.memory_space<semaphore_mem>>)
      %dma_wait3A = tpu.memref_slice %arg6[%arg0, %run_scoped3A, %mul3A_22] : memref<2x2x10240xf32, #tpu.memory_space<hbm>> -> memref<1x1x640xf32, #tpu.memory_space<hbm>>
      %dma_wait3A_31 = tpu.memref_squeeze %dma_wait3A : memref<1x1x640xf32, #tpu.memory_space<hbm>> -> memref<640xf32, #tpu.memory_space<hbm>>
      %dma_wait3A_32 = tpu.memref_slice %arg13[%mul3A_20] : memref<10240xf32, #tpu.memory_space<vmem_shared>> -> memref<640xf32, #tpu.memory_space<vmem_shared>>
      tpu.wait_dma2 semaphore(%run_scoped3A_28 : memref<!tpu.dma_semaphore, #tpu.memory_space<semaphore_mem>>) src(%dma_wait3A_32 : memref<640xf32, #tpu.memory_space<vmem_shared>>) dst(%dma_wait3A_31 : memref<640xf32, #tpu.memory_space<hbm>>)
      tpu.yield
    }) : () -> ()
    %mul3A_23 = arith.constant 640 : i32
    %mul3A_24 = arith.muli %arg1, %mul3A_23 : i32
    %mul3A_25 = arith.constant 640 : i32
    %mul3A_26 = arith.muli %arg1, %mul3A_25 : i32
    %run_scoped3A_27 = arith.constant 1 : i32
    "tpu.region"() ({
      %run_scoped3A_28 = tpu.sem_alloc : memref<!tpu.dma_semaphore, #tpu.memory_space<semaphore_mem>>
      %dma_start3A = tpu.memref_slice %arg6[%arg0, %run_scoped3A_27, %mul3A_26] : memref<2x2x10240xf32, #tpu.memory_space<hbm>> -> memref<1x1x640xf32, #tpu.memory_space<hbm>>
      %dma_start3A_29 = tpu.memref_squeeze %dma_start3A : memref<1x1x640xf32, #tpu.memory_space<hbm>> -> memref<640xf32, #tpu.memory_space<hbm>>
      %dma_start3A_30 = tpu.memref_slice %arg14[%mul3A_24] : memref<10240xf32, #tpu.memory_space<vmem_shared>> -> memref<640xf32, #tpu.memory_space<vmem_shared>>
      tpu.enqueue_dma source(%dma_start3A_30 : memref<640xf32, #tpu.memory_space<vmem_shared>>) target(%dma_start3A_29 : memref<640xf32, #tpu.memory_space<hbm>>) target_semaphore(%run_scoped3A_28 : memref<!tpu.dma_semaphore, #tpu.memory_space<semaphore_mem>>)
      %dma_wait3A = tpu.memref_slice %arg6[%arg0, %run_scoped3A_27, %mul3A_26] : memref<2x2x10240xf32, #tpu.memory_space<hbm>> -> memref<1x1x640xf32, #tpu.memory_space<hbm>>
      %dma_wait3A_31 = tpu.memref_squeeze %dma_wait3A : memref<1x1x640xf32, #tpu.memory_space<hbm>> -> memref<640xf32, #tpu.memory_space<hbm>>
      %dma_wait3A_32 = tpu.memref_slice %arg14[%mul3A_24] : memref<10240xf32, #tpu.memory_space<vmem_shared>> -> memref<640xf32, #tpu.memory_space<vmem_shared>>
      tpu.wait_dma2 semaphore(%run_scoped3A_28 : memref<!tpu.dma_semaphore, #tpu.memory_space<semaphore_mem>>) src(%dma_wait3A_32 : memref<640xf32, #tpu.memory_space<vmem_shared>>) dst(%dma_wait3A_31 : memref<640xf32, #tpu.memory_space<hbm>>)
      tpu.yield
    }) : () -> ()
    return
  }
}

#map = affine_map<(d0, d1) -> (0, 0)>
#map1 = affine_map<(d0, d1) -> (0)>
#map2 = affine_map<(d0, d1) -> (0, 0, 0)>
module attributes {stable_mosaic.version = 14 : i64} {
  func.func @_agg_body(%arg0: i32, %arg1: i32, %arg2: memref<10000x128xf32, #tpu.memory_space<hbm>>, %arg3: memref<320000xi32, #tpu.memory_space<hbm>>, %arg4: memref<320000xi32, #tpu.memory_space<hbm>>, %arg5: memref<10240x128xf32, #tpu.memory_space<hbm>>, %arg6: memref<2x10240x128xf32, #tpu.memory_space<hbm>>, %arg7: memref<128xi32, #tpu.memory_space<vmem>>, %arg8: memref<128xi32, #tpu.memory_space<vmem>>, %arg9: memref<16xi32, #tpu.memory_space<vmem>>, %arg10: memref<16xi32, #tpu.memory_space<vmem>>, %arg11: memref<128x128xf32, #tpu.memory_space<vmem>>, %arg12: memref<16x128xf32, #tpu.memory_space<vmem>>, %arg13: memref<10240x128xf32, #tpu.memory_space<vmem_shared>>, %arg14: memref<!tpu.dma_semaphore, #tpu.memory_space<semaphore_mem>>) attributes {dimension_semantics = [#tpu.dimension_semantics<core_parallel>, #tpu.dimension_semantics<subcore_parallel>], iteration_bounds = array<i64: 2, 16>, scalar_prefetch = 0 : i64, scratch_operands = 8 : i64, tpu.core_type = #tpu.core_type<sc_vector_subcore>, window_params = [{transform_indices = #map}, {transform_indices = #map1}, {transform_indices = #map1}, {transform_indices = #map}, {transform_indices = #map2}]} {
    %mul3A = arith.constant 2 : i32
    %mul3A_0 = arith.muli %arg1, %mul3A : i32
    %add3A = arith.addi %mul3A_0, %arg0 : i32
    %mul3A_1 = arith.constant 640 : i32
    %mul3A_2 = arith.muli %arg1, %mul3A_1 : i32
    %mul3A_3 = arith.constant 640 : i32
    %mul3A_4 = arith.muli %arg1, %mul3A_3 : i32
    "tpu.region"() ({
      %run_scoped3A = tpu.sem_alloc : memref<!tpu.dma_semaphore, #tpu.memory_space<semaphore_mem>>
      %dma_start3A_23 = arith.constant 0 : i32
      %dma_start3A_24 = tpu.memref_slice %arg13[%mul3A_4, %dma_start3A_23] : memref<10240x128xf32, #tpu.memory_space<vmem_shared>> -> memref<640x128xf32, #tpu.memory_space<vmem_shared>>
      %dma_start3A_25 = arith.constant 0 : i32
      %dma_start3A_26 = tpu.memref_slice %arg5[%mul3A_2, %dma_start3A_25] : memref<10240x128xf32, #tpu.memory_space<hbm>> -> memref<640x128xf32, #tpu.memory_space<hbm>>
      tpu.enqueue_dma source(%dma_start3A_26 : memref<640x128xf32, #tpu.memory_space<hbm>>) target(%dma_start3A_24 : memref<640x128xf32, #tpu.memory_space<vmem_shared>>) target_semaphore(%run_scoped3A : memref<!tpu.dma_semaphore, #tpu.memory_space<semaphore_mem>>)
      %dma_wait3A_27 = arith.constant 0 : i32
      %dma_wait3A_28 = tpu.memref_slice %arg13[%mul3A_4, %dma_wait3A_27] : memref<10240x128xf32, #tpu.memory_space<vmem_shared>> -> memref<640x128xf32, #tpu.memory_space<vmem_shared>>
      %dma_wait3A_29 = arith.constant 0 : i32
      %dma_wait3A_30 = tpu.memref_slice %arg5[%mul3A_2, %dma_wait3A_29] : memref<10240x128xf32, #tpu.memory_space<hbm>> -> memref<640x128xf32, #tpu.memory_space<hbm>>
      tpu.wait_dma2 semaphore(%run_scoped3A : memref<!tpu.dma_semaphore, #tpu.memory_space<semaphore_mem>>) src(%dma_wait3A_30 : memref<640x128xf32, #tpu.memory_space<hbm>>) dst(%dma_wait3A_28 : memref<640x128xf32, #tpu.memory_space<vmem_shared>>)
      tpu.yield
    }) : () -> ()
    %barrier3A = arith.constant 0 : index
    tpu.barrier barrier_id(%barrier3A)
    %mul3A_5 = arith.constant 10000 : i32
    %mul3A_6 = arith.muli %add3A, %mul3A_5 : i32
    %scan3A = arith.constant 0 : i32
    %scan3A_7 = arith.constant 0 : i32
    %scan3A_8 = arith.constant 78 : i32
    %scan3A_9 = arith.addi %scan3A_7, %scan3A_8 : i32
    %scan3A_10 = arith.constant 1 : i32
    scf.for %scan3A_23 = %scan3A_7 to %scan3A_9 step %scan3A_10  : i32 {
      %mul3A_24 = arith.constant 128 : i32
      %mul3A_25 = arith.muli %scan3A_23, %mul3A_24 : i32
      %add3A_26 = arith.addi %mul3A_6, %mul3A_25 : i32
      "tpu.region"() ({
        %run_scoped3A = tpu.sem_alloc : memref<!tpu.dma_semaphore, #tpu.memory_space<semaphore_mem>>
        %dma_start3A_33 = tpu.memref_slice %arg3[%add3A_26] : memref<320000xi32, #tpu.memory_space<hbm>> -> memref<128xi32, #tpu.memory_space<hbm>>
        %dma_start3A_34 = tpu.memref_slice %arg3[%add3A_26] : memref<320000xi32, #tpu.memory_space<hbm>> -> memref<128xi32, #tpu.memory_space<hbm>>
        tpu.enqueue_dma source(%dma_start3A_34 : memref<128xi32, #tpu.memory_space<hbm>>) target(%arg7 : memref<128xi32, #tpu.memory_space<vmem>>) target_semaphore(%run_scoped3A : memref<!tpu.dma_semaphore, #tpu.memory_space<semaphore_mem>>)
        %dma_wait3A_35 = tpu.memref_slice %arg3[%add3A_26] : memref<320000xi32, #tpu.memory_space<hbm>> -> memref<128xi32, #tpu.memory_space<hbm>>
        %dma_wait3A_36 = tpu.memref_slice %arg3[%add3A_26] : memref<320000xi32, #tpu.memory_space<hbm>> -> memref<128xi32, #tpu.memory_space<hbm>>
        tpu.wait_dma2 semaphore(%run_scoped3A : memref<!tpu.dma_semaphore, #tpu.memory_space<semaphore_mem>>) src(%dma_wait3A_36 : memref<128xi32, #tpu.memory_space<hbm>>) dst(%arg7 : memref<128xi32, #tpu.memory_space<vmem>>)
        tpu.yield
      }) : () -> ()
      "tpu.region"() ({
        %run_scoped3A = tpu.sem_alloc : memref<!tpu.dma_semaphore, #tpu.memory_space<semaphore_mem>>
        %dma_start3A_33 = tpu.memref_slice %arg4[%add3A_26] : memref<320000xi32, #tpu.memory_space<hbm>> -> memref<128xi32, #tpu.memory_space<hbm>>
        %dma_start3A_34 = tpu.memref_slice %arg4[%add3A_26] : memref<320000xi32, #tpu.memory_space<hbm>> -> memref<128xi32, #tpu.memory_space<hbm>>
        tpu.enqueue_dma source(%dma_start3A_34 : memref<128xi32, #tpu.memory_space<hbm>>) target(%arg8 : memref<128xi32, #tpu.memory_space<vmem>>) target_semaphore(%run_scoped3A : memref<!tpu.dma_semaphore, #tpu.memory_space<semaphore_mem>>)
        %dma_wait3A_35 = tpu.memref_slice %arg4[%add3A_26] : memref<320000xi32, #tpu.memory_space<hbm>> -> memref<128xi32, #tpu.memory_space<hbm>>
        %dma_wait3A_36 = tpu.memref_slice %arg4[%add3A_26] : memref<320000xi32, #tpu.memory_space<hbm>> -> memref<128xi32, #tpu.memory_space<hbm>>
        tpu.wait_dma2 semaphore(%run_scoped3A : memref<!tpu.dma_semaphore, #tpu.memory_space<semaphore_mem>>) src(%dma_wait3A_36 : memref<128xi32, #tpu.memory_space<hbm>>) dst(%arg8 : memref<128xi32, #tpu.memory_space<vmem>>)
        tpu.yield
      }) : () -> ()
      %dma_start3A_27 = arith.constant 0 : i32
      %dma_start3A_28 = arith.constant 0 : i32
      %dma_start3A_29 = tpu.memref_slice %arg2[%dma_start3A_27, %dma_start3A_28] : memref<10000x128xf32, #tpu.memory_space<hbm>> -> memref<10000x128xf32, #tpu.memory_space<hbm>>
      tpu.enqueue_indirect_dma source(%dma_start3A_29 : memref<10000x128xf32, #tpu.memory_space<hbm>>) target(%arg11 : memref<128x128xf32, #tpu.memory_space<vmem>>) offsets(%arg7 : memref<128xi32, #tpu.memory_space<vmem>>) semaphore(%arg14 : memref<!tpu.dma_semaphore, #tpu.memory_space<semaphore_mem>>)
      %dma_wait3A_30 = arith.constant 0 : i32
      %dma_wait3A_31 = arith.constant 0 : i32
      %dma_wait3A_32 = tpu.memref_slice %arg2[%dma_wait3A_30, %dma_wait3A_31] : memref<10000x128xf32, #tpu.memory_space<hbm>> -> memref<10000x128xf32, #tpu.memory_space<hbm>>
      tpu.wait_indirect_dma semaphore(%arg14 : memref<!tpu.dma_semaphore, #tpu.memory_space<semaphore_mem>>) src(%dma_wait3A_32 : memref<10000x128xf32, #tpu.memory_space<hbm>>) dst(%arg11 : memref<128x128xf32, #tpu.memory_space<vmem>>)
      "tpu.region"() ({
        %run_scoped3A = tpu.sem_alloc : memref<!tpu.dma_semaphore, #tpu.memory_space<semaphore_mem>>
        %dma_start3A_33 = arith.constant 0 : i32
        %dma_start3A_34 = arith.constant 0 : i32
        %dma_start3A_35 = tpu.memref_slice %arg13[%dma_start3A_33, %dma_start3A_34] : memref<10240x128xf32, #tpu.memory_space<vmem_shared>> -> memref<10240x128xf32, #tpu.memory_space<vmem_shared>>
        tpu.enqueue_indirect_dma source(%arg11 : memref<128x128xf32, #tpu.memory_space<vmem>>) target(%dma_start3A_35 : memref<10240x128xf32, #tpu.memory_space<vmem_shared>>) offsets(%arg8 : memref<128xi32, #tpu.memory_space<vmem>>) semaphore(%run_scoped3A : memref<!tpu.dma_semaphore, #tpu.memory_space<semaphore_mem>>) {add = true}
        %dma_wait3A_36 = arith.constant 0 : i32
        %dma_wait3A_37 = arith.constant 0 : i32
        %dma_wait3A_38 = tpu.memref_slice %arg13[%dma_wait3A_36, %dma_wait3A_37] : memref<10240x128xf32, #tpu.memory_space<vmem_shared>> -> memref<10240x128xf32, #tpu.memory_space<vmem_shared>>
        tpu.wait_indirect_dma semaphore(%run_scoped3A : memref<!tpu.dma_semaphore, #tpu.memory_space<semaphore_mem>>) src(%arg11 : memref<128x128xf32, #tpu.memory_space<vmem>>) dst(%dma_wait3A_38 : memref<10240x128xf32, #tpu.memory_space<vmem_shared>>)
        tpu.yield
      }) : () -> ()
    }
    %scan3A_11 = arith.constant 78 : i32
    %add3A_12 = arith.constant 9984 : i32
    %add3A_13 = arith.addi %mul3A_6, %add3A_12 : i32
    "tpu.region"() ({
      %run_scoped3A = tpu.sem_alloc : memref<!tpu.dma_semaphore, #tpu.memory_space<semaphore_mem>>
      %dma_start3A_23 = tpu.memref_slice %arg3[%add3A_13] : memref<320000xi32, #tpu.memory_space<hbm>> -> memref<16xi32, #tpu.memory_space<hbm>>
      %dma_start3A_24 = tpu.memref_slice %arg3[%add3A_13] : memref<320000xi32, #tpu.memory_space<hbm>> -> memref<16xi32, #tpu.memory_space<hbm>>
      tpu.enqueue_dma source(%dma_start3A_24 : memref<16xi32, #tpu.memory_space<hbm>>) target(%arg9 : memref<16xi32, #tpu.memory_space<vmem>>) target_semaphore(%run_scoped3A : memref<!tpu.dma_semaphore, #tpu.memory_space<semaphore_mem>>)
      %dma_wait3A_25 = tpu.memref_slice %arg3[%add3A_13] : memref<320000xi32, #tpu.memory_space<hbm>> -> memref<16xi32, #tpu.memory_space<hbm>>
      %dma_wait3A_26 = tpu.memref_slice %arg3[%add3A_13] : memref<320000xi32, #tpu.memory_space<hbm>> -> memref<16xi32, #tpu.memory_space<hbm>>
      tpu.wait_dma2 semaphore(%run_scoped3A : memref<!tpu.dma_semaphore, #tpu.memory_space<semaphore_mem>>) src(%dma_wait3A_26 : memref<16xi32, #tpu.memory_space<hbm>>) dst(%arg9 : memref<16xi32, #tpu.memory_space<vmem>>)
      tpu.yield
    }) : () -> ()
    "tpu.region"() ({
      %run_scoped3A = tpu.sem_alloc : memref<!tpu.dma_semaphore, #tpu.memory_space<semaphore_mem>>
      %dma_start3A_23 = tpu.memref_slice %arg4[%add3A_13] : memref<320000xi32, #tpu.memory_space<hbm>> -> memref<16xi32, #tpu.memory_space<hbm>>
      %dma_start3A_24 = tpu.memref_slice %arg4[%add3A_13] : memref<320000xi32, #tpu.memory_space<hbm>> -> memref<16xi32, #tpu.memory_space<hbm>>
      tpu.enqueue_dma source(%dma_start3A_24 : memref<16xi32, #tpu.memory_space<hbm>>) target(%arg10 : memref<16xi32, #tpu.memory_space<vmem>>) target_semaphore(%run_scoped3A : memref<!tpu.dma_semaphore, #tpu.memory_space<semaphore_mem>>)
      %dma_wait3A_25 = tpu.memref_slice %arg4[%add3A_13] : memref<320000xi32, #tpu.memory_space<hbm>> -> memref<16xi32, #tpu.memory_space<hbm>>
      %dma_wait3A_26 = tpu.memref_slice %arg4[%add3A_13] : memref<320000xi32, #tpu.memory_space<hbm>> -> memref<16xi32, #tpu.memory_space<hbm>>
      tpu.wait_dma2 semaphore(%run_scoped3A : memref<!tpu.dma_semaphore, #tpu.memory_space<semaphore_mem>>) src(%dma_wait3A_26 : memref<16xi32, #tpu.memory_space<hbm>>) dst(%arg10 : memref<16xi32, #tpu.memory_space<vmem>>)
      tpu.yield
    }) : () -> ()
    %dma_start3A = arith.constant 0 : i32
    %dma_start3A_14 = arith.constant 0 : i32
    %dma_start3A_15 = tpu.memref_slice %arg2[%dma_start3A, %dma_start3A_14] : memref<10000x128xf32, #tpu.memory_space<hbm>> -> memref<10000x128xf32, #tpu.memory_space<hbm>>
    tpu.enqueue_indirect_dma source(%dma_start3A_15 : memref<10000x128xf32, #tpu.memory_space<hbm>>) target(%arg12 : memref<16x128xf32, #tpu.memory_space<vmem>>) offsets(%arg9 : memref<16xi32, #tpu.memory_space<vmem>>) semaphore(%arg14 : memref<!tpu.dma_semaphore, #tpu.memory_space<semaphore_mem>>)
    %dma_wait3A = arith.constant 0 : i32
    %dma_wait3A_16 = arith.constant 0 : i32
    %dma_wait3A_17 = tpu.memref_slice %arg2[%dma_wait3A, %dma_wait3A_16] : memref<10000x128xf32, #tpu.memory_space<hbm>> -> memref<10000x128xf32, #tpu.memory_space<hbm>>
    tpu.wait_indirect_dma semaphore(%arg14 : memref<!tpu.dma_semaphore, #tpu.memory_space<semaphore_mem>>) src(%dma_wait3A_17 : memref<10000x128xf32, #tpu.memory_space<hbm>>) dst(%arg12 : memref<16x128xf32, #tpu.memory_space<vmem>>)
    "tpu.region"() ({
      %run_scoped3A = tpu.sem_alloc : memref<!tpu.dma_semaphore, #tpu.memory_space<semaphore_mem>>
      %dma_start3A_23 = arith.constant 0 : i32
      %dma_start3A_24 = arith.constant 0 : i32
      %dma_start3A_25 = tpu.memref_slice %arg13[%dma_start3A_23, %dma_start3A_24] : memref<10240x128xf32, #tpu.memory_space<vmem_shared>> -> memref<10240x128xf32, #tpu.memory_space<vmem_shared>>
      tpu.enqueue_indirect_dma source(%arg12 : memref<16x128xf32, #tpu.memory_space<vmem>>) target(%dma_start3A_25 : memref<10240x128xf32, #tpu.memory_space<vmem_shared>>) offsets(%arg10 : memref<16xi32, #tpu.memory_space<vmem>>) semaphore(%run_scoped3A : memref<!tpu.dma_semaphore, #tpu.memory_space<semaphore_mem>>) {add = true}
      %dma_wait3A_26 = arith.constant 0 : i32
      %dma_wait3A_27 = arith.constant 0 : i32
      %dma_wait3A_28 = tpu.memref_slice %arg13[%dma_wait3A_26, %dma_wait3A_27] : memref<10240x128xf32, #tpu.memory_space<vmem_shared>> -> memref<10240x128xf32, #tpu.memory_space<vmem_shared>>
      tpu.wait_indirect_dma semaphore(%run_scoped3A : memref<!tpu.dma_semaphore, #tpu.memory_space<semaphore_mem>>) src(%arg12 : memref<16x128xf32, #tpu.memory_space<vmem>>) dst(%dma_wait3A_28 : memref<10240x128xf32, #tpu.memory_space<vmem_shared>>)
      tpu.yield
    }) : () -> ()
    %barrier3A_18 = arith.constant 0 : index
    tpu.barrier barrier_id(%barrier3A_18)
    %mul3A_19 = arith.constant 640 : i32
    %mul3A_20 = arith.muli %arg1, %mul3A_19 : i32
    %mul3A_21 = arith.constant 640 : i32
    %mul3A_22 = arith.muli %arg1, %mul3A_21 : i32
    "tpu.region"() ({
      %run_scoped3A = tpu.sem_alloc : memref<!tpu.dma_semaphore, #tpu.memory_space<semaphore_mem>>
      %dma_start3A_23 = arith.constant 0 : i32
      %dma_start3A_24 = tpu.memref_slice %arg6[%arg0, %mul3A_22, %dma_start3A_23] : memref<2x10240x128xf32, #tpu.memory_space<hbm>> -> memref<1x640x128xf32, #tpu.memory_space<hbm>>
      %dma_start3A_25 = tpu.memref_squeeze %dma_start3A_24 : memref<1x640x128xf32, #tpu.memory_space<hbm>> -> memref<640x128xf32, #tpu.memory_space<hbm>>
      %dma_start3A_26 = arith.constant 0 : i32
      %dma_start3A_27 = tpu.memref_slice %arg13[%mul3A_20, %dma_start3A_26] : memref<10240x128xf32, #tpu.memory_space<vmem_shared>> -> memref<640x128xf32, #tpu.memory_space<vmem_shared>>
      tpu.enqueue_dma source(%dma_start3A_27 : memref<640x128xf32, #tpu.memory_space<vmem_shared>>) target(%dma_start3A_25 : memref<640x128xf32, #tpu.memory_space<hbm>>) target_semaphore(%run_scoped3A : memref<!tpu.dma_semaphore, #tpu.memory_space<semaphore_mem>>)
      %dma_wait3A_28 = arith.constant 0 : i32
      %dma_wait3A_29 = tpu.memref_slice %arg6[%arg0, %mul3A_22, %dma_wait3A_28] : memref<2x10240x128xf32, #tpu.memory_space<hbm>> -> memref<1x640x128xf32, #tpu.memory_space<hbm>>
      %dma_wait3A_30 = tpu.memref_squeeze %dma_wait3A_29 : memref<1x640x128xf32, #tpu.memory_space<hbm>> -> memref<640x128xf32, #tpu.memory_space<hbm>>
      %dma_wait3A_31 = arith.constant 0 : i32
      %dma_wait3A_32 = tpu.memref_slice %arg13[%mul3A_20, %dma_wait3A_31] : memref<10240x128xf32, #tpu.memory_space<vmem_shared>> -> memref<640x128xf32, #tpu.memory_space<vmem_shared>>
      tpu.wait_dma2 semaphore(%run_scoped3A : memref<!tpu.dma_semaphore, #tpu.memory_space<semaphore_mem>>) src(%dma_wait3A_32 : memref<640x128xf32, #tpu.memory_space<vmem_shared>>) dst(%dma_wait3A_30 : memref<640x128xf32, #tpu.memory_space<hbm>>)
      tpu.yield
    }) : () -> ()
    return
  }
}

#map = affine_map<(d0, d1) -> (0, 0)>
#map1 = affine_map<(d0, d1) -> (0)>
#map2 = affine_map<(d0, d1) -> (0, 0, 0)>
module attributes {stable_mosaic.version = 14 : i64} {
  func.func @_agg_body(%arg0: i32, %arg1: i32, %arg2: memref<10240x128xf32, #tpu.memory_space<hbm>>, %arg3: memref<320000xi32, #tpu.memory_space<hbm>>, %arg4: memref<320000xi32, #tpu.memory_space<hbm>>, %arg5: memref<10240x128xf32, #tpu.memory_space<hbm>>, %arg6: memref<2x10240x128xf32, #tpu.memory_space<hbm>>, %arg7: memref<128xi32, #tpu.memory_space<vmem>>, %arg8: memref<128xi32, #tpu.memory_space<vmem>>, %arg9: memref<16xi32, #tpu.memory_space<vmem>>, %arg10: memref<16xi32, #tpu.memory_space<vmem>>, %arg11: memref<128x128xf32, #tpu.memory_space<vmem>>, %arg12: memref<16x128xf32, #tpu.memory_space<vmem>>, %arg13: memref<10240x128xf32, #tpu.memory_space<vmem_shared>>, %arg14: memref<!tpu.dma_semaphore, #tpu.memory_space<semaphore_mem>>) attributes {dimension_semantics = [#tpu.dimension_semantics<core_parallel>, #tpu.dimension_semantics<subcore_parallel>], iteration_bounds = array<i64: 2, 16>, scalar_prefetch = 0 : i64, scratch_operands = 8 : i64, tpu.core_type = #tpu.core_type<sc_vector_subcore>, window_params = [{transform_indices = #map}, {transform_indices = #map1}, {transform_indices = #map1}, {transform_indices = #map}, {transform_indices = #map2}]} {
    %mul3A = arith.constant 2 : i32
    %mul3A_0 = arith.muli %arg1, %mul3A : i32
    %add3A = arith.addi %mul3A_0, %arg0 : i32
    %mul3A_1 = arith.constant 640 : i32
    %mul3A_2 = arith.muli %arg1, %mul3A_1 : i32
    %mul3A_3 = arith.constant 640 : i32
    %mul3A_4 = arith.muli %arg1, %mul3A_3 : i32
    "tpu.region"() ({
      %run_scoped3A = tpu.sem_alloc : memref<!tpu.dma_semaphore, #tpu.memory_space<semaphore_mem>>
      %dma_start3A_23 = arith.constant 0 : i32
      %dma_start3A_24 = tpu.memref_slice %arg13[%mul3A_4, %dma_start3A_23] : memref<10240x128xf32, #tpu.memory_space<vmem_shared>> -> memref<640x128xf32, #tpu.memory_space<vmem_shared>>
      %dma_start3A_25 = arith.constant 0 : i32
      %dma_start3A_26 = tpu.memref_slice %arg5[%mul3A_2, %dma_start3A_25] : memref<10240x128xf32, #tpu.memory_space<hbm>> -> memref<640x128xf32, #tpu.memory_space<hbm>>
      tpu.enqueue_dma source(%dma_start3A_26 : memref<640x128xf32, #tpu.memory_space<hbm>>) target(%dma_start3A_24 : memref<640x128xf32, #tpu.memory_space<vmem_shared>>) target_semaphore(%run_scoped3A : memref<!tpu.dma_semaphore, #tpu.memory_space<semaphore_mem>>)
      %dma_wait3A_27 = arith.constant 0 : i32
      %dma_wait3A_28 = tpu.memref_slice %arg13[%mul3A_4, %dma_wait3A_27] : memref<10240x128xf32, #tpu.memory_space<vmem_shared>> -> memref<640x128xf32, #tpu.memory_space<vmem_shared>>
      %dma_wait3A_29 = arith.constant 0 : i32
      %dma_wait3A_30 = tpu.memref_slice %arg5[%mul3A_2, %dma_wait3A_29] : memref<10240x128xf32, #tpu.memory_space<hbm>> -> memref<640x128xf32, #tpu.memory_space<hbm>>
      tpu.wait_dma2 semaphore(%run_scoped3A : memref<!tpu.dma_semaphore, #tpu.memory_space<semaphore_mem>>) src(%dma_wait3A_30 : memref<640x128xf32, #tpu.memory_space<hbm>>) dst(%dma_wait3A_28 : memref<640x128xf32, #tpu.memory_space<vmem_shared>>)
      tpu.yield
    }) : () -> ()
    %barrier3A = arith.constant 0 : index
    tpu.barrier barrier_id(%barrier3A)
    %mul3A_5 = arith.constant 10000 : i32
    %mul3A_6 = arith.muli %add3A, %mul3A_5 : i32
    %scan3A = arith.constant 0 : i32
    %scan3A_7 = arith.constant 0 : i32
    %scan3A_8 = arith.constant 78 : i32
    %scan3A_9 = arith.addi %scan3A_7, %scan3A_8 : i32
    %scan3A_10 = arith.constant 1 : i32
    scf.for %scan3A_23 = %scan3A_7 to %scan3A_9 step %scan3A_10  : i32 {
      %mul3A_24 = arith.constant 128 : i32
      %mul3A_25 = arith.muli %scan3A_23, %mul3A_24 : i32
      %add3A_26 = arith.addi %mul3A_6, %mul3A_25 : i32
      "tpu.region"() ({
        %run_scoped3A = tpu.sem_alloc : memref<!tpu.dma_semaphore, #tpu.memory_space<semaphore_mem>>
        %dma_start3A_33 = tpu.memref_slice %arg3[%add3A_26] : memref<320000xi32, #tpu.memory_space<hbm>> -> memref<128xi32, #tpu.memory_space<hbm>>
        %dma_start3A_34 = tpu.memref_slice %arg3[%add3A_26] : memref<320000xi32, #tpu.memory_space<hbm>> -> memref<128xi32, #tpu.memory_space<hbm>>
        tpu.enqueue_dma source(%dma_start3A_34 : memref<128xi32, #tpu.memory_space<hbm>>) target(%arg7 : memref<128xi32, #tpu.memory_space<vmem>>) target_semaphore(%run_scoped3A : memref<!tpu.dma_semaphore, #tpu.memory_space<semaphore_mem>>)
        %dma_wait3A_35 = tpu.memref_slice %arg3[%add3A_26] : memref<320000xi32, #tpu.memory_space<hbm>> -> memref<128xi32, #tpu.memory_space<hbm>>
        %dma_wait3A_36 = tpu.memref_slice %arg3[%add3A_26] : memref<320000xi32, #tpu.memory_space<hbm>> -> memref<128xi32, #tpu.memory_space<hbm>>
        tpu.wait_dma2 semaphore(%run_scoped3A : memref<!tpu.dma_semaphore, #tpu.memory_space<semaphore_mem>>) src(%dma_wait3A_36 : memref<128xi32, #tpu.memory_space<hbm>>) dst(%arg7 : memref<128xi32, #tpu.memory_space<vmem>>)
        tpu.yield
      }) : () -> ()
      "tpu.region"() ({
        %run_scoped3A = tpu.sem_alloc : memref<!tpu.dma_semaphore, #tpu.memory_space<semaphore_mem>>
        %dma_start3A_33 = tpu.memref_slice %arg4[%add3A_26] : memref<320000xi32, #tpu.memory_space<hbm>> -> memref<128xi32, #tpu.memory_space<hbm>>
        %dma_start3A_34 = tpu.memref_slice %arg4[%add3A_26] : memref<320000xi32, #tpu.memory_space<hbm>> -> memref<128xi32, #tpu.memory_space<hbm>>
        tpu.enqueue_dma source(%dma_start3A_34 : memref<128xi32, #tpu.memory_space<hbm>>) target(%arg8 : memref<128xi32, #tpu.memory_space<vmem>>) target_semaphore(%run_scoped3A : memref<!tpu.dma_semaphore, #tpu.memory_space<semaphore_mem>>)
        %dma_wait3A_35 = tpu.memref_slice %arg4[%add3A_26] : memref<320000xi32, #tpu.memory_space<hbm>> -> memref<128xi32, #tpu.memory_space<hbm>>
        %dma_wait3A_36 = tpu.memref_slice %arg4[%add3A_26] : memref<320000xi32, #tpu.memory_space<hbm>> -> memref<128xi32, #tpu.memory_space<hbm>>
        tpu.wait_dma2 semaphore(%run_scoped3A : memref<!tpu.dma_semaphore, #tpu.memory_space<semaphore_mem>>) src(%dma_wait3A_36 : memref<128xi32, #tpu.memory_space<hbm>>) dst(%arg8 : memref<128xi32, #tpu.memory_space<vmem>>)
        tpu.yield
      }) : () -> ()
      %dma_start3A_27 = arith.constant 0 : i32
      %dma_start3A_28 = arith.constant 0 : i32
      %dma_start3A_29 = tpu.memref_slice %arg2[%dma_start3A_27, %dma_start3A_28] : memref<10240x128xf32, #tpu.memory_space<hbm>> -> memref<10240x128xf32, #tpu.memory_space<hbm>>
      tpu.enqueue_indirect_dma source(%dma_start3A_29 : memref<10240x128xf32, #tpu.memory_space<hbm>>) target(%arg11 : memref<128x128xf32, #tpu.memory_space<vmem>>) offsets(%arg7 : memref<128xi32, #tpu.memory_space<vmem>>) semaphore(%arg14 : memref<!tpu.dma_semaphore, #tpu.memory_space<semaphore_mem>>)
      %dma_wait3A_30 = arith.constant 0 : i32
      %dma_wait3A_31 = arith.constant 0 : i32
      %dma_wait3A_32 = tpu.memref_slice %arg2[%dma_wait3A_30, %dma_wait3A_31] : memref<10240x128xf32, #tpu.memory_space<hbm>> -> memref<10240x128xf32, #tpu.memory_space<hbm>>
      tpu.wait_indirect_dma semaphore(%arg14 : memref<!tpu.dma_semaphore, #tpu.memory_space<semaphore_mem>>) src(%dma_wait3A_32 : memref<10240x128xf32, #tpu.memory_space<hbm>>) dst(%arg11 : memref<128x128xf32, #tpu.memory_space<vmem>>)
      "tpu.region"() ({
        %run_scoped3A = tpu.sem_alloc : memref<!tpu.dma_semaphore, #tpu.memory_space<semaphore_mem>>
        %dma_start3A_33 = arith.constant 0 : i32
        %dma_start3A_34 = arith.constant 0 : i32
        %dma_start3A_35 = tpu.memref_slice %arg13[%dma_start3A_33, %dma_start3A_34] : memref<10240x128xf32, #tpu.memory_space<vmem_shared>> -> memref<10240x128xf32, #tpu.memory_space<vmem_shared>>
        tpu.enqueue_indirect_dma source(%arg11 : memref<128x128xf32, #tpu.memory_space<vmem>>) target(%dma_start3A_35 : memref<10240x128xf32, #tpu.memory_space<vmem_shared>>) offsets(%arg8 : memref<128xi32, #tpu.memory_space<vmem>>) semaphore(%run_scoped3A : memref<!tpu.dma_semaphore, #tpu.memory_space<semaphore_mem>>) {add = true}
        %dma_wait3A_36 = arith.constant 0 : i32
        %dma_wait3A_37 = arith.constant 0 : i32
        %dma_wait3A_38 = tpu.memref_slice %arg13[%dma_wait3A_36, %dma_wait3A_37] : memref<10240x128xf32, #tpu.memory_space<vmem_shared>> -> memref<10240x128xf32, #tpu.memory_space<vmem_shared>>
        tpu.wait_indirect_dma semaphore(%run_scoped3A : memref<!tpu.dma_semaphore, #tpu.memory_space<semaphore_mem>>) src(%arg11 : memref<128x128xf32, #tpu.memory_space<vmem>>) dst(%dma_wait3A_38 : memref<10240x128xf32, #tpu.memory_space<vmem_shared>>)
        tpu.yield
      }) : () -> ()
    }
    %scan3A_11 = arith.constant 78 : i32
    %add3A_12 = arith.constant 9984 : i32
    %add3A_13 = arith.addi %mul3A_6, %add3A_12 : i32
    "tpu.region"() ({
      %run_scoped3A = tpu.sem_alloc : memref<!tpu.dma_semaphore, #tpu.memory_space<semaphore_mem>>
      %dma_start3A_23 = tpu.memref_slice %arg3[%add3A_13] : memref<320000xi32, #tpu.memory_space<hbm>> -> memref<16xi32, #tpu.memory_space<hbm>>
      %dma_start3A_24 = tpu.memref_slice %arg3[%add3A_13] : memref<320000xi32, #tpu.memory_space<hbm>> -> memref<16xi32, #tpu.memory_space<hbm>>
      tpu.enqueue_dma source(%dma_start3A_24 : memref<16xi32, #tpu.memory_space<hbm>>) target(%arg9 : memref<16xi32, #tpu.memory_space<vmem>>) target_semaphore(%run_scoped3A : memref<!tpu.dma_semaphore, #tpu.memory_space<semaphore_mem>>)
      %dma_wait3A_25 = tpu.memref_slice %arg3[%add3A_13] : memref<320000xi32, #tpu.memory_space<hbm>> -> memref<16xi32, #tpu.memory_space<hbm>>
      %dma_wait3A_26 = tpu.memref_slice %arg3[%add3A_13] : memref<320000xi32, #tpu.memory_space<hbm>> -> memref<16xi32, #tpu.memory_space<hbm>>
      tpu.wait_dma2 semaphore(%run_scoped3A : memref<!tpu.dma_semaphore, #tpu.memory_space<semaphore_mem>>) src(%dma_wait3A_26 : memref<16xi32, #tpu.memory_space<hbm>>) dst(%arg9 : memref<16xi32, #tpu.memory_space<vmem>>)
      tpu.yield
    }) : () -> ()
    "tpu.region"() ({
      %run_scoped3A = tpu.sem_alloc : memref<!tpu.dma_semaphore, #tpu.memory_space<semaphore_mem>>
      %dma_start3A_23 = tpu.memref_slice %arg4[%add3A_13] : memref<320000xi32, #tpu.memory_space<hbm>> -> memref<16xi32, #tpu.memory_space<hbm>>
      %dma_start3A_24 = tpu.memref_slice %arg4[%add3A_13] : memref<320000xi32, #tpu.memory_space<hbm>> -> memref<16xi32, #tpu.memory_space<hbm>>
      tpu.enqueue_dma source(%dma_start3A_24 : memref<16xi32, #tpu.memory_space<hbm>>) target(%arg10 : memref<16xi32, #tpu.memory_space<vmem>>) target_semaphore(%run_scoped3A : memref<!tpu.dma_semaphore, #tpu.memory_space<semaphore_mem>>)
      %dma_wait3A_25 = tpu.memref_slice %arg4[%add3A_13] : memref<320000xi32, #tpu.memory_space<hbm>> -> memref<16xi32, #tpu.memory_space<hbm>>
      %dma_wait3A_26 = tpu.memref_slice %arg4[%add3A_13] : memref<320000xi32, #tpu.memory_space<hbm>> -> memref<16xi32, #tpu.memory_space<hbm>>
      tpu.wait_dma2 semaphore(%run_scoped3A : memref<!tpu.dma_semaphore, #tpu.memory_space<semaphore_mem>>) src(%dma_wait3A_26 : memref<16xi32, #tpu.memory_space<hbm>>) dst(%arg10 : memref<16xi32, #tpu.memory_space<vmem>>)
      tpu.yield
    }) : () -> ()
    %dma_start3A = arith.constant 0 : i32
    %dma_start3A_14 = arith.constant 0 : i32
    %dma_start3A_15 = tpu.memref_slice %arg2[%dma_start3A, %dma_start3A_14] : memref<10240x128xf32, #tpu.memory_space<hbm>> -> memref<10240x128xf32, #tpu.memory_space<hbm>>
    tpu.enqueue_indirect_dma source(%dma_start3A_15 : memref<10240x128xf32, #tpu.memory_space<hbm>>) target(%arg12 : memref<16x128xf32, #tpu.memory_space<vmem>>) offsets(%arg9 : memref<16xi32, #tpu.memory_space<vmem>>) semaphore(%arg14 : memref<!tpu.dma_semaphore, #tpu.memory_space<semaphore_mem>>)
    %dma_wait3A = arith.constant 0 : i32
    %dma_wait3A_16 = arith.constant 0 : i32
    %dma_wait3A_17 = tpu.memref_slice %arg2[%dma_wait3A, %dma_wait3A_16] : memref<10240x128xf32, #tpu.memory_space<hbm>> -> memref<10240x128xf32, #tpu.memory_space<hbm>>
    tpu.wait_indirect_dma semaphore(%arg14 : memref<!tpu.dma_semaphore, #tpu.memory_space<semaphore_mem>>) src(%dma_wait3A_17 : memref<10240x128xf32, #tpu.memory_space<hbm>>) dst(%arg12 : memref<16x128xf32, #tpu.memory_space<vmem>>)
    "tpu.region"() ({
      %run_scoped3A = tpu.sem_alloc : memref<!tpu.dma_semaphore, #tpu.memory_space<semaphore_mem>>
      %dma_start3A_23 = arith.constant 0 : i32
      %dma_start3A_24 = arith.constant 0 : i32
      %dma_start3A_25 = tpu.memref_slice %arg13[%dma_start3A_23, %dma_start3A_24] : memref<10240x128xf32, #tpu.memory_space<vmem_shared>> -> memref<10240x128xf32, #tpu.memory_space<vmem_shared>>
      tpu.enqueue_indirect_dma source(%arg12 : memref<16x128xf32, #tpu.memory_space<vmem>>) target(%dma_start3A_25 : memref<10240x128xf32, #tpu.memory_space<vmem_shared>>) offsets(%arg10 : memref<16xi32, #tpu.memory_space<vmem>>) semaphore(%run_scoped3A : memref<!tpu.dma_semaphore, #tpu.memory_space<semaphore_mem>>) {add = true}
      %dma_wait3A_26 = arith.constant 0 : i32
      %dma_wait3A_27 = arith.constant 0 : i32
      %dma_wait3A_28 = tpu.memref_slice %arg13[%dma_wait3A_26, %dma_wait3A_27] : memref<10240x128xf32, #tpu.memory_space<vmem_shared>> -> memref<10240x128xf32, #tpu.memory_space<vmem_shared>>
      tpu.wait_indirect_dma semaphore(%run_scoped3A : memref<!tpu.dma_semaphore, #tpu.memory_space<semaphore_mem>>) src(%arg12 : memref<16x128xf32, #tpu.memory_space<vmem>>) dst(%dma_wait3A_28 : memref<10240x128xf32, #tpu.memory_space<vmem_shared>>)
      tpu.yield
    }) : () -> ()
    %barrier3A_18 = arith.constant 0 : index
    tpu.barrier barrier_id(%barrier3A_18)
    %mul3A_19 = arith.constant 640 : i32
    %mul3A_20 = arith.muli %arg1, %mul3A_19 : i32
    %mul3A_21 = arith.constant 640 : i32
    %mul3A_22 = arith.muli %arg1, %mul3A_21 : i32
    "tpu.region"() ({
      %run_scoped3A = tpu.sem_alloc : memref<!tpu.dma_semaphore, #tpu.memory_space<semaphore_mem>>
      %dma_start3A_23 = arith.constant 0 : i32
      %dma_start3A_24 = tpu.memref_slice %arg6[%arg0, %mul3A_22, %dma_start3A_23] : memref<2x10240x128xf32, #tpu.memory_space<hbm>> -> memref<1x640x128xf32, #tpu.memory_space<hbm>>
      %dma_start3A_25 = tpu.memref_squeeze %dma_start3A_24 : memref<1x640x128xf32, #tpu.memory_space<hbm>> -> memref<640x128xf32, #tpu.memory_space<hbm>>
      %dma_start3A_26 = arith.constant 0 : i32
      %dma_start3A_27 = tpu.memref_slice %arg13[%mul3A_20, %dma_start3A_26] : memref<10240x128xf32, #tpu.memory_space<vmem_shared>> -> memref<640x128xf32, #tpu.memory_space<vmem_shared>>
      tpu.enqueue_dma source(%dma_start3A_27 : memref<640x128xf32, #tpu.memory_space<vmem_shared>>) target(%dma_start3A_25 : memref<640x128xf32, #tpu.memory_space<hbm>>) target_semaphore(%run_scoped3A : memref<!tpu.dma_semaphore, #tpu.memory_space<semaphore_mem>>)
      %dma_wait3A_28 = arith.constant 0 : i32
      %dma_wait3A_29 = tpu.memref_slice %arg6[%arg0, %mul3A_22, %dma_wait3A_28] : memref<2x10240x128xf32, #tpu.memory_space<hbm>> -> memref<1x640x128xf32, #tpu.memory_space<hbm>>
      %dma_wait3A_30 = tpu.memref_squeeze %dma_wait3A_29 : memref<1x640x128xf32, #tpu.memory_space<hbm>> -> memref<640x128xf32, #tpu.memory_space<hbm>>
      %dma_wait3A_31 = arith.constant 0 : i32
      %dma_wait3A_32 = tpu.memref_slice %arg13[%mul3A_20, %dma_wait3A_31] : memref<10240x128xf32, #tpu.memory_space<vmem_shared>> -> memref<640x128xf32, #tpu.memory_space<vmem_shared>>
      tpu.wait_dma2 semaphore(%run_scoped3A : memref<!tpu.dma_semaphore, #tpu.memory_space<semaphore_mem>>) src(%dma_wait3A_32 : memref<640x128xf32, #tpu.memory_space<vmem_shared>>) dst(%dma_wait3A_30 : memref<640x128xf32, #tpu.memory_space<hbm>>)
      tpu.yield
    }) : () -> ()
    return
  }
}

#map = affine_map<(d0, d1) -> (0, 0)>
#map1 = affine_map<(d0, d1) -> (0)>
#map2 = affine_map<(d0, d1) -> (0, 0, 0)>
module attributes {stable_mosaic.version = 14 : i64} {
  func.func @_agg_body(%arg0: i32, %arg1: i32, %arg2: memref<10240x128xf32, #tpu.memory_space<hbm>>, %arg3: memref<320000xi32, #tpu.memory_space<hbm>>, %arg4: memref<320000xi32, #tpu.memory_space<hbm>>, %arg5: memref<10240x128xf32, #tpu.memory_space<hbm>>, %arg6: memref<2x10240x128xf32, #tpu.memory_space<hbm>>, %arg7: memref<128xi32, #tpu.memory_space<vmem>>, %arg8: memref<128xi32, #tpu.memory_space<vmem>>, %arg9: memref<16xi32, #tpu.memory_space<vmem>>, %arg10: memref<16xi32, #tpu.memory_space<vmem>>, %arg11: memref<128x128xf32, #tpu.memory_space<vmem>>, %arg12: memref<16x128xf32, #tpu.memory_space<vmem>>, %arg13: memref<10240x128xf32, #tpu.memory_space<vmem_shared>>, %arg14: memref<!tpu.dma_semaphore, #tpu.memory_space<semaphore_mem>>) attributes {dimension_semantics = [#tpu.dimension_semantics<core_parallel>, #tpu.dimension_semantics<subcore_parallel>], iteration_bounds = array<i64: 2, 16>, scalar_prefetch = 0 : i64, scratch_operands = 8 : i64, tpu.core_type = #tpu.core_type<sc_vector_subcore>, window_params = [{transform_indices = #map}, {transform_indices = #map1}, {transform_indices = #map1}, {transform_indices = #map}, {transform_indices = #map2}]} {
    %mul3A = arith.constant 2 : i32
    %mul3A_0 = arith.muli %arg1, %mul3A : i32
    %add3A = arith.addi %mul3A_0, %arg0 : i32
    %mul3A_1 = arith.constant 640 : i32
    %mul3A_2 = arith.muli %arg1, %mul3A_1 : i32
    %mul3A_3 = arith.constant 640 : i32
    %mul3A_4 = arith.muli %arg1, %mul3A_3 : i32
    "tpu.region"() ({
      %run_scoped3A = tpu.sem_alloc : memref<!tpu.dma_semaphore, #tpu.memory_space<semaphore_mem>>
      %dma_start3A_23 = arith.constant 0 : i32
      %dma_start3A_24 = tpu.memref_slice %arg13[%mul3A_4, %dma_start3A_23] : memref<10240x128xf32, #tpu.memory_space<vmem_shared>> -> memref<640x128xf32, #tpu.memory_space<vmem_shared>>
      %dma_start3A_25 = arith.constant 0 : i32
      %dma_start3A_26 = tpu.memref_slice %arg5[%mul3A_2, %dma_start3A_25] : memref<10240x128xf32, #tpu.memory_space<hbm>> -> memref<640x128xf32, #tpu.memory_space<hbm>>
      tpu.enqueue_dma source(%dma_start3A_26 : memref<640x128xf32, #tpu.memory_space<hbm>>) target(%dma_start3A_24 : memref<640x128xf32, #tpu.memory_space<vmem_shared>>) target_semaphore(%run_scoped3A : memref<!tpu.dma_semaphore, #tpu.memory_space<semaphore_mem>>)
      %dma_wait3A_27 = arith.constant 0 : i32
      %dma_wait3A_28 = tpu.memref_slice %arg13[%mul3A_4, %dma_wait3A_27] : memref<10240x128xf32, #tpu.memory_space<vmem_shared>> -> memref<640x128xf32, #tpu.memory_space<vmem_shared>>
      %dma_wait3A_29 = arith.constant 0 : i32
      %dma_wait3A_30 = tpu.memref_slice %arg5[%mul3A_2, %dma_wait3A_29] : memref<10240x128xf32, #tpu.memory_space<hbm>> -> memref<640x128xf32, #tpu.memory_space<hbm>>
      tpu.wait_dma2 semaphore(%run_scoped3A : memref<!tpu.dma_semaphore, #tpu.memory_space<semaphore_mem>>) src(%dma_wait3A_30 : memref<640x128xf32, #tpu.memory_space<hbm>>) dst(%dma_wait3A_28 : memref<640x128xf32, #tpu.memory_space<vmem_shared>>)
      tpu.yield
    }) : () -> ()
    %barrier3A = arith.constant 0 : index
    tpu.barrier barrier_id(%barrier3A)
    %mul3A_5 = arith.constant 10000 : i32
    %mul3A_6 = arith.muli %add3A, %mul3A_5 : i32
    %scan3A = arith.constant 0 : i32
    %scan3A_7 = arith.constant 0 : i32
    %scan3A_8 = arith.constant 78 : i32
    %scan3A_9 = arith.addi %scan3A_7, %scan3A_8 : i32
    %scan3A_10 = arith.constant 1 : i32
    scf.for %scan3A_23 = %scan3A_7 to %scan3A_9 step %scan3A_10  : i32 {
      %mul3A_24 = arith.constant 128 : i32
      %mul3A_25 = arith.muli %scan3A_23, %mul3A_24 : i32
      %add3A_26 = arith.addi %mul3A_6, %mul3A_25 : i32
      "tpu.region"() ({
        %run_scoped3A = tpu.sem_alloc : memref<!tpu.dma_semaphore, #tpu.memory_space<semaphore_mem>>
        %dma_start3A_33 = tpu.memref_slice %arg3[%add3A_26] : memref<320000xi32, #tpu.memory_space<hbm>> -> memref<128xi32, #tpu.memory_space<hbm>>
        %dma_start3A_34 = tpu.memref_slice %arg3[%add3A_26] : memref<320000xi32, #tpu.memory_space<hbm>> -> memref<128xi32, #tpu.memory_space<hbm>>
        tpu.enqueue_dma source(%dma_start3A_34 : memref<128xi32, #tpu.memory_space<hbm>>) target(%arg7 : memref<128xi32, #tpu.memory_space<vmem>>) target_semaphore(%run_scoped3A : memref<!tpu.dma_semaphore, #tpu.memory_space<semaphore_mem>>)
        %dma_wait3A_35 = tpu.memref_slice %arg3[%add3A_26] : memref<320000xi32, #tpu.memory_space<hbm>> -> memref<128xi32, #tpu.memory_space<hbm>>
        %dma_wait3A_36 = tpu.memref_slice %arg3[%add3A_26] : memref<320000xi32, #tpu.memory_space<hbm>> -> memref<128xi32, #tpu.memory_space<hbm>>
        tpu.wait_dma2 semaphore(%run_scoped3A : memref<!tpu.dma_semaphore, #tpu.memory_space<semaphore_mem>>) src(%dma_wait3A_36 : memref<128xi32, #tpu.memory_space<hbm>>) dst(%arg7 : memref<128xi32, #tpu.memory_space<vmem>>)
        tpu.yield
      }) : () -> ()
      "tpu.region"() ({
        %run_scoped3A = tpu.sem_alloc : memref<!tpu.dma_semaphore, #tpu.memory_space<semaphore_mem>>
        %dma_start3A_33 = tpu.memref_slice %arg4[%add3A_26] : memref<320000xi32, #tpu.memory_space<hbm>> -> memref<128xi32, #tpu.memory_space<hbm>>
        %dma_start3A_34 = tpu.memref_slice %arg4[%add3A_26] : memref<320000xi32, #tpu.memory_space<hbm>> -> memref<128xi32, #tpu.memory_space<hbm>>
        tpu.enqueue_dma source(%dma_start3A_34 : memref<128xi32, #tpu.memory_space<hbm>>) target(%arg8 : memref<128xi32, #tpu.memory_space<vmem>>) target_semaphore(%run_scoped3A : memref<!tpu.dma_semaphore, #tpu.memory_space<semaphore_mem>>)
        %dma_wait3A_35 = tpu.memref_slice %arg4[%add3A_26] : memref<320000xi32, #tpu.memory_space<hbm>> -> memref<128xi32, #tpu.memory_space<hbm>>
        %dma_wait3A_36 = tpu.memref_slice %arg4[%add3A_26] : memref<320000xi32, #tpu.memory_space<hbm>> -> memref<128xi32, #tpu.memory_space<hbm>>
        tpu.wait_dma2 semaphore(%run_scoped3A : memref<!tpu.dma_semaphore, #tpu.memory_space<semaphore_mem>>) src(%dma_wait3A_36 : memref<128xi32, #tpu.memory_space<hbm>>) dst(%arg8 : memref<128xi32, #tpu.memory_space<vmem>>)
        tpu.yield
      }) : () -> ()
      %dma_start3A_27 = arith.constant 0 : i32
      %dma_start3A_28 = arith.constant 0 : i32
      %dma_start3A_29 = tpu.memref_slice %arg2[%dma_start3A_27, %dma_start3A_28] : memref<10240x128xf32, #tpu.memory_space<hbm>> -> memref<10240x128xf32, #tpu.memory_space<hbm>>
      tpu.enqueue_indirect_dma source(%dma_start3A_29 : memref<10240x128xf32, #tpu.memory_space<hbm>>) target(%arg11 : memref<128x128xf32, #tpu.memory_space<vmem>>) offsets(%arg7 : memref<128xi32, #tpu.memory_space<vmem>>) semaphore(%arg14 : memref<!tpu.dma_semaphore, #tpu.memory_space<semaphore_mem>>)
      %dma_wait3A_30 = arith.constant 0 : i32
      %dma_wait3A_31 = arith.constant 0 : i32
      %dma_wait3A_32 = tpu.memref_slice %arg2[%dma_wait3A_30, %dma_wait3A_31] : memref<10240x128xf32, #tpu.memory_space<hbm>> -> memref<10240x128xf32, #tpu.memory_space<hbm>>
      tpu.wait_indirect_dma semaphore(%arg14 : memref<!tpu.dma_semaphore, #tpu.memory_space<semaphore_mem>>) src(%dma_wait3A_32 : memref<10240x128xf32, #tpu.memory_space<hbm>>) dst(%arg11 : memref<128x128xf32, #tpu.memory_space<vmem>>)
      "tpu.region"() ({
        %run_scoped3A = tpu.sem_alloc : memref<!tpu.dma_semaphore, #tpu.memory_space<semaphore_mem>>
        %dma_start3A_33 = arith.constant 0 : i32
        %dma_start3A_34 = arith.constant 0 : i32
        %dma_start3A_35 = tpu.memref_slice %arg13[%dma_start3A_33, %dma_start3A_34] : memref<10240x128xf32, #tpu.memory_space<vmem_shared>> -> memref<10240x128xf32, #tpu.memory_space<vmem_shared>>
        tpu.enqueue_indirect_dma source(%arg11 : memref<128x128xf32, #tpu.memory_space<vmem>>) target(%dma_start3A_35 : memref<10240x128xf32, #tpu.memory_space<vmem_shared>>) offsets(%arg8 : memref<128xi32, #tpu.memory_space<vmem>>) semaphore(%run_scoped3A : memref<!tpu.dma_semaphore, #tpu.memory_space<semaphore_mem>>) {add = true}
        %dma_wait3A_36 = arith.constant 0 : i32
        %dma_wait3A_37 = arith.constant 0 : i32
        %dma_wait3A_38 = tpu.memref_slice %arg13[%dma_wait3A_36, %dma_wait3A_37] : memref<10240x128xf32, #tpu.memory_space<vmem_shared>> -> memref<10240x128xf32, #tpu.memory_space<vmem_shared>>
        tpu.wait_indirect_dma semaphore(%run_scoped3A : memref<!tpu.dma_semaphore, #tpu.memory_space<semaphore_mem>>) src(%arg11 : memref<128x128xf32, #tpu.memory_space<vmem>>) dst(%dma_wait3A_38 : memref<10240x128xf32, #tpu.memory_space<vmem_shared>>)
        tpu.yield
      }) : () -> ()
    }
    %scan3A_11 = arith.constant 78 : i32
    %add3A_12 = arith.constant 9984 : i32
    %add3A_13 = arith.addi %mul3A_6, %add3A_12 : i32
    "tpu.region"() ({
      %run_scoped3A = tpu.sem_alloc : memref<!tpu.dma_semaphore, #tpu.memory_space<semaphore_mem>>
      %dma_start3A_23 = tpu.memref_slice %arg3[%add3A_13] : memref<320000xi32, #tpu.memory_space<hbm>> -> memref<16xi32, #tpu.memory_space<hbm>>
      %dma_start3A_24 = tpu.memref_slice %arg3[%add3A_13] : memref<320000xi32, #tpu.memory_space<hbm>> -> memref<16xi32, #tpu.memory_space<hbm>>
      tpu.enqueue_dma source(%dma_start3A_24 : memref<16xi32, #tpu.memory_space<hbm>>) target(%arg9 : memref<16xi32, #tpu.memory_space<vmem>>) target_semaphore(%run_scoped3A : memref<!tpu.dma_semaphore, #tpu.memory_space<semaphore_mem>>)
      %dma_wait3A_25 = tpu.memref_slice %arg3[%add3A_13] : memref<320000xi32, #tpu.memory_space<hbm>> -> memref<16xi32, #tpu.memory_space<hbm>>
      %dma_wait3A_26 = tpu.memref_slice %arg3[%add3A_13] : memref<320000xi32, #tpu.memory_space<hbm>> -> memref<16xi32, #tpu.memory_space<hbm>>
      tpu.wait_dma2 semaphore(%run_scoped3A : memref<!tpu.dma_semaphore, #tpu.memory_space<semaphore_mem>>) src(%dma_wait3A_26 : memref<16xi32, #tpu.memory_space<hbm>>) dst(%arg9 : memref<16xi32, #tpu.memory_space<vmem>>)
      tpu.yield
    }) : () -> ()
    "tpu.region"() ({
      %run_scoped3A = tpu.sem_alloc : memref<!tpu.dma_semaphore, #tpu.memory_space<semaphore_mem>>
      %dma_start3A_23 = tpu.memref_slice %arg4[%add3A_13] : memref<320000xi32, #tpu.memory_space<hbm>> -> memref<16xi32, #tpu.memory_space<hbm>>
      %dma_start3A_24 = tpu.memref_slice %arg4[%add3A_13] : memref<320000xi32, #tpu.memory_space<hbm>> -> memref<16xi32, #tpu.memory_space<hbm>>
      tpu.enqueue_dma source(%dma_start3A_24 : memref<16xi32, #tpu.memory_space<hbm>>) target(%arg10 : memref<16xi32, #tpu.memory_space<vmem>>) target_semaphore(%run_scoped3A : memref<!tpu.dma_semaphore, #tpu.memory_space<semaphore_mem>>)
      %dma_wait3A_25 = tpu.memref_slice %arg4[%add3A_13] : memref<320000xi32, #tpu.memory_space<hbm>> -> memref<16xi32, #tpu.memory_space<hbm>>
      %dma_wait3A_26 = tpu.memref_slice %arg4[%add3A_13] : memref<320000xi32, #tpu.memory_space<hbm>> -> memref<16xi32, #tpu.memory_space<hbm>>
      tpu.wait_dma2 semaphore(%run_scoped3A : memref<!tpu.dma_semaphore, #tpu.memory_space<semaphore_mem>>) src(%dma_wait3A_26 : memref<16xi32, #tpu.memory_space<hbm>>) dst(%arg10 : memref<16xi32, #tpu.memory_space<vmem>>)
      tpu.yield
    }) : () -> ()
    %dma_start3A = arith.constant 0 : i32
    %dma_start3A_14 = arith.constant 0 : i32
    %dma_start3A_15 = tpu.memref_slice %arg2[%dma_start3A, %dma_start3A_14] : memref<10240x128xf32, #tpu.memory_space<hbm>> -> memref<10240x128xf32, #tpu.memory_space<hbm>>
    tpu.enqueue_indirect_dma source(%dma_start3A_15 : memref<10240x128xf32, #tpu.memory_space<hbm>>) target(%arg12 : memref<16x128xf32, #tpu.memory_space<vmem>>) offsets(%arg9 : memref<16xi32, #tpu.memory_space<vmem>>) semaphore(%arg14 : memref<!tpu.dma_semaphore, #tpu.memory_space<semaphore_mem>>)
    %dma_wait3A = arith.constant 0 : i32
    %dma_wait3A_16 = arith.constant 0 : i32
    %dma_wait3A_17 = tpu.memref_slice %arg2[%dma_wait3A, %dma_wait3A_16] : memref<10240x128xf32, #tpu.memory_space<hbm>> -> memref<10240x128xf32, #tpu.memory_space<hbm>>
    tpu.wait_indirect_dma semaphore(%arg14 : memref<!tpu.dma_semaphore, #tpu.memory_space<semaphore_mem>>) src(%dma_wait3A_17 : memref<10240x128xf32, #tpu.memory_space<hbm>>) dst(%arg12 : memref<16x128xf32, #tpu.memory_space<vmem>>)
    "tpu.region"() ({
      %run_scoped3A = tpu.sem_alloc : memref<!tpu.dma_semaphore, #tpu.memory_space<semaphore_mem>>
      %dma_start3A_23 = arith.constant 0 : i32
      %dma_start3A_24 = arith.constant 0 : i32
      %dma_start3A_25 = tpu.memref_slice %arg13[%dma_start3A_23, %dma_start3A_24] : memref<10240x128xf32, #tpu.memory_space<vmem_shared>> -> memref<10240x128xf32, #tpu.memory_space<vmem_shared>>
      tpu.enqueue_indirect_dma source(%arg12 : memref<16x128xf32, #tpu.memory_space<vmem>>) target(%dma_start3A_25 : memref<10240x128xf32, #tpu.memory_space<vmem_shared>>) offsets(%arg10 : memref<16xi32, #tpu.memory_space<vmem>>) semaphore(%run_scoped3A : memref<!tpu.dma_semaphore, #tpu.memory_space<semaphore_mem>>) {add = true}
      %dma_wait3A_26 = arith.constant 0 : i32
      %dma_wait3A_27 = arith.constant 0 : i32
      %dma_wait3A_28 = tpu.memref_slice %arg13[%dma_wait3A_26, %dma_wait3A_27] : memref<10240x128xf32, #tpu.memory_space<vmem_shared>> -> memref<10240x128xf32, #tpu.memory_space<vmem_shared>>
      tpu.wait_indirect_dma semaphore(%run_scoped3A : memref<!tpu.dma_semaphore, #tpu.memory_space<semaphore_mem>>) src(%arg12 : memref<16x128xf32, #tpu.memory_space<vmem>>) dst(%dma_wait3A_28 : memref<10240x128xf32, #tpu.memory_space<vmem_shared>>)
      tpu.yield
    }) : () -> ()
    %barrier3A_18 = arith.constant 0 : index
    tpu.barrier barrier_id(%barrier3A_18)
    %mul3A_19 = arith.constant 640 : i32
    %mul3A_20 = arith.muli %arg1, %mul3A_19 : i32
    %mul3A_21 = arith.constant 640 : i32
    %mul3A_22 = arith.muli %arg1, %mul3A_21 : i32
    "tpu.region"() ({
      %run_scoped3A = tpu.sem_alloc : memref<!tpu.dma_semaphore, #tpu.memory_space<semaphore_mem>>
      %dma_start3A_23 = arith.constant 0 : i32
      %dma_start3A_24 = tpu.memref_slice %arg6[%arg0, %mul3A_22, %dma_start3A_23] : memref<2x10240x128xf32, #tpu.memory_space<hbm>> -> memref<1x640x128xf32, #tpu.memory_space<hbm>>
      %dma_start3A_25 = tpu.memref_squeeze %dma_start3A_24 : memref<1x640x128xf32, #tpu.memory_space<hbm>> -> memref<640x128xf32, #tpu.memory_space<hbm>>
      %dma_start3A_26 = arith.constant 0 : i32
      %dma_start3A_27 = tpu.memref_slice %arg13[%mul3A_20, %dma_start3A_26] : memref<10240x128xf32, #tpu.memory_space<vmem_shared>> -> memref<640x128xf32, #tpu.memory_space<vmem_shared>>
      tpu.enqueue_dma source(%dma_start3A_27 : memref<640x128xf32, #tpu.memory_space<vmem_shared>>) target(%dma_start3A_25 : memref<640x128xf32, #tpu.memory_space<hbm>>) target_semaphore(%run_scoped3A : memref<!tpu.dma_semaphore, #tpu.memory_space<semaphore_mem>>)
      %dma_wait3A_28 = arith.constant 0 : i32
      %dma_wait3A_29 = tpu.memref_slice %arg6[%arg0, %mul3A_22, %dma_wait3A_28] : memref<2x10240x128xf32, #tpu.memory_space<hbm>> -> memref<1x640x128xf32, #tpu.memory_space<hbm>>
      %dma_wait3A_30 = tpu.memref_squeeze %dma_wait3A_29 : memref<1x640x128xf32, #tpu.memory_space<hbm>> -> memref<640x128xf32, #tpu.memory_space<hbm>>
      %dma_wait3A_31 = arith.constant 0 : i32
      %dma_wait3A_32 = tpu.memref_slice %arg13[%mul3A_20, %dma_wait3A_31] : memref<10240x128xf32, #tpu.memory_space<vmem_shared>> -> memref<640x128xf32, #tpu.memory_space<vmem_shared>>
      tpu.wait_dma2 semaphore(%run_scoped3A : memref<!tpu.dma_semaphore, #tpu.memory_space<semaphore_mem>>) src(%dma_wait3A_32 : memref<640x128xf32, #tpu.memory_space<vmem_shared>>) dst(%dma_wait3A_30 : memref<640x128xf32, #tpu.memory_space<hbm>>)
      tpu.yield
    }) : () -> ()
    return
  }
}

#map = affine_map<(d0, d1) -> (0, 0)>
#map1 = affine_map<(d0, d1) -> (0)>
module attributes {stable_mosaic.version = 14 : i64} {
  func.func @_prj_body(%arg0: i32, %arg1: i32, %arg2: memref<512x128xf32, #tpu.memory_space<hbm>>, %arg3: memref<1024x128xf32, #tpu.memory_space<hbm>>, %arg4: memref<10240xi32, #tpu.memory_space<hbm>>, %arg5: memref<10240xi32, #tpu.memory_space<hbm>>, %arg6: memref<10240x128xf32, #tpu.memory_space<hbm>>, %arg7: memref<10240x128xf32, #tpu.memory_space<hbm>>, %arg8: memref<80xi32, #tpu.memory_space<vmem>>, %arg9: memref<80x128xf32, #tpu.memory_space<vmem>>, %arg10: memref<!tpu.dma_semaphore, #tpu.memory_space<semaphore_mem>>) attributes {dimension_semantics = [#tpu.dimension_semantics<core_parallel>, #tpu.dimension_semantics<subcore_parallel>], iteration_bounds = array<i64: 2, 16>, scalar_prefetch = 0 : i64, scratch_operands = 3 : i64, tpu.core_type = #tpu.core_type<sc_vector_subcore>, window_params = [{transform_indices = #map}, {transform_indices = #map}, {transform_indices = #map1}, {transform_indices = #map1}, {transform_indices = #map}, {transform_indices = #map}]} {
    %mul3A = arith.constant 2 : i32
    %mul3A_0 = arith.muli %arg1, %mul3A : i32
    %add3A = arith.addi %mul3A_0, %arg0 : i32
    %mul3A_1 = arith.constant 320 : i32
    %mul3A_2 = arith.muli %add3A, %mul3A_1 : i32
    %scan3A = arith.constant 0 : i32
    %scan3A_3 = arith.constant 0 : i32
    %scan3A_4 = arith.constant 4 : i32
    %scan3A_5 = arith.addi %scan3A_3, %scan3A_4 : i32
    %scan3A_6 = arith.constant 1 : i32
    scf.for %scan3A_8 = %scan3A_3 to %scan3A_5 step %scan3A_6  : i32 {
      %mul3A_9 = arith.constant 80 : i32
      %mul3A_10 = arith.muli %scan3A_8, %mul3A_9 : i32
      %add3A_11 = arith.addi %mul3A_2, %mul3A_10 : i32
      "tpu.region"() ({
        %run_scoped3A = tpu.sem_alloc : memref<!tpu.dma_semaphore, #tpu.memory_space<semaphore_mem>>
        %dma_start3A_22 = tpu.memref_slice %arg4[%add3A_11] : memref<10240xi32, #tpu.memory_space<hbm>> -> memref<80xi32, #tpu.memory_space<hbm>>
        %dma_start3A_23 = tpu.memref_slice %arg4[%add3A_11] : memref<10240xi32, #tpu.memory_space<hbm>> -> memref<80xi32, #tpu.memory_space<hbm>>
        tpu.enqueue_dma source(%dma_start3A_23 : memref<80xi32, #tpu.memory_space<hbm>>) target(%arg8 : memref<80xi32, #tpu.memory_space<vmem>>) target_semaphore(%run_scoped3A : memref<!tpu.dma_semaphore, #tpu.memory_space<semaphore_mem>>)
        %dma_wait3A_24 = tpu.memref_slice %arg4[%add3A_11] : memref<10240xi32, #tpu.memory_space<hbm>> -> memref<80xi32, #tpu.memory_space<hbm>>
        %dma_wait3A_25 = tpu.memref_slice %arg4[%add3A_11] : memref<10240xi32, #tpu.memory_space<hbm>> -> memref<80xi32, #tpu.memory_space<hbm>>
        tpu.wait_dma2 semaphore(%run_scoped3A : memref<!tpu.dma_semaphore, #tpu.memory_space<semaphore_mem>>) src(%dma_wait3A_25 : memref<80xi32, #tpu.memory_space<hbm>>) dst(%arg8 : memref<80xi32, #tpu.memory_space<vmem>>)
        tpu.yield
      }) : () -> ()
      %dma_start3A = arith.constant 0 : i32
      %dma_start3A_12 = arith.constant 0 : i32
      %dma_start3A_13 = tpu.memref_slice %arg2[%dma_start3A, %dma_start3A_12] : memref<512x128xf32, #tpu.memory_space<hbm>> -> memref<512x128xf32, #tpu.memory_space<hbm>>
      tpu.enqueue_indirect_dma source(%dma_start3A_13 : memref<512x128xf32, #tpu.memory_space<hbm>>) target(%arg9 : memref<80x128xf32, #tpu.memory_space<vmem>>) offsets(%arg8 : memref<80xi32, #tpu.memory_space<vmem>>) semaphore(%arg10 : memref<!tpu.dma_semaphore, #tpu.memory_space<semaphore_mem>>)
      %dma_wait3A = arith.constant 0 : i32
      %dma_wait3A_14 = arith.constant 0 : i32
      %dma_wait3A_15 = tpu.memref_slice %arg2[%dma_wait3A, %dma_wait3A_14] : memref<512x128xf32, #tpu.memory_space<hbm>> -> memref<512x128xf32, #tpu.memory_space<hbm>>
      tpu.wait_indirect_dma semaphore(%arg10 : memref<!tpu.dma_semaphore, #tpu.memory_space<semaphore_mem>>) src(%dma_wait3A_15 : memref<512x128xf32, #tpu.memory_space<hbm>>) dst(%arg9 : memref<80x128xf32, #tpu.memory_space<vmem>>)
      "tpu.region"() ({
        %run_scoped3A = tpu.sem_alloc : memref<!tpu.dma_semaphore, #tpu.memory_space<semaphore_mem>>
        %dma_start3A_22 = arith.constant 0 : i32
        %dma_start3A_23 = tpu.memref_slice %arg6[%add3A_11, %dma_start3A_22] : memref<10240x128xf32, #tpu.memory_space<hbm>> -> memref<80x128xf32, #tpu.memory_space<hbm>>
        %dma_start3A_24 = arith.constant 0 : i32
        %dma_start3A_25 = tpu.memref_slice %arg6[%add3A_11, %dma_start3A_24] : memref<10240x128xf32, #tpu.memory_space<hbm>> -> memref<80x128xf32, #tpu.memory_space<hbm>>
        tpu.enqueue_dma source(%arg9 : memref<80x128xf32, #tpu.memory_space<vmem>>) target(%dma_start3A_25 : memref<80x128xf32, #tpu.memory_space<hbm>>) target_semaphore(%run_scoped3A : memref<!tpu.dma_semaphore, #tpu.memory_space<semaphore_mem>>)
        %dma_wait3A_26 = arith.constant 0 : i32
        %dma_wait3A_27 = tpu.memref_slice %arg6[%add3A_11, %dma_wait3A_26] : memref<10240x128xf32, #tpu.memory_space<hbm>> -> memref<80x128xf32, #tpu.memory_space<hbm>>
        %dma_wait3A_28 = arith.constant 0 : i32
        %dma_wait3A_29 = tpu.memref_slice %arg6[%add3A_11, %dma_wait3A_28] : memref<10240x128xf32, #tpu.memory_space<hbm>> -> memref<80x128xf32, #tpu.memory_space<hbm>>
        tpu.wait_dma2 semaphore(%run_scoped3A : memref<!tpu.dma_semaphore, #tpu.memory_space<semaphore_mem>>) src(%arg9 : memref<80x128xf32, #tpu.memory_space<vmem>>) dst(%dma_wait3A_29 : memref<80x128xf32, #tpu.memory_space<hbm>>)
        tpu.yield
      }) : () -> ()
      "tpu.region"() ({
        %run_scoped3A = tpu.sem_alloc : memref<!tpu.dma_semaphore, #tpu.memory_space<semaphore_mem>>
        %dma_start3A_22 = tpu.memref_slice %arg5[%add3A_11] : memref<10240xi32, #tpu.memory_space<hbm>> -> memref<80xi32, #tpu.memory_space<hbm>>
        %dma_start3A_23 = tpu.memref_slice %arg5[%add3A_11] : memref<10240xi32, #tpu.memory_space<hbm>> -> memref<80xi32, #tpu.memory_space<hbm>>
        tpu.enqueue_dma source(%dma_start3A_23 : memref<80xi32, #tpu.memory_space<hbm>>) target(%arg8 : memref<80xi32, #tpu.memory_space<vmem>>) target_semaphore(%run_scoped3A : memref<!tpu.dma_semaphore, #tpu.memory_space<semaphore_mem>>)
        %dma_wait3A_24 = tpu.memref_slice %arg5[%add3A_11] : memref<10240xi32, #tpu.memory_space<hbm>> -> memref<80xi32, #tpu.memory_space<hbm>>
        %dma_wait3A_25 = tpu.memref_slice %arg5[%add3A_11] : memref<10240xi32, #tpu.memory_space<hbm>> -> memref<80xi32, #tpu.memory_space<hbm>>
        tpu.wait_dma2 semaphore(%run_scoped3A : memref<!tpu.dma_semaphore, #tpu.memory_space<semaphore_mem>>) src(%dma_wait3A_25 : memref<80xi32, #tpu.memory_space<hbm>>) dst(%arg8 : memref<80xi32, #tpu.memory_space<vmem>>)
        tpu.yield
      }) : () -> ()
      %dma_start3A_16 = arith.constant 0 : i32
      %dma_start3A_17 = arith.constant 0 : i32
      %dma_start3A_18 = tpu.memref_slice %arg3[%dma_start3A_16, %dma_start3A_17] : memref<1024x128xf32, #tpu.memory_space<hbm>> -> memref<1024x128xf32, #tpu.memory_space<hbm>>
      tpu.enqueue_indirect_dma source(%dma_start3A_18 : memref<1024x128xf32, #tpu.memory_space<hbm>>) target(%arg9 : memref<80x128xf32, #tpu.memory_space<vmem>>) offsets(%arg8 : memref<80xi32, #tpu.memory_space<vmem>>) semaphore(%arg10 : memref<!tpu.dma_semaphore, #tpu.memory_space<semaphore_mem>>)
      %dma_wait3A_19 = arith.constant 0 : i32
      %dma_wait3A_20 = arith.constant 0 : i32
      %dma_wait3A_21 = tpu.memref_slice %arg3[%dma_wait3A_19, %dma_wait3A_20] : memref<1024x128xf32, #tpu.memory_space<hbm>> -> memref<1024x128xf32, #tpu.memory_space<hbm>>
      tpu.wait_indirect_dma semaphore(%arg10 : memref<!tpu.dma_semaphore, #tpu.memory_space<semaphore_mem>>) src(%dma_wait3A_21 : memref<1024x128xf32, #tpu.memory_space<hbm>>) dst(%arg9 : memref<80x128xf32, #tpu.memory_space<vmem>>)
      "tpu.region"() ({
        %run_scoped3A = tpu.sem_alloc : memref<!tpu.dma_semaphore, #tpu.memory_space<semaphore_mem>>
        %dma_start3A_22 = arith.constant 0 : i32
        %dma_start3A_23 = tpu.memref_slice %arg7[%add3A_11, %dma_start3A_22] : memref<10240x128xf32, #tpu.memory_space<hbm>> -> memref<80x128xf32, #tpu.memory_space<hbm>>
        %dma_start3A_24 = arith.constant 0 : i32
        %dma_start3A_25 = tpu.memref_slice %arg7[%add3A_11, %dma_start3A_24] : memref<10240x128xf32, #tpu.memory_space<hbm>> -> memref<80x128xf32, #tpu.memory_space<hbm>>
        tpu.enqueue_dma source(%arg9 : memref<80x128xf32, #tpu.memory_space<vmem>>) target(%dma_start3A_25 : memref<80x128xf32, #tpu.memory_space<hbm>>) target_semaphore(%run_scoped3A : memref<!tpu.dma_semaphore, #tpu.memory_space<semaphore_mem>>)
        %dma_wait3A_26 = arith.constant 0 : i32
        %dma_wait3A_27 = tpu.memref_slice %arg7[%add3A_11, %dma_wait3A_26] : memref<10240x128xf32, #tpu.memory_space<hbm>> -> memref<80x128xf32, #tpu.memory_space<hbm>>
        %dma_wait3A_28 = arith.constant 0 : i32
        %dma_wait3A_29 = tpu.memref_slice %arg7[%add3A_11, %dma_wait3A_28] : memref<10240x128xf32, #tpu.memory_space<hbm>> -> memref<80x128xf32, #tpu.memory_space<hbm>>
        tpu.wait_dma2 semaphore(%run_scoped3A : memref<!tpu.dma_semaphore, #tpu.memory_space<semaphore_mem>>) src(%arg9 : memref<80x128xf32, #tpu.memory_space<vmem>>) dst(%dma_wait3A_29 : memref<80x128xf32, #tpu.memory_space<hbm>>)
        tpu.yield
      }) : () -> ()
    }
    %scan3A_7 = arith.constant 4 : i32
    return
  }
}

module attributes {stable_mosaic.version = 14 : i64} {
  func.func @_mlp1_kernel(%arg0: i32, %arg1: memref<2x1024x128xf32, #tpu.memory_space<vmem>>, %arg2: memref<1024x1xf32, #tpu.memory_space<vmem>>, %arg3: memref<1024x1xf32, #tpu.memory_space<vmem>>, %arg4: memref<128x256xf32, #tpu.memory_space<vmem>>, %arg5: memref<1x256xf32, #tpu.memory_space<vmem>>, %arg6: memref<1024x128xf32, #tpu.memory_space<vmem>>, %arg7: memref<1024x128xf32, #tpu.memory_space<vmem>>) attributes {dimension_semantics = [#tpu.dimension_semantics<arbitrary>], iteration_bounds = array<i64: 10>, scalar_prefetch = 0 : i64, scratch_operands = 0 : i64, tpu.core_type = #tpu.core_type<tc>, window_params = [{transform_indices = @transform_0, window_bounds = array<i64: 2, 1024, 128>}, {transform_indices = @transform_1, window_bounds = array<i64: 1024, 1>}, {transform_indices = @transform_2, window_bounds = array<i64: 1024, 1>}, {pipeline_mode = #tpu.pipeline_mode<synchronous>, transform_indices = @transform_3, window_bounds = array<i64: 128, 256>}, {pipeline_mode = #tpu.pipeline_mode<synchronous>, transform_indices = @transform_4, window_bounds = array<i64: 1, 256>}, {transform_indices = @transform_5, window_bounds = array<i64: 1024, 128>}, {transform_indices = @transform_6, window_bounds = array<i64: 1024, 128>}]} {
    %get3A = arith.constant 0 : index
    %get3A_0 = arith.constant 0 : index
    %get3A_1 = arith.constant 0 : index
    %get3A_2 = vector.load %arg1[%get3A, %get3A_0, %get3A_1] : memref<2x1024x128xf32, #tpu.memory_space<vmem>>, vector<1x1024x128xf32>
    %get3A_3 = vector.shape_cast %get3A_2 : vector<1x1024x128xf32> to vector<1024x128xf32>
    %get3A_4 = arith.constant 1 : index
    %get3A_5 = arith.constant 0 : index
    %get3A_6 = arith.constant 0 : index
    %get3A_7 = vector.load %arg1[%get3A_4, %get3A_5, %get3A_6] : memref<2x1024x128xf32, #tpu.memory_space<vmem>>, vector<1x1024x128xf32>
    %get3A_8 = vector.shape_cast %get3A_7 : vector<1x1024x128xf32> to vector<1024x128xf32>
    %add3A = arith.addf %get3A_3, %get3A_8 : vector<1024x128xf32>
    %get3A_9 = arith.constant 0 : index
    %get3A_10 = arith.constant 0 : index
    %get3A_11 = vector.load %arg2[%get3A_9, %get3A_10] : memref<1024x1xf32, #tpu.memory_space<vmem>>, vector<1024x1xf32>
    %mul3A = vector.broadcast %get3A_11 : vector<1024x1xf32> to vector<1024x128xf32>
    %mul3A_12 = arith.mulf %add3A, %mul3A : vector<1024x128xf32>
    %get3A_13 = arith.constant 0 : index
    %get3A_14 = arith.constant 0 : index
    %get3A_15 = vector.load %arg4[%get3A_13, %get3A_14] : memref<128x256xf32, #tpu.memory_space<vmem>>, vector<128x256xf32>
    %dot_general3A = arith.constant dense<0.000000e+00> : vector<1024x256xf32>
    %dot_general3A_16 = tpu.matmul %mul3A_12, %get3A_15, %dot_general3A {dimension_numbers = #tpu.dot_dimension_numbers<[1], [0], [0], [1], [0, 0, 1, 1], [], []>, transpose_lhs_hint = false} : vector<1024x128xf32>, vector<128x256xf32>, vector<1024x256xf32> -> vector<1024x256xf32>
    %get3A_17 = arith.constant 0 : index
    %get3A_18 = arith.constant 0 : index
    %get3A_19 = vector.load %arg5[%get3A_17, %get3A_18] : memref<1x256xf32, #tpu.memory_space<vmem>>, vector<1x256xf32>
    %add3A_20 = vector.broadcast %get3A_19 : vector<1x256xf32> to vector<1024x256xf32>
    %add3A_21 = arith.addf %dot_general3A_16, %add3A_20 : vector<1024x256xf32>
    %max3A = arith.constant 0.000000e+00 : f32
    %max3A_22 = vector.broadcast %max3A : f32 to vector<1024x256xf32>
    %max3A_23 = arith.maximumf %add3A_21, %max3A_22 : vector<1024x256xf32>
    %get3A_24 = arith.constant 0 : index
    %get3A_25 = arith.constant 0 : index
    %get3A_26 = vector.load %arg3[%get3A_24, %get3A_25] : memref<1024x1xf32, #tpu.memory_space<vmem>>, vector<1024x1xf32>
    %mul3A_27 = vector.broadcast %get3A_26 : vector<1024x1xf32> to vector<1024x256xf32>
    %mul3A_28 = arith.mulf %max3A_23, %mul3A_27 : vector<1024x256xf32>
    %slice3A = vector.extract_strided_slice %mul3A_28 {offsets = [0, 0], sizes = [1024, 128], strides = [1, 1]} : vector<1024x256xf32> to vector<1024x128xf32>
    %swap3A = arith.constant 0 : index
    %swap3A_29 = arith.constant 0 : index
    %swap3A_30 = vector.load %arg6[%swap3A, %swap3A_29] : memref<1024x128xf32, #tpu.memory_space<vmem>>, vector<1024x128xf32>
    tpu.vector_store %arg6[%swap3A, %swap3A_29], %slice3A {strides = array<i32>} : memref<1024x128xf32, #tpu.memory_space<vmem>>, vector<1024x128xf32>,
    %slice3A_31 = vector.extract_strided_slice %mul3A_28 {offsets = [0, 128], sizes = [1024, 128], strides = [1, 1]} : vector<1024x256xf32> to vector<1024x128xf32>
    %swap3A_32 = arith.constant 0 : index
    %swap3A_33 = arith.constant 0 : index
    %swap3A_34 = vector.load %arg7[%swap3A_32, %swap3A_33] : memref<1024x128xf32, #tpu.memory_space<vmem>>, vector<1024x128xf32>
    tpu.vector_store %arg7[%swap3A_32, %swap3A_33], %slice3A_31 {strides = array<i32>} : memref<1024x128xf32, #tpu.memory_space<vmem>>, vector<1024x128xf32>,
    return
  }
  func.func @transform_0(%arg0: i32) -> (i32, i32, i32) {
    %c0_i32 = arith.constant 0 : i32
    %c0_i32_0 = arith.constant 0 : i32
    %c0_i32_1 = arith.constant 0 : i32
    return %c0_i32, %arg0, %c0_i32_0 : i32, i32, i32
  }
  func.func @transform_1(%arg0: i32) -> (i32, i32) {
    %c0_i32 = arith.constant 0 : i32
    %c0_i32_0 = arith.constant 0 : i32
    return %arg0, %c0_i32 : i32, i32
  }
  func.func @transform_2(%arg0: i32) -> (i32, i32) {
    %c0_i32 = arith.constant 0 : i32
    %c0_i32_0 = arith.constant 0 : i32
    return %arg0, %c0_i32 : i32, i32
  }
  func.func @transform_3(%arg0: i32) -> (i32, i32) {
    %c0_i32 = arith.constant 0 : i32
    %c0_i32_0 = arith.constant 0 : i32
    %c0_i32_1 = arith.constant 0 : i32
    return %c0_i32, %c0_i32_0 : i32, i32
  }
  func.func @transform_4(%arg0: i32) -> (i32, i32) {
    %c0_i32 = arith.constant 0 : i32
    %c0_i32_0 = arith.constant 0 : i32
    %c0_i32_1 = arith.constant 0 : i32
    return %c0_i32, %c0_i32_0 : i32, i32
  }
  func.func @transform_5(%arg0: i32) -> (i32, i32) {
    %c0_i32 = arith.constant 0 : i32
    %c0_i32_0 = arith.constant 0 : i32
    return %arg0, %c0_i32 : i32, i32
  }
  func.func @transform_6(%arg0: i32) -> (i32, i32) {
    %c0_i32 = arith.constant 0 : i32
    %c0_i32_0 = arith.constant 0 : i32
    return %arg0, %c0_i32 : i32, i32
  }
}

module attributes {stable_mosaic.version = 14 : i64} {
  func.func @_cbt_kernel(%arg0: memref<512x256xf32, #tpu.memory_space<vmem>>, %arg1: memref<1024x256xf32, #tpu.memory_space<vmem>>, %arg2: memref<256x128xf32, #tpu.memory_space<vmem>>, %arg3: memref<1x128xf32, #tpu.memory_space<vmem>>, %arg4: memref<128x64xf32, #tpu.memory_space<vmem>>, %arg5: memref<1x64xf32, #tpu.memory_space<vmem>>, %arg6: memref<256x128xf32, #tpu.memory_space<vmem>>, %arg7: memref<1x128xf32, #tpu.memory_space<vmem>>, %arg8: memref<128x64xf32, #tpu.memory_space<vmem>>, %arg9: memref<1x64xf32, #tpu.memory_space<vmem>>, %arg10: memref<512x128xf32, #tpu.memory_space<vmem>>, %arg11: memref<1024x128xf32, #tpu.memory_space<vmem>>) attributes {dimension_semantics = [], scalar_prefetch = 0 : i64, scratch_operands = 0 : i64, tpu.core_type = #tpu.core_type<tc>} {
    %get3A = arith.constant 0 : index
    %get3A_0 = arith.constant 0 : index
    %get3A_1 = vector.load %arg0[%get3A, %get3A_0] : memref<512x256xf32, #tpu.memory_space<vmem>>, vector<512x256xf32>
    %get3A_2 = arith.constant 0 : index
    %get3A_3 = arith.constant 0 : index
    %get3A_4 = vector.load %arg1[%get3A_2, %get3A_3] : memref<1024x256xf32, #tpu.memory_space<vmem>>, vector<1024x256xf32>
    %broadcast_in_dim3A = arith.constant 0.000000e+00 : f32
    %broadcast_in_dim3A_5 = vector.broadcast %broadcast_in_dim3A : f32 to vector<512x64xf32>
    %broadcast_in_dim3A_6 = arith.constant 0.000000e+00 : f32
    %broadcast_in_dim3A_7 = vector.broadcast %broadcast_in_dim3A_6 : f32 to vector<1024x64xf32>
    %get3A_8 = arith.constant 0 : index
    %get3A_9 = arith.constant 0 : index
    %get3A_10 = vector.load %arg2[%get3A_8, %get3A_9] : memref<256x128xf32, #tpu.memory_space<vmem>>, vector<256x128xf32>
    %dot_general3A = arith.constant dense<0.000000e+00> : vector<512x128xf32>
    %dot_general3A_11 = tpu.matmul %get3A_1, %get3A_10, %dot_general3A {dimension_numbers = #tpu.dot_dimension_numbers<[1], [0], [0], [1], [0, 0, 1, 1], [], []>, transpose_lhs_hint = false} : vector<512x256xf32>, vector<256x128xf32>, vector<512x128xf32> -> vector<512x128xf32>
    %get3A_12 = arith.constant 0 : index
    %get3A_13 = arith.constant 0 : index
    %get3A_14 = vector.load %arg3[%get3A_12, %get3A_13] : memref<1x128xf32, #tpu.memory_space<vmem>>, vector<1x128xf32>
    %add3A = vector.broadcast %get3A_14 : vector<1x128xf32> to vector<512x128xf32>
    %add3A_15 = arith.addf %dot_general3A_11, %add3A : vector<512x128xf32>
    %max3A = arith.constant 0.000000e+00 : f32
    %max3A_16 = vector.broadcast %max3A : f32 to vector<512x128xf32>
    %max3A_17 = arith.maximumf %add3A_15, %max3A_16 : vector<512x128xf32>
    %get3A_18 = arith.constant 0 : index
    %get3A_19 = arith.constant 0 : index
    %get3A_20 = vector.load %arg4[%get3A_18, %get3A_19] : memref<128x64xf32, #tpu.memory_space<vmem>>, vector<128x64xf32>
    %dot_general3A_21 = arith.constant dense<0.000000e+00> : vector<512x64xf32>
    %dot_general3A_22 = tpu.matmul %max3A_17, %get3A_20, %dot_general3A_21 {dimension_numbers = #tpu.dot_dimension_numbers<[1], [0], [0], [1], [0, 0, 1, 1], [], []>, transpose_lhs_hint = false} : vector<512x128xf32>, vector<128x64xf32>, vector<512x64xf32> -> vector<512x64xf32>
    %get3A_23 = arith.constant 0 : index
    %get3A_24 = arith.constant 0 : index
    %get3A_25 = vector.load %arg5[%get3A_23, %get3A_24] : memref<1x64xf32, #tpu.memory_space<vmem>>, vector<1x64xf32>
    %add3A_26 = vector.broadcast %get3A_25 : vector<1x64xf32> to vector<512x64xf32>
    %add3A_27 = arith.addf %dot_general3A_22, %add3A_26 : vector<512x64xf32>
    %concatenate3A = tpu.concatenate %add3A_27, %broadcast_in_dim3A_5 in 1 : vector<512x64xf32>, vector<512x64xf32> -> vector<512x128xf32>
    %swap3A = arith.constant 0 : index
    %swap3A_28 = arith.constant 0 : index
    %swap3A_29 = vector.load %arg10[%swap3A, %swap3A_28] : memref<512x128xf32, #tpu.memory_space<vmem>>, vector<512x128xf32>
    tpu.vector_store %arg10[%swap3A, %swap3A_28], %concatenate3A {strides = array<i32>} : memref<512x128xf32, #tpu.memory_space<vmem>>, vector<512x128xf32>,
    %get3A_30 = arith.constant 0 : index
    %get3A_31 = arith.constant 0 : index
    %get3A_32 = vector.load %arg6[%get3A_30, %get3A_31] : memref<256x128xf32, #tpu.memory_space<vmem>>, vector<256x128xf32>
    %dot_general3A_33 = arith.constant dense<0.000000e+00> : vector<1024x128xf32>
    %dot_general3A_34 = tpu.matmul %get3A_4, %get3A_32, %dot_general3A_33 {dimension_numbers = #tpu.dot_dimension_numbers<[1], [0], [0], [1], [0, 0, 1, 1], [], []>, transpose_lhs_hint = false} : vector<1024x256xf32>, vector<256x128xf32>, vector<1024x128xf32> -> vector<1024x128xf32>
    %get3A_35 = arith.constant 0 : index
    %get3A_36 = arith.constant 0 : index
    %get3A_37 = vector.load %arg7[%get3A_35, %get3A_36] : memref<1x128xf32, #tpu.memory_space<vmem>>, vector<1x128xf32>
    %add3A_38 = vector.broadcast %get3A_37 : vector<1x128xf32> to vector<1024x128xf32>
    %add3A_39 = arith.addf %dot_general3A_34, %add3A_38 : vector<1024x128xf32>
    %max3A_40 = arith.constant 0.000000e+00 : f32
    %max3A_41 = vector.broadcast %max3A_40 : f32 to vector<1024x128xf32>
    %max3A_42 = arith.maximumf %add3A_39, %max3A_41 : vector<1024x128xf32>
    %get3A_43 = arith.constant 0 : index
    %get3A_44 = arith.constant 0 : index
    %get3A_45 = vector.load %arg8[%get3A_43, %get3A_44] : memref<128x64xf32, #tpu.memory_space<vmem>>, vector<128x64xf32>
    %dot_general3A_46 = arith.constant dense<0.000000e+00> : vector<1024x64xf32>
    %dot_general3A_47 = tpu.matmul %max3A_42, %get3A_45, %dot_general3A_46 {dimension_numbers = #tpu.dot_dimension_numbers<[1], [0], [0], [1], [0, 0, 1, 1], [], []>, transpose_lhs_hint = false} : vector<1024x128xf32>, vector<128x64xf32>, vector<1024x64xf32> -> vector<1024x64xf32>
    %get3A_48 = arith.constant 0 : index
    %get3A_49 = arith.constant 0 : index
    %get3A_50 = vector.load %arg9[%get3A_48, %get3A_49] : memref<1x64xf32, #tpu.memory_space<vmem>>, vector<1x64xf32>
    %add3A_51 = vector.broadcast %get3A_50 : vector<1x64xf32> to vector<1024x64xf32>
    %add3A_52 = arith.addf %dot_general3A_47, %add3A_51 : vector<1024x64xf32>
    %concatenate3A_53 = tpu.concatenate %add3A_52, %broadcast_in_dim3A_7 in 1 : vector<1024x64xf32>, vector<1024x64xf32> -> vector<1024x128xf32>
    %swap3A_54 = arith.constant 0 : index
    %swap3A_55 = arith.constant 0 : index
    %swap3A_56 = vector.load %arg11[%swap3A_54, %swap3A_55] : memref<1024x128xf32, #tpu.memory_space<vmem>>, vector<1024x128xf32>
    tpu.vector_store %arg11[%swap3A_54, %swap3A_55], %concatenate3A_53 {strides = array<i32>} : memref<1024x128xf32, #tpu.memory_space<vmem>>, vector<1024x128xf32>,
    return
  }
}

module attributes {stable_mosaic.version = 14 : i64} {
  func.func @_h2_kernel(%arg0: i32, %arg1: memref<2x1024x128xf32, #tpu.memory_space<vmem>>, %arg2: memref<2x1024x128xf32, #tpu.memory_space<vmem>>, %arg3: memref<1024x1xf32, #tpu.memory_space<vmem>>, %arg4: memref<256x256xf32, #tpu.memory_space<vmem>>, %arg5: memref<1x256xf32, #tpu.memory_space<vmem>>, %arg6: memref<1024x256xf32, #tpu.memory_space<vmem>>) attributes {dimension_semantics = [#tpu.dimension_semantics<arbitrary>], iteration_bounds = array<i64: 10>, scalar_prefetch = 0 : i64, scratch_operands = 0 : i64, tpu.core_type = #tpu.core_type<tc>, window_params = [{transform_indices = @transform_0, window_bounds = array<i64: 2, 1024, 128>}, {transform_indices = @transform_1, window_bounds = array<i64: 2, 1024, 128>}, {transform_indices = @transform_2, window_bounds = array<i64: 1024, 1>}, {pipeline_mode = #tpu.pipeline_mode<synchronous>, transform_indices = @transform_3, window_bounds = array<i64: 256, 256>}, {pipeline_mode = #tpu.pipeline_mode<synchronous>, transform_indices = @transform_4, window_bounds = array<i64: 1, 256>}, {transform_indices = @transform_5, window_bounds = array<i64: 1024, 256>}]} {
    %get3A = arith.constant 0 : index
    %get3A_0 = arith.constant 0 : index
    %get3A_1 = arith.constant 0 : index
    %get3A_2 = vector.load %arg1[%get3A, %get3A_0, %get3A_1] : memref<2x1024x128xf32, #tpu.memory_space<vmem>>, vector<1x1024x128xf32>
    %get3A_3 = vector.shape_cast %get3A_2 : vector<1x1024x128xf32> to vector<1024x128xf32>
    %get3A_4 = arith.constant 1 : index
    %get3A_5 = arith.constant 0 : index
    %get3A_6 = arith.constant 0 : index
    %get3A_7 = vector.load %arg1[%get3A_4, %get3A_5, %get3A_6] : memref<2x1024x128xf32, #tpu.memory_space<vmem>>, vector<1x1024x128xf32>
    %get3A_8 = vector.shape_cast %get3A_7 : vector<1x1024x128xf32> to vector<1024x128xf32>
    %add3A = arith.addf %get3A_3, %get3A_8 : vector<1024x128xf32>
    %get3A_9 = arith.constant 0 : index
    %get3A_10 = arith.constant 0 : index
    %get3A_11 = vector.load %arg3[%get3A_9, %get3A_10] : memref<1024x1xf32, #tpu.memory_space<vmem>>, vector<1024x1xf32>
    %mul3A = vector.broadcast %get3A_11 : vector<1024x1xf32> to vector<1024x128xf32>
    %mul3A_12 = arith.mulf %add3A, %mul3A : vector<1024x128xf32>
    %get3A_13 = arith.constant 0 : index
    %get3A_14 = arith.constant 0 : index
    %get3A_15 = arith.constant 0 : index
    %get3A_16 = vector.load %arg2[%get3A_13, %get3A_14, %get3A_15] : memref<2x1024x128xf32, #tpu.memory_space<vmem>>, vector<1x1024x128xf32>
    %get3A_17 = vector.shape_cast %get3A_16 : vector<1x1024x128xf32> to vector<1024x128xf32>
    %get3A_18 = arith.constant 1 : index
    %get3A_19 = arith.constant 0 : index
    %get3A_20 = arith.constant 0 : index
    %get3A_21 = vector.load %arg2[%get3A_18, %get3A_19, %get3A_20] : memref<2x1024x128xf32, #tpu.memory_space<vmem>>, vector<1x1024x128xf32>
    %get3A_22 = vector.shape_cast %get3A_21 : vector<1x1024x128xf32> to vector<1024x128xf32>
    %add3A_23 = arith.addf %get3A_17, %get3A_22 : vector<1024x128xf32>
    %get3A_24 = arith.constant 0 : index
    %get3A_25 = arith.constant 0 : index
    %get3A_26 = vector.load %arg3[%get3A_24, %get3A_25] : memref<1024x1xf32, #tpu.memory_space<vmem>>, vector<1024x1xf32>
    %mul3A_27 = vector.broadcast %get3A_26 : vector<1024x1xf32> to vector<1024x128xf32>
    %mul3A_28 = arith.mulf %add3A_23, %mul3A_27 : vector<1024x128xf32>
    %get3A_29 = arith.constant 0 : index
    %get3A_30 = arith.constant 0 : index
    %get3A_31 = vector.load %arg4[%get3A_29, %get3A_30] : memref<256x256xf32, #tpu.memory_space<vmem>>, vector<256x256xf32>
    %slice3A = vector.extract_strided_slice %get3A_31 {offsets = [0, 0], sizes = [128, 256], strides = [1, 1]} : vector<256x256xf32> to vector<128x256xf32>
    %dot_general3A = arith.constant dense<0.000000e+00> : vector<1024x256xf32>
    %dot_general3A_32 = tpu.matmul %mul3A_12, %slice3A, %dot_general3A {dimension_numbers = #tpu.dot_dimension_numbers<[1], [0], [0], [1], [0, 0, 1, 1], [], []>, transpose_lhs_hint = false} : vector<1024x128xf32>, vector<128x256xf32>, vector<1024x256xf32> -> vector<1024x256xf32>
    %slice3A_33 = vector.extract_strided_slice %get3A_31 {offsets = [128, 0], sizes = [128, 256], strides = [1, 1]} : vector<256x256xf32> to vector<128x256xf32>
    %dot_general3A_34 = arith.constant dense<0.000000e+00> : vector<1024x256xf32>
    %dot_general3A_35 = tpu.matmul %mul3A_28, %slice3A_33, %dot_general3A_34 {dimension_numbers = #tpu.dot_dimension_numbers<[1], [0], [0], [1], [0, 0, 1, 1], [], []>, transpose_lhs_hint = false} : vector<1024x128xf32>, vector<128x256xf32>, vector<1024x256xf32> -> vector<1024x256xf32>
    %add3A_36 = arith.addf %dot_general3A_32, %dot_general3A_35 : vector<1024x256xf32>
    %get3A_37 = arith.constant 0 : index
    %get3A_38 = arith.constant 0 : index
    %get3A_39 = vector.load %arg5[%get3A_37, %get3A_38] : memref<1x256xf32, #tpu.memory_space<vmem>>, vector<1x256xf32>
    %add3A_40 = vector.broadcast %get3A_39 : vector<1x256xf32> to vector<1024x256xf32>
    %add3A_41 = arith.addf %add3A_36, %add3A_40 : vector<1024x256xf32>
    %swap3A = arith.constant 0 : index
    %swap3A_42 = arith.constant 0 : index
    %swap3A_43 = vector.load %arg6[%swap3A, %swap3A_42] : memref<1024x256xf32, #tpu.memory_space<vmem>>, vector<1024x256xf32>
    tpu.vector_store %arg6[%swap3A, %swap3A_42], %add3A_41 {strides = array<i32>} : memref<1024x256xf32, #tpu.memory_space<vmem>>, vector<1024x256xf32>,
    return
  }
  func.func @transform_0(%arg0: i32) -> (i32, i32, i32) {
    %c0_i32 = arith.constant 0 : i32
    %c0_i32_0 = arith.constant 0 : i32
    %c0_i32_1 = arith.constant 0 : i32
    return %c0_i32, %arg0, %c0_i32_0 : i32, i32, i32
  }
  func.func @transform_1(%arg0: i32) -> (i32, i32, i32) {
    %c0_i32 = arith.constant 0 : i32
    %c0_i32_0 = arith.constant 0 : i32
    %c0_i32_1 = arith.constant 0 : i32
    return %c0_i32, %arg0, %c0_i32_0 : i32, i32, i32
  }
  func.func @transform_2(%arg0: i32) -> (i32, i32) {
    %c0_i32 = arith.constant 0 : i32
    %c0_i32_0 = arith.constant 0 : i32
    return %arg0, %c0_i32 : i32, i32
  }
  func.func @transform_3(%arg0: i32) -> (i32, i32) {
    %c0_i32 = arith.constant 0 : i32
    %c0_i32_0 = arith.constant 0 : i32
    %c0_i32_1 = arith.constant 0 : i32
    return %c0_i32, %c0_i32_0 : i32, i32
  }
  func.func @transform_4(%arg0: i32) -> (i32, i32) {
    %c0_i32 = arith.constant 0 : i32
    %c0_i32_0 = arith.constant 0 : i32
    %c0_i32_1 = arith.constant 0 : i32
    return %c0_i32, %c0_i32_0 : i32, i32
  }
  func.func @transform_5(%arg0: i32) -> (i32, i32) {
    %c0_i32 = arith.constant 0 : i32
    %c0_i32_0 = arith.constant 0 : i32
    return %arg0, %c0_i32 : i32, i32
  }
}

module attributes {stable_mosaic.version = 14 : i64} {
  func.func @_vq_kernel(%arg0: i32, %arg1: memref<1024x256xf32, #tpu.memory_space<vmem>>, %arg2: memref<1024x1xf32, #tpu.memory_space<vmem>>, %arg3: memref<512x256xf32, #tpu.memory_space<vmem>>, %arg4: memref<1024x256xf32, #tpu.memory_space<vmem>>, %arg5: memref<1x1x1024xi32, #tpu.memory_space<vmem>>, %arg6: memref<1x1x1024xi32, #tpu.memory_space<vmem>>, %arg7: memref<1x1xf32, #tpu.memory_space<vmem>>, %arg8: memref<1x1xf32, #tpu.memory_space<vmem>>) attributes {dimension_semantics = [#tpu.dimension_semantics<arbitrary>], iteration_bounds = array<i64: 10>, scalar_prefetch = 0 : i64, scratch_operands = 0 : i64, tpu.core_type = #tpu.core_type<tc>, window_params = [{transform_indices = @transform_0, window_bounds = array<i64: 1024, 256>}, {transform_indices = @transform_1, window_bounds = array<i64: 1024, 1>}, {pipeline_mode = #tpu.pipeline_mode<synchronous>, transform_indices = @transform_2, window_bounds = array<i64: 512, 256>}, {pipeline_mode = #tpu.pipeline_mode<synchronous>, transform_indices = @transform_3, window_bounds = array<i64: 1024, 256>}, {transform_indices = @transform_4, window_bounds = array<i64: 1, 1, 1024>}, {transform_indices = @transform_5, window_bounds = array<i64: 1, 1, 1024>}, {pipeline_mode = #tpu.pipeline_mode<synchronous>, transform_indices = @transform_6, window_bounds = array<i64: 1, 1>}, {pipeline_mode = #tpu.pipeline_mode<synchronous>, transform_indices = @transform_7, window_bounds = array<i64: 1, 1>}]} {
    %get3A = arith.constant 0 : index
    %get3A_0 = arith.constant 0 : index
    %get3A_1 = vector.load %arg1[%get3A, %get3A_0] : memref<1024x256xf32, #tpu.memory_space<vmem>>, vector<1024x256xf32>
    %get3A_2 = arith.constant 0 : index
    %get3A_3 = arith.constant 0 : index
    %get3A_4 = vector.load %arg2[%get3A_2, %get3A_3] : memref<1024x1xf32, #tpu.memory_space<vmem>>, vector<1024x1xf32>
    %get3A_5 = arith.constant 0 : index
    %get3A_6 = arith.constant 0 : index
    %get3A_7 = vector.load %arg3[%get3A_5, %get3A_6] : memref<512x256xf32, #tpu.memory_space<vmem>>, vector<512x256xf32>
    %dot_general3A = arith.constant dense<0.000000e+00> : vector<1024x512xf32>
    %dot_general3A_8 = tpu.matmul %get3A_1, %get3A_7, %dot_general3A {dimension_numbers = #tpu.dot_dimension_numbers<[1], [1], [0], [0], [0, 0, 1, 0], [], []>, transpose_lhs_hint = false} : vector<1024x256xf32>, vector<512x256xf32>, vector<1024x512xf32> -> vector<1024x512xf32>
    %reduce_max3A = arith.constant dense<0xFF800000> : vector<1024xf32>
    %reduce_max3A_9 = vector.multi_reduction <maximumf>, %dot_general3A_8, %reduce_max3A [1] : vector<1024x512xf32> to vector<1024xf32>
    %broadcast_in_dim3A = vector.shape_cast %reduce_max3A_9 : vector<1024xf32> to vector<1024x1xf32>
    %iota3A = tpu.iota {dimensions = array<i32: 1>} : vector<1024x512xi32>
    %eq3A = vector.broadcast %broadcast_in_dim3A : vector<1024x1xf32> to vector<1024x512xf32>
    %eq3A_10 = arith.cmpf oeq, %dot_general3A_8, %eq3A : vector<1024x512xf32>
    %jit3A = arith.constant 512 : i32
    %broadcast_in_dim3A_11 = vector.broadcast %jit3A : i32 to vector<1024x512xi32>
    %select_n3A = arith.select %eq3A_10, %iota3A, %broadcast_in_dim3A_11 : vector<1024x512xi1>, vector<1024x512xi32>
    %reduce_min3A = arith.constant dense<2147483647> : vector<1024xi32>
    %reduce_min3A_12 = vector.multi_reduction <minsi>, %select_n3A, %reduce_min3A [1] : vector<1024x512xi32> to vector<1024xi32>
    %squeeze3A = vector.shape_cast %broadcast_in_dim3A : vector<1024x1xf32> to vector<1024xf32>
    %get3A_13 = arith.constant 0 : index
    %get3A_14 = arith.constant 0 : index
    %get3A_15 = vector.load %arg4[%get3A_13, %get3A_14] : memref<1024x256xf32, #tpu.memory_space<vmem>>, vector<1024x256xf32>
    %dot_general3A_16 = arith.constant dense<0.000000e+00> : vector<1024x1024xf32>
    %dot_general3A_17 = tpu.matmul %get3A_1, %get3A_15, %dot_general3A_16 {dimension_numbers = #tpu.dot_dimension_numbers<[1], [1], [0], [0], [0, 0, 1, 0], [], []>, transpose_lhs_hint = false} : vector<1024x256xf32>, vector<1024x256xf32>, vector<1024x1024xf32> -> vector<1024x1024xf32>
    %reduce_max3A_18 = arith.constant dense<0xFF800000> : vector<1024xf32>
    %reduce_max3A_19 = vector.multi_reduction <maximumf>, %dot_general3A_17, %reduce_max3A_18 [1] : vector<1024x1024xf32> to vector<1024xf32>
    %broadcast_in_dim3A_20 = vector.shape_cast %reduce_max3A_19 : vector<1024xf32> to vector<1024x1xf32>
    %iota3A_21 = tpu.iota {dimensions = array<i32: 1>} : vector<1024x1024xi32>
    %eq3A_22 = vector.broadcast %broadcast_in_dim3A_20 : vector<1024x1xf32> to vector<1024x1024xf32>
    %eq3A_23 = arith.cmpf oeq, %dot_general3A_17, %eq3A_22 : vector<1024x1024xf32>
    %jit3A_24 = arith.constant 1024 : i32
    %broadcast_in_dim3A_25 = vector.broadcast %jit3A_24 : i32 to vector<1024x1024xi32>
    %select_n3A_26 = arith.select %eq3A_23, %iota3A_21, %broadcast_in_dim3A_25 : vector<1024x1024xi1>, vector<1024x1024xi32>
    %reduce_min3A_27 = arith.constant dense<2147483647> : vector<1024xi32>
    %reduce_min3A_28 = vector.multi_reduction <minsi>, %select_n3A_26, %reduce_min3A_27 [1] : vector<1024x1024xi32> to vector<1024xi32>
    %squeeze3A_29 = vector.shape_cast %broadcast_in_dim3A_20 : vector<1024x1xf32> to vector<1024xf32>
    %reshape3A = vector.shape_cast %reduce_min3A_12 : vector<1024xi32> to vector<1x1x1024xi32>
    %swap3A = arith.constant 0 : index
    %swap3A_30 = arith.constant 0 : index
    %swap3A_31 = arith.constant 0 : index
    %swap3A_32 = vector.load %arg5[%swap3A, %swap3A_30, %swap3A_31] : memref<1x1x1024xi32, #tpu.memory_space<vmem>>, vector<1x1x1024xi32>
    tpu.vector_store %arg5[%swap3A, %swap3A_30, %swap3A_31], %reshape3A {strides = array<i32>} : memref<1x1x1024xi32, #tpu.memory_space<vmem>>, vector<1x1x1024xi32>,
    %reshape3A_33 = vector.shape_cast %reduce_min3A_28 : vector<1024xi32> to vector<1x1x1024xi32>
    %swap3A_34 = arith.constant 0 : index
    %swap3A_35 = arith.constant 0 : index
    %swap3A_36 = arith.constant 0 : index
    %swap3A_37 = vector.load %arg6[%swap3A_34, %swap3A_35, %swap3A_36] : memref<1x1x1024xi32, #tpu.memory_space<vmem>>, vector<1x1x1024xi32>
    tpu.vector_store %arg6[%swap3A_34, %swap3A_35, %swap3A_36], %reshape3A_33 {strides = array<i32>} : memref<1x1x1024xi32, #tpu.memory_space<vmem>>, vector<1x1x1024xi32>,
    %iota3A_38 = tpu.iota {dimensions = array<i32: 1>} : vector<1x1024xi32>
    %iota3A_39 = vector.shape_cast %iota3A_38 : vector<1x1024xi32> to vector<1024xi32>
    %mul3A = arith.constant 1024 : i32
    %mul3A_40 = arith.muli %arg0, %mul3A : i32
    %add3A = vector.broadcast %mul3A_40 : i32 to vector<1024xi32>
    %add3A_41 = arith.addi %iota3A_39, %add3A : vector<1024xi32>
    %lt3A = arith.constant 10000 : i32
    %lt3A_42 = vector.broadcast %lt3A : i32 to vector<1024xi32>
    %lt3A_43 = arith.cmpi slt, %add3A_41, %lt3A_42 : vector<1024xi32>
    %squeeze3A_44 = vector.shape_cast %get3A_4 : vector<1024x1xf32> to vector<1024xf32>
    %mul3A_45 = arith.mulf %squeeze3A_44, %squeeze3A_44 : vector<1024xf32>
    %mul3A_46 = arith.constant 2.000000e+00 : f32
    %mul3A_47 = vector.broadcast %mul3A_46 : f32 to vector<1024xf32>
    %mul3A_48 = arith.mulf %mul3A_47, %squeeze3A : vector<1024xf32>
    %mul3A_49 = arith.mulf %mul3A_48, %squeeze3A_44 : vector<1024xf32>
    %sub3A = arith.constant 1.000000e+00 : f32
    %sub3A_50 = vector.broadcast %sub3A : f32 to vector<1024xf32>
    %sub3A_51 = arith.subf %sub3A_50, %mul3A_49 : vector<1024xf32>
    %add3A_52 = arith.addf %sub3A_51, %mul3A_45 : vector<1024xf32>
    %jit3A_53 = arith.constant 0.000000e+00 : f32
    %broadcast_in_dim3A_54 = vector.broadcast %jit3A_53 : f32 to vector<1024xf32>
    %select_n3A_55 = arith.select %lt3A_43, %add3A_52, %broadcast_in_dim3A_54 : vector<1024xi1>, vector<1024xf32>
    %reduce_sum3A = vector.shape_cast %select_n3A_55 : vector<1024xf32> to vector<1x1024xf32>
    %reduce_sum3A_56 = arith.constant dense<0.000000e+00> : vector<1xf32>
    %reduce_sum3A_57 = vector.multi_reduction <add>, %reduce_sum3A, %reduce_sum3A_56 [1] : vector<1x1024xf32> to vector<1xf32>
    %reduce_sum3A_58 = vector.shape_cast %reduce_sum3A_57 : vector<1xf32> to vector<1x1xf32>
    %reduce_sum3A_59 = vector.extract %reduce_sum3A_58[0, 0] : f32 from vector<1x1xf32>
    %mul3A_60 = arith.constant 2.000000e+00 : f32
    %mul3A_61 = vector.broadcast %mul3A_60 : f32 to vector<1024xf32>
    %mul3A_62 = arith.mulf %mul3A_61, %squeeze3A_29 : vector<1024xf32>
    %mul3A_63 = arith.mulf %mul3A_62, %squeeze3A_44 : vector<1024xf32>
    %sub3A_64 = arith.constant 1.000000e+00 : f32
    %sub3A_65 = vector.broadcast %sub3A_64 : f32 to vector<1024xf32>
    %sub3A_66 = arith.subf %sub3A_65, %mul3A_63 : vector<1024xf32>
    %add3A_67 = arith.addf %sub3A_66, %mul3A_45 : vector<1024xf32>
    %jit3A_68 = arith.constant 0.000000e+00 : f32
    %broadcast_in_dim3A_69 = vector.broadcast %jit3A_68 : f32 to vector<1024xf32>
    %select_n3A_70 = arith.select %lt3A_43, %add3A_67, %broadcast_in_dim3A_69 : vector<1024xi1>, vector<1024xf32>
    %reduce_sum3A_71 = vector.shape_cast %select_n3A_70 : vector<1024xf32> to vector<1x1024xf32>
    %reduce_sum3A_72 = arith.constant dense<0.000000e+00> : vector<1xf32>
    %reduce_sum3A_73 = vector.multi_reduction <add>, %reduce_sum3A_71, %reduce_sum3A_72 [1] : vector<1x1024xf32> to vector<1xf32>
    %reduce_sum3A_74 = vector.shape_cast %reduce_sum3A_73 : vector<1xf32> to vector<1x1xf32>
    %reduce_sum3A_75 = vector.extract %reduce_sum3A_74[0, 0] : f32 from vector<1x1xf32>
    %eq3A_76 = arith.constant 0 : i32
    %eq3A_77 = arith.cmpi eq, %arg0, %eq3A_76 : i32
    %convert_element_type3A = arith.extui %eq3A_77 : i1 to i32
    %cond3A = arith.constant 0 : i32
    %cond3A_78 = arith.cmpi ne, %convert_element_type3A, %cond3A : i32
    scf.if %cond3A_78 {
      %broadcast_in_dim3A_95 = arith.constant 0.000000e+00 : f32
      %broadcast_in_dim3A_96 = vector.broadcast %broadcast_in_dim3A_95 : f32 to vector<1x1xf32>
      %swap3A_97 = arith.constant 0 : index
      %swap3A_98 = arith.constant 0 : index
      %swap3A_99 = vector.load %arg7[%swap3A_97, %swap3A_98] : memref<1x1xf32, #tpu.memory_space<vmem>>, vector<1x1xf32>
      tpu.vector_store %arg7[%swap3A_97, %swap3A_98], %broadcast_in_dim3A_96 {strides = array<i32>} : memref<1x1xf32, #tpu.memory_space<vmem>>, vector<1x1xf32>,
      %broadcast_in_dim3A_100 = arith.constant 0.000000e+00 : f32
      %broadcast_in_dim3A_101 = vector.broadcast %broadcast_in_dim3A_100 : f32 to vector<1x1xf32>
      %swap3A_102 = arith.constant 0 : index
      %swap3A_103 = arith.constant 0 : index
      %swap3A_104 = vector.load %arg8[%swap3A_102, %swap3A_103] : memref<1x1xf32, #tpu.memory_space<vmem>>, vector<1x1xf32>
      tpu.vector_store %arg8[%swap3A_102, %swap3A_103], %broadcast_in_dim3A_101 {strides = array<i32>} : memref<1x1xf32, #tpu.memory_space<vmem>>, vector<1x1xf32>,
    } else {
    }
    %get3A_79 = arith.constant 0 : index
    %get3A_80 = arith.constant 0 : index
    %get3A_81 = vector.load %arg7[%get3A_79, %get3A_80] : memref<1x1xf32, #tpu.memory_space<vmem>>, vector<1x1xf32>
    %add3A_82 = vector.broadcast %reduce_sum3A_59 : f32 to vector<1x1xf32>
    %add3A_83 = arith.addf %get3A_81, %add3A_82 : vector<1x1xf32>
    %swap3A_84 = arith.constant 0 : index
    %swap3A_85 = arith.constant 0 : index
    %swap3A_86 = vector.load %arg7[%swap3A_84, %swap3A_85] : memref<1x1xf32, #tpu.memory_space<vmem>>, vector<1x1xf32>
    tpu.vector_store %arg7[%swap3A_84, %swap3A_85], %add3A_83 {strides = array<i32>} : memref<1x1xf32, #tpu.memory_space<vmem>>, vector<1x1xf32>,
    %get3A_87 = arith.constant 0 : index
    %get3A_88 = arith.constant 0 : index
    %get3A_89 = vector.load %arg8[%get3A_87, %get3A_88] : memref<1x1xf32, #tpu.memory_space<vmem>>, vector<1x1xf32>
    %add3A_90 = vector.broadcast %reduce_sum3A_75 : f32 to vector<1x1xf32>
    %add3A_91 = arith.addf %get3A_89, %add3A_90 : vector<1x1xf32>
    %swap3A_92 = arith.constant 0 : index
    %swap3A_93 = arith.constant 0 : index
    %swap3A_94 = vector.load %arg8[%swap3A_92, %swap3A_93] : memref<1x1xf32, #tpu.memory_space<vmem>>, vector<1x1xf32>
    tpu.vector_store %arg8[%swap3A_92, %swap3A_93], %add3A_91 {strides = array<i32>} : memref<1x1xf32, #tpu.memory_space<vmem>>, vector<1x1xf32>,
    return
  }
  func.func @transform_0(%arg0: i32) -> (i32, i32) {
    %c0_i32 = arith.constant 0 : i32
    %c0_i32_0 = arith.constant 0 : i32
    return %arg0, %c0_i32 : i32, i32
  }
  func.func @transform_1(%arg0: i32) -> (i32, i32) {
    %c0_i32 = arith.constant 0 : i32
    %c0_i32_0 = arith.constant 0 : i32
    return %arg0, %c0_i32 : i32, i32
  }
  func.func @transform_2(%arg0: i32) -> (i32, i32) {
    %c0_i32 = arith.constant 0 : i32
    %c0_i32_0 = arith.constant 0 : i32
    %c0_i32_1 = arith.constant 0 : i32
    return %c0_i32, %c0_i32_0 : i32, i32
  }
  func.func @transform_3(%arg0: i32) -> (i32, i32) {
    %c0_i32 = arith.constant 0 : i32
    %c0_i32_0 = arith.constant 0 : i32
    %c0_i32_1 = arith.constant 0 : i32
    return %c0_i32, %c0_i32_0 : i32, i32
  }
  func.func @transform_4(%arg0: i32) -> (i32, i32, i32) {
    %c0_i32 = arith.constant 0 : i32
    %c0_i32_0 = arith.constant 0 : i32
    %c0_i32_1 = arith.constant 0 : i32
    return %arg0, %c0_i32, %c0_i32_0 : i32, i32, i32
  }
  func.func @transform_5(%arg0: i32) -> (i32, i32, i32) {
    %c0_i32 = arith.constant 0 : i32
    %c0_i32_0 = arith.constant 0 : i32
    %c0_i32_1 = arith.constant 0 : i32
    return %arg0, %c0_i32, %c0_i32_0 : i32, i32, i32
  }
  func.func @transform_6(%arg0: i32) -> (i32, i32) {
    %c0_i32 = arith.constant 0 : i32
    %c0_i32_0 = arith.constant 0 : i32
    %c0_i32_1 = arith.constant 0 : i32
    return %c0_i32, %c0_i32_0 : i32, i32
  }
  func.func @transform_7(%arg0: i32) -> (i32, i32) {
    %c0_i32 = arith.constant 0 : i32
    %c0_i32_0 = arith.constant 0 : i32
    %c0_i32_1 = arith.constant 0 : i32
    return %c0_i32, %c0_i32_0 : i32, i32
  }
}

</mosaic_0001>

<sc_bundles>
// kernel: kernel.11.cloned.1.call-start
scs
__scs_entry_jumppad:
0x0: {  	(pc) =	sbr.rel $0x88, $3  }
0x1: {  	(tag) =	ssettag $0x0;
	lr =	simm.s32 $0x1  }
0x2: {  	[smem:$0x3F91] =	sst lr;
	_ =	strace $0xD0000000  }
0x3: {  	_ = 	snop  }
0x4: {  	_ = 	snop  }
0x5: {  	_ = 	snop  }
0x6: {  	_ = 	snop  }
0x7: {  	_ = 	snop  }
__scs_overlays_trampoline_lowered:
0x8: {  	[smem:$0x3FA0] =	sst s0  }
0x9: {  	[smem:$0x3FA1] =	sst s1  }
0xa: {  	[smem:$0x3FA2] =	sst s2  }
0xb: {  	[smem:$0x3FA3] =	sst s3  }
0xc: {  	[smem:$0x3FA4] =	sst s4  }
0xd: {  	[smem:$0x3FA5] =	sst s5  }
0xe: {  	[smem:$0x3FA6] =	sst s6  }
0xf: {  	[smem:$0x3FA7] =	sst s7  }
0x10: {  	[smem:$0x3FA8] =	sst s8  }
0x11: {  	[smem:$0x3FA9] =	sst s9;
	s0 =	simm.s32 @!p0 $0x0  }
0x12: {  	s1 =	sld [smem:$0x3F8F];
	s0 =	simm.s32 @p0 $0x1  }
0x13: {  	[smem:$0x3FAA] =	sst s0;
	s0 =	simm.s32 @!p1 $0x0  }
0x14: {  	s2 =	sld [smem:$0x3F8E];
	s0 =	simm.s32 @p1 $0x1  }
0x15: {  	[smem:$0x3FAB] =	sst s0;
	s0 =	simm.s32 @!p2 $0x0  }
0x16: {  	s3 =	sld [smem:$0x3FDB];
	s0 =	simm.s32 @p2 $0x1  }
0x17: {  	s4 =	simm.s32 $0x1BF5;
	[smem:$0x3FAD] =	sst s0  }
0x18: {  	s0 =	sld [smem:$0x3F90];
	_ =	swait.ge [sflag:s4], $0x0  }
0x19: {  	s7 =	sld [smem:$0x3F91]  }
0x1a: {  	s8 =	sadd.s32 $0xFFFFE003, lr  }
0x1b: {  	s9 =	sadd.s32 $0xFFFFFEF7, lr;
	s5 =	simm.s32 $0xFFFFFFFF;
	p2 =	slt.u32 s8, $0xFFFFF086  }
0x1c: {  	p1 =	slt.u32 s9, $0xF7A;
	s5 =	simm.s32 @!p2 $0x0  }
0x1d: {  	s5 =	simm.s32 @p1 $0x1;
	p0 =	seq.s32 s7, s2  }
0x1e: {  	s7 =	smul.u32 @!p0 $0xF7A, s2;
	p2 =	seq.s32 @!p0 s5, $0x0  }
0x1f: {  	s9 =	smul.u32 $0xF7A, s1;
	s8 =	simm.s32 @!p0 $0x1BF5;
	p2 =	por !p2, p0  }
0x20: {  	[sflag:s8] =	ssyncset.s32 @!p0 $0xFFFFF086;
	s6 =	sadd.s32 @!p0 s3, s7;
	s7 =	simm.s32 @!p0 $0x108  }
0x21: {  	s3 =	sadd.s32 s3, s9;
	s6 =	sadd.s32 @!p0 $0x88, s6;
	s7 =	simm.s32 @p2 $0x1082  }
0x22: {  	[simem:s7], [sflag:s8] =	dma.local @!p0 [hbm:s6], $0xF7A  }
0x23: {  	s9 =	sor.u32 $0xD0000000, s2;
	s6 =	simm.s32 $0x108;
	_ =	swait.ge @!p0 [sflag:s8], $0x0  }
0x24: {  	s3 =	sadd.s32 $0x88, s3;
	s6 =	simm.s32 @!p1 $0x1082;
	[sflag:s4] =	ssyncset.s32 $0xFFFFF086  }
0x25: {  	[simem:s6], [sflag:s4] =	dma.local [hbm:s3], $0xF7A  }
0x26: {  	[smem:$0x3F91] =	sst s1;
	(tag) =	ssettag s2;
	_ =	strace s9  }
0x27: {  	s1 =	sld [smem:$0x3FA1]  }
0x28: {  	s2 =	sld [smem:$0x3FA2]  }
0x29: {  	s4 =	sld [smem:$0x3FA4]  }
0x2a: {  	p0 =	seq.s32 s5, $0x0;
	s5 =	sld [smem:$0x3FA5]  }
0x2b: {  	s6 =	sld [smem:$0x3FA6]  }
0x2c: {  	s7 =	sld [smem:$0x3FA7]  }
0x2d: {  	s3 =	simm.s32 $0x108;
	s8 =	sld [smem:$0x3FA8]  }
0x2e: {  	s3 =	simm.s32 @!p0 $0x1082;
	s9 =	sld [smem:$0x3FA9]  }
0x2f: {  	lr =	sadd.s32 s0, s3;
	s0 =	sld [smem:$0x3FA0]  }
0x30: {  	s3 =	sld [smem:$0x3FA3]  }
0x31: {  	[smem:$0x3FAC] =	sst s10  }
0x32: {  	s10 =	sld [smem:$0x3FAA];
	_ =	sdelay $0x3  }
0x33: {  	p0 =	seq.s32 s10, $0x1;
	s10 =	sld [smem:$0x3FAC];
	_ =	sdelay $0x3  }
0x34: {  	[smem:$0x3FAC] =	sst s10  }
0x35: {  	s10 =	sld [smem:$0x3FAB];
	_ =	sdelay $0x3  }
0x36: {  	p1 =	seq.s32 s10, $0x1;
	s10 =	sld [smem:$0x3FAC];
	_ =	sdelay $0x3  }
0x37: {  	[smem:$0x3FAC] =	sst s10  }
0x38: {  	s10 =	sld [smem:$0x3FAD]  }
0x39: {  	_ = 	snop;
	(pc) =	sbr.ind lr, $3  }
0x3a: {  	_ = 	snop  }
0x3b: {  	_ = 	snop  }
0x3c: {  	p2 =	seq.s32 s10, $0x1;
	s10 =	sld [smem:$0x3FAC]  }
0x3d: {  	_ =	shalt  }
0x3e: {  	_ =	shalt  }
0x3f: {  	_ =	shalt  }
0x40: {  	_ =	shalt  }
0x41: {  	_ =	shalt  }
0x42: {  	_ =	shalt  }
0x43: {  	_ =	shalt  }
0x44: {  	_ =	shalt  }
0x45: {  	_ =	shalt  }
0x46: {  	_ =	shalt  }
0x47: {  	_ =	shalt  }
0x48: {  	_ =	shalt  }
0x49: {  	_ =	shalt  }
0x4a: {  	_ =	shalt  }
0x4b: {  	_ =	shalt  }
0x4c: {  	_ =	shalt  }
0x4d: {  	_ =	shalt  }
0x4e: {  	_ =	shalt  }
0x4f: {  	_ =	shalt  }
0x50: {  	_ =	shalt  }
0x51: {  	_ =	shalt  }
0x52: {  	_ =	shalt  }
0x53: {  	_ =	shalt  }
0x54: {  	_ =	shalt  }
0x55: {  	_ =	shalt  }
0x56: {  	_ =	shalt  }
0x57: {  	_ =	shalt  }
0x58: {  	_ =	shalt  }
0x59: {  	_ =	shalt  }
0x5a: {  	_ =	shalt  }
0x5b: {  	_ =	shalt  }
0x5c: {  	_ =	shalt  }
0x5d: {  	_ =	shalt  }
0x5e: {  	_ =	shalt  }
0x5f: {  	_ =	shalt  }
0x60: {  	_ =	shalt  }
0x61: {  	_ =	shalt  }
0x62: {  	_ =	shalt  }
0x63: {  	_ =	shalt  }
0x64: {  	_ =	shalt  }
0x65: {  	_ =	shalt  }
0x66: {  	_ =	shalt  }
0x67: {  	_ =	shalt  }
0x68: {  	_ =	shalt  }
0x69: {  	_ =	shalt  }
0x6a: {  	_ =	shalt  }
0x6b: {  	_ =	shalt  }
0x6c: {  	_ =	shalt  }
0x6d: {  	_ =	shalt  }
0x6e: {  	_ =	shalt  }
0x6f: {  	_ =	shalt  }
0x70: {  	_ =	shalt  }
0x71: {  	_ =	shalt  }
0x72: {  	_ =	shalt  }
0x73: {  	_ =	shalt  }
0x74: {  	_ =	shalt  }
0x75: {  	_ =	shalt  }
0x76: {  	_ =	shalt  }
0x77: {  	_ =	shalt  }
0x78: {  	_ =	shalt  }
0x79: {  	_ =	shalt  }
0x7a: {  	_ =	shalt  }
0x7b: {  	_ =	shalt  }
0x7c: {  	_ =	shalt  }
0x7d: {  	_ =	shalt  }
0x7e: {  	_ =	shalt  }
0x7f: {  	_ =	shalt  }
0x80: {  	_ =	shalt  }
0x81: {  	_ =	shalt  }
0x82: {  	_ =	shalt  }
0x83: {  	_ =	shalt  }
0x84: {  	_ =	shalt  }
0x85: {  	_ =	shalt  }
0x86: {  	_ =	shalt  }
0x87: {  	_ =	shalt  }
.Lfunc_end0:
.L_simem_size_0:
called_computation_lowered:
.L_overlay_start_0:
0x88: {  	s2 =	sld [smem:$0x3FD9]  }
0x89: {  	s3 =	sld [smem:$0x3FFE];
	_ =	sdelay $0x1  }
0x8a: {  	s1 =	srdreg.scid  }
0x8b: {  	s0 =	sand.u32 $0x1, s1  }
0x8c: {  	s14 =	sshll.u32 s0, $0xA;
	s2 =	sadd.s32 s3, s2  }
0x8d: {  	s2 =	sadd.s32 s2, s14  }
0x8e: {  	[smem:$0x3FB8] =	sst s2  }
0x8f: {  	_ = 	snop  }
0x90: {  	s2 =	sld [smem:$0x3FD0];
	_ =	sdelay $0x2  }
0x91: {  	s15 =	simm.s32 $0xB;
	s4 =	simm.s32 $0x10  }
0x92: {  	[smem:s4], [sflag:s15] =	dma.local [hbm:s2], $0x1  }
0x93: {  	_ =	swait.eq [sflag:s15], $0x1  }
0x94: {  	s16 =	sld [smem:$0x10];
	[sflag:s15] =	ssyncset.done $0x0  }
0x95: {  	s17 =	sld [smem:$0x11];
	[sflag:s15] =	ssyncadd.s32 $0xFFFFFFFF  }
0x96: {  	s18 =	sld [smem:$0x13];
	(tm) =	ssettm $0x1  }
0x97: {  	s5 =	sld [smem:$0x3FFB];
	_ =	sdelay $0x3  }
0x98: {  	_ =	strace s5  }
0x99: {  	s5 =	sld [smem:$0x3FFC];
	_ =	sdelay $0x3  }
0x9a: {  	_ =	strace s5  }
0x9b: {  	s5 =	sld [smem:$0x3FFD];
	_ =	sdelay $0x3  }
0x9c: {  	_ =	strace s5  }
0x9d: {  	_ =	strace $0x8FFFFFFF  }
0x9e: {  	s19 =	sld [smem:$0x3FDB];
	_ =	sdelay $0x1  }
0x9f: {  	s6 =	simm.s32 $_scs_section_size  }
0xa0: {  	s7 =	simm.s32 $_size__tile_overlayer_lowered;
	s8 =	simm.s32 $_tile_overlayer_lowered  }
0xa1: {  	s22 =	simm.s32 $0x1BFF;
	s21 =	sshll.u32 s8, $0x1;
	s5 =	sadd.s32 s6, s19  }
0xa2: {  	s9 =	simm.s32 $0x0;
	s20 =	sshll.u32 s7, $0x1;
	s7 =	sadd.s32 s21, s5  }
0xa3: {  	[timem:s9], [sflag:s22] =	dma.local [hbm:s7], s20  }
0xa4: {  	_ =	swait.ge [sflag:s22], s20  }
0xa5: {  	s6 =	ssub.s32 $0x0, s20;
	[sflag:s22] =	ssyncset.done $0x0  }
0xa6: {  	[sflag:s22] =	ssyncadd.s32 s6;
	_ =	sdelay $0x1  }
0xa7: {  	s23 =	simm.s32 $0x1B8B  }
0xa8: {  	_ =	swait.ge [sflag:s23], $0x1  }
0xa9: {  	[sflag:s23] =	ssyncset.done $0x0  }
0xaa: {  	s25 =	simm.s32 $0x1B8E;
	s24 =	sld [smem:$0x3FFE];
	[sflag:s23] =	ssyncadd.s32 $0xFFFFFFFF  }
0xab: {  	s26 =	simm.s32 $execute0_lowered;
	[smem:$0x3FD2] =	sst s25  }
0xac: {  	s7 =	sshll.u32 s26, $0x1;
	_ =	strace $0x80000046;
	[dreg:$0x1] =	wrdreg $0xFFFFFFFF  }
0xad: {  	s28 =	simm.s32 $_size_execute0_lowered;
	s5 =	sadd.s32 s5, s7;
	[dreg:$0x0] =	wrdreg $0x0  }
0xae: {  	s7 =	sshll.u32 s28, $0x1;
	[dreg:$0x2] =	wrdreg s5  }
0xaf: {  	[dreg:$0x3] =	wrdreg s7  }
0xb0: {  	[dreg:$0x4] =	wrdreg $0xC0  }
0xb1: {  	_ =	task [dreg:s9], $0x5FFFF  }
0xb2: {  	[dreg:$0x1] =	wrdreg $0xFFFFFFFF  }
0xb3: {  	[dreg:$0x0] =	wrdreg $0x60  }
0xb4: {  	[dreg:$0x2] =	wrdreg s16  }
0xb5: {  	[dreg:$0x3] =	wrdreg s17  }
0xb6: {  	[dreg:$0x4] =	wrdreg s24  }
0xb7: {  	[dreg:$0x5] =	wrdreg s18  }
0xb8: {  	[dreg:$0x6] =	wrdreg $0x3000  }
0xb9: {  	[dreg:$0x7] =	wrdreg $0x5800  }
0xba: {  	[dreg:$0x8] =	wrdreg $0x9  }
0xbb: {  	_ =	task.clear_ibuf [dreg:s9], $0x9FFFF;
	_ =	strace $0x90000046  }
0xbc: {  	s29 =	simm.s32 $0x9;
	_ =	strace $0x80000048  }
0xbd: {  	_ =	swait.ge [sflag:s29], $0x1  }
0xbe: {  	[sflag:s29] =	ssyncadd.s32 $0xFFFFFFFF  }
0xbf: {  	_ =	strace $0x90000048  }
0xc0: {  	_ =	sfence  }
0xc1: {  	s30 =	sld [smem:$0x0];
	_ =	sdelay $0x2  }
0xc2: {  	s31 =	sshll.u32 s1, $0xD;
	s1 =	sshrl.u32 s1, $0x2  }
0xc3: {  	s3 =	sand.u32 $0x4000, s31;
	s1 =	sadd.s32 s1, s30  }
0xc4: {  	s0 =	sor.u32 s3, s0;
	s1 =	sshll.u32 s1, $0x11  }
0xc5: {  	s0 =	sor.u32 s1, s0  }
0xc6: {  	s0 =	sadd.s32 $0x8F2B, s0  }
0xc7: {  	[sflag:s0] =	ssyncadd.remote.s32 $0x1  }
0xc8: {  	_ =	sfence.sel $0xFFFF  }
0xc9: {  	[dreg:$0x0] =	wrdreg $0xFFFFFFFF;
	(pc) =	sbr.abs _section_cstart, $3  }
0xca: {  	[dreg:$0x1] =	wrdreg $0xFFFFFFFF  }
0xcb: {  	_ =	task.clear_ibuf [dreg:s9], $0x2FFFF;
	_ =	strace $0x9FFFFFFF  }
0xcc: {  	(tm) =	ssettm $0x7FFFFFFF  }
0xcd: {  	_ =	shalt  }
tec
execute0_lowered:
.L_overlay_start_1:
0x0: {  	(tag) =	ssettag $0x1  }
0x1: {  	s14 =	rddreg [dreg:$0x0]  }
0x2: {  	s13 =	rddreg [dreg:$0x1]  }
0x3: {  	s6 =	rddreg [dreg:$0x2]  }
0x4: {  	s1 =	rddreg [dreg:$0x3]  }
0x5: {  	s3 =	rddreg [dreg:$0x4];
	s0 =	stileid.u32  }
0x6: {  	s2 =	srdreg.scid;
	s4 =	rddreg [dreg:$0x5]  }
0x7: {  	s5 =	simm.s32 $0x0;
	s19 =	simm.s32 $0x280;
	s20 =	simm.s32 $0x80  }
0x8: {  	s21 =	simm.s32 $0x180;
	s22 =	simm.s32 $0x200;
	s23 =	simm.s32 $0x10  }
0x9: {  	s8 =	smul.u32 $0x280, s0;
	s7 =	sand.u32 $0x1, s2;
	s2 =	rddreg [dreg:$0x6]  }
0xa: {  	s24 =	simm.s32 $0x20;
	[smem:$0x7FF] =	sst s5;
	s10 =	smul.u32 $0x500, s0  }
0xb: {  	s25 =	sshll.u32 s0, $0x1;
	s29 =	smul.u32 $0x4E20, s0;
	s17 =	sshll.u32 s0, $0x6  }
0xc: {  	s9 =	smul.u32 $0x5000, s7;
	_ =	strace $0x80000047;
	s12 =	ssub.s32 $0x2, s7  }
0xd: {  	s18 =	smul.u32 $0x2710, s7;
	s11 =	sshrl.u32 s8, $0x3;
	s26 =	sshrl.u32 s12, $0x1  }
0xe: {  	s16 =	sadd.s32 s8, s3;
	s30 =	sadd.s32 s8, s4;
	s11 =	sadd.s32 s11, s6  }
0xf: {  	s9 =	sadd.s32 s10, s9;
	s10 =	sor.u32 s7, s25;
	s12 =	ssub.s32 s12, s26  }
0x10: {  	s7 =	sor.u32 $0x1C01, s17;
	s31 =	sadd.s32 s18, s29;
	s17 =	sshrl.u32 s30, $0x3  }
0x11: {  	s25 =	simm.s32 $0x0;
	s9 =	sshrl.u32 s9, $0x3;
	s28 =	smul.u32 $0x2710, s10  }
0x12: {  	s18 =	sshrl.u32 s31, $0x3;
	s12 =	smax.u32 s12, $0x1;
	s15 =	sadd.s32 s9, s6  }
0x13: {  	s6 =	sadd.s32 $0x2200, s11;
	s9 =	sshrl.u32 s28, $0x3;
	s10 =	sadd.s32 $0x2800, s15  }
0x14: {  	s11 =	sadd.s32 $0x2810, s15;
	s15 =	sshrl.u32 s16, $0x3;
	s9 =	sadd.s32 $0x4E0, s9  }
0x15: {  	s16 =	simm.s32 $0x1;
	s8 =	sadd.s32 s14, s9;
	s9 =	sadd.s32 s13, s9  }
0x16: {  	s13 =	sadd.s32 s18, s13;
	s14 =	sadd.s32 s18, s14;
	s18 =	simm.s32 $0x100  }
.LBB2_1:
0x17: {  	[spmem:s15], [sflag:s7] =	dma.local [hbm:s6], $0x50  }
0x18: {  	_ =	swait.ge [sflag:s16], $0x50  }
0x19: {  	[sflag:s16] =	ssyncset.done $0x0  }
0x1a: {  	[sflag:s16] =	ssyncadd.s32 $0xFFFFFFB0  }
0x1b: {  	[spmem:s17], [sflag:s7] =	dma.local [hbm:s6], $0x50  }
0x1c: {  	_ =	swait.ge [sflag:s16], $0x50  }
0x1d: {  	[sflag:s16] =	ssyncset.done $0x0  }
0x1e: {  	[sflag:s16] =	ssyncadd.s32 $0xFFFFFFB0  }
0x1f: {  	[tilespmem:s18], [sflag:$0x1] =	stream.linear.gather [hbm4b:s1+s5], $0x80, $0x38;
	[tilespmem:$0x800] =	vst v63  }
0x20: {  	_ =	swait.ge [sflag:s16], $0x80  }
0x21: {  	[sflag:s16] =	ssyncset.done $0x0  }
0x22: {  	[sflag:s16] =	ssyncadd.s32 $0xFFFFFF80  }
0x23: {  	[tilespmem:s19], [sflag:$0x1] =	stream.linear.gather [hbm4b:s1+s5], $0x10, $0x38;
	[tilespmem:$0x800] =	vst v63  }
0x24: {  	_ =	swait.ge [sflag:s16], $0x10  }
0x25: {  	[sflag:s16] =	ssyncset.done $0x0  }
0x26: {  	[sflag:s16] =	ssyncadd.s32 $0xFFFFFFF0  }
0x27: {  	s26 =	sadd.s32 $0x0, s14;
	[bflag:$0x0] =	sbarrier.arrive $0xFFFF  }
0x28: {  	[tilespmem:s5], [sflag:$0x1] =	stream.linear.gather [hbm4b:s26+s5], $0x80, $0x38;
	[tilespmem:$0x800] =	vst v63  }
0x29: {  	_ =	swait.ge [sflag:s16], $0x80  }
0x2a: {  	[sflag:s16] =	ssyncset.done $0x0  }
0x2b: {  	s31 =	sadd.s32 $0x0, s13;
	[sflag:s16] =	ssyncadd.s32 $0xFFFFFF80  }
0x2c: {  	[tilespmem:s20], [sflag:$0x1] =	stream.linear.gather [hbm4b:s31+s5], $0x80, $0x38;
	[tilespmem:$0x800] =	vst v63  }
0x2d: {  	_ =	swait.ge [sflag:s16], $0x80  }
0x2e: {  	[sflag:s16] =	ssyncset.done $0x0  }
0x2f: {  	[sflag:s16] =	ssyncadd.s32 $0xFFFFFF80  }
0x30: {  	[spmem:s3] =	stream.indirect.scatter.add.f32 [tilespmem:s18], [sflag:$0x1], $0x1, s5, s20, $0xb8;
	[tilespmem:$0x800] =	vst v63  }
0x31: {  	_ =	swait.ge [sflag:s16], $0x80  }
0x32: {  	[sflag:s16] =	ssyncset.done $0x0  }
0x33: {  	[sflag:s16] =	ssyncadd.s32 $0xFFFFFF80  }
0x34: {  	[spmem:s4] =	stream.indirect.scatter.add.f32 [tilespmem:s18], [sflag:$0x1], $0x1, s20, s20, $0xb8;
	[tilespmem:$0x800] =	vst v63  }
0x35: {  	_ =	swait.ge [sflag:s16], $0x80  }
0x36: {  	s28 =	simm.s32 $0x20;
	s26 =	simm.s32 $0x10;
	[sflag:s16] =	ssyncset.done $0x0  }
.LBB2_2:
0x37: {  	s29 =	sadd.s32 s26, s14  }
0x38: {  	[sflag:s16] =	ssyncadd.s32 $0xFFFFFF80;
	s30 =	smov.u32 s28;
	s31 =	sadd.s32 $0x10, s28  }
0x39: {  	[tilespmem:s5], [sflag:$0x1] =	stream.linear.gather [hbm4b:s29+s5], $0x80, $0x38;
	[tilespmem:$0x800] =	vst v63  }
0x3a: {  	p0 =	sne.s32 s28, $0x4D0;
	_ =	swait.ge [sflag:s16], $0x80  }
0x3b: {  	[sflag:s16] =	ssyncset.done $0x0  }
0x3c: {  	s28 =	sadd.s32 s26, s13;
	s26 =	smov.u32 s30;
	[sflag:s16] =	ssyncadd.s32 $0xFFFFFF80  }
0x3d: {  	[tilespmem:s20], [sflag:$0x1] =	stream.linear.gather [hbm4b:s28+s5], $0x80, $0x38;
	[tilespmem:$0x800] =	vst v63  }
0x3e: {  	_ =	swait.ge [sflag:s16], $0x80  }
0x3f: {  	[sflag:s16] =	ssyncset.done $0x0  }
0x40: {  	[sflag:s16] =	ssyncadd.s32 $0xFFFFFF80  }
0x41: {  	[spmem:s3] =	stream.indirect.scatter.add.f32 [tilespmem:s18], [sflag:$0x1], $0x1, s5, s20, $0xb8;
	[tilespmem:$0x800] =	vst v63  }
0x42: {  	_ =	swait.ge [sflag:s16], $0x80  }
.Ltmp0:
0x43: {  	[sflag:s16] =	ssyncset.done $0x0;
	(pc) =	sbr.rel @p0 .LBB2_2-.Ltmp0, $4  }
0x44: {  	[sflag:s16] =	ssyncadd.s32 $0xFFFFFF80  }
0x45: {  	[spmem:s4] =	stream.indirect.scatter.add.f32 [tilespmem:s18], [sflag:$0x1], $0x1, s20, s20, $0xb8;
	[tilespmem:$0x800] =	vst v63  }
0x46: {  	_ =	swait.ge [sflag:s16], $0x80  }
0x47: {  	s28 =	smov.u32 s31;
	[sflag:s16] =	ssyncset.done $0x0  }
0x48: {  	s28 =	sadd.s32 s26, s14;
	[sflag:s16] =	ssyncadd.s32 $0xFFFFFF80  }
0x49: {  	[tilespmem:s5], [sflag:$0x1] =	stream.linear.gather [hbm4b:s28+s5], $0x80, $0x38;
	[tilespmem:$0x800] =	vst v63  }
0x4a: {  	_ =	swait.ge [sflag:s16], $0x80  }
0x4b: {  	[sflag:s16] =	ssyncset.done $0x0  }
0x4c: {  	s31 =	sadd.s32 s26, s13;
	[sflag:s16] =	ssyncadd.s32 $0xFFFFFF80  }
0x4d: {  	[tilespmem:s20], [sflag:$0x1] =	stream.linear.gather [hbm4b:s31+s5], $0x80, $0x38;
	[tilespmem:$0x800] =	vst v63  }
0x4e: {  	_ =	swait.ge [sflag:s16], $0x80  }
0x4f: {  	[sflag:s16] =	ssyncset.done $0x0  }
0x50: {  	[sflag:s16] =	ssyncadd.s32 $0xFFFFFF80  }
0x51: {  	[spmem:s3] =	stream.indirect.scatter.add.f32 [tilespmem:s18], [sflag:$0x1], $0x1, s5, s20, $0xb8;
	[tilespmem:$0x800] =	vst v63  }
0x52: {  	_ =	swait.ge [sflag:s16], $0x80  }
0x53: {  	[sflag:s16] =	ssyncset.done $0x0  }
0x54: {  	[sflag:s16] =	ssyncadd.s32 $0xFFFFFF80  }
0x55: {  	[spmem:s4] =	stream.indirect.scatter.add.f32 [tilespmem:s18], [sflag:$0x1], $0x1, s20, s20, $0xb8;
	[tilespmem:$0x800] =	vst v63  }
0x56: {  	_ =	swait.ge [sflag:s16], $0x80  }
0x57: {  	[sflag:s16] =	ssyncset.done $0x0  }
0x58: {  	[sflag:s16] =	ssyncadd.s32 $0xFFFFFF80  }
0x59: {  	[tilespmem:s21], [sflag:$0x1] =	stream.linear.gather [hbm4b:s8+s5], $0x10, $0x38;
	[tilespmem:$0x800] =	vst v63  }
0x5a: {  	_ =	swait.ge [sflag:s16], $0x10  }
0x5b: {  	[sflag:s16] =	ssyncset.done $0x0  }
0x5c: {  	[sflag:s16] =	ssyncadd.s32 $0xFFFFFFF0  }
0x5d: {  	[tilespmem:s22], [sflag:$0x1] =	stream.linear.gather [hbm4b:s9+s5], $0x10, $0x38;
	[tilespmem:$0x800] =	vst v63  }
0x5e: {  	_ =	swait.ge [sflag:s16], $0x10  }
0x5f: {  	[sflag:s16] =	ssyncset.done $0x0  }
0x60: {  	[sflag:s16] =	ssyncadd.s32 $0xFFFFFFF0  }
0x61: {  	[spmem:s3] =	stream.indirect.scatter.add.f32 [tilespmem:s19], [sflag:$0x1], $0x1, s21, s23, $0xb8;
	[tilespmem:$0x800] =	vst v63  }
0x62: {  	_ =	swait.ge [sflag:s16], $0x10  }
0x63: {  	[sflag:s16] =	ssyncset.done $0x0  }
0x64: {  	[sflag:s16] =	ssyncadd.s32 $0xFFFFFFF0  }
0x65: {  	[spmem:s4] =	stream.indirect.scatter.add.f32 [tilespmem:s19], [sflag:$0x1], $0x1, s22, s23, $0xb8;
	[tilespmem:$0x800] =	vst v63  }
0x66: {  	_ =	swait.ge [sflag:s16], $0x10  }
0x67: {  	[sflag:s16] =	ssyncset.done $0x0  }
0x68: {  	[sflag:s16] =	ssyncadd.s32 $0xFFFFFFF0  }
0x69: {  	[bflag:$0x0] =	sbarrier.arrive $0xFFFF  }
0x6a: {  	[hbm:s10@s24], [sflag:s7] =	dma.strided [spmem:s15@s23], $0x50, s16, $0x10   }
0x6b: {  	s25 =	sadd.s32 $0x1, s25;
	_ =	swait.ge [sflag:s16], $0x50  }
0x6c: {  	p0 =	sne.s32 s25, s12;
	[sflag:s16] =	ssyncset.done $0x0  }
.Ltmp1:
0x6d: {  	[sflag:s16] =	ssyncadd.s32 $0xFFFFFFB0;
	(pc) =	sbr.rel @p0 .LBB2_1-.Ltmp1, $4  }
0x6e: {  	[hbm:s11@s24], [sflag:s7] =	dma.strided [spmem:s17@s23], $0x50, s16, $0x10   }
0x6f: {  	_ =	swait.ge [sflag:s16], $0x50  }
0x70: {  	[sflag:s16] =	ssyncset.done $0x0  }
0x71: {  	[sflag:s16] =	ssyncadd.s32 $0xFFFFFFB0  }
0x72: {  	_ =	sfence.sel $0x180000  }
0x73: {  	[bflag:$0x0] =	sbarrier.arrive $0xFFFF  }
0x74: {  	p0 =	sne.s32 s0, $0x0;
	_ =	strace $0x90000047  }
0x75: {  	s0 =	sadd.s32 @!p0 $0x100000, s2;
	[bflag:$0x2] =	sbarrier.arrive $0xFFFF  }
0x76: {  	[sflag:s0] =	ssyncadd.tile.s32 @!p0 $0x1;
	_ =	shalt  }
.Lfunc_end2:
_tile_overlayer_lowered:
.L_overlay_start_2:
0x77: {  	(tag) =	ssettag $0x2  }
0x78: {  	s0 =	rddreg [dreg:$0x0];
	s2 =	stileid.u32  }
0x79: {  	s1 =	rddreg [dreg:$0x1];
	p0 =	sne.s32 s2, $0x0  }
0x7a: {  	s3 =	rddreg [dreg:$0x2];
	[bflag:$0x3] =	sbarrier.arrive $0xFFFF;
	s2 =	simm.s32 @!p0 $0x1C01  }
0x7b: {  	[timem:s3], [sflag:s2] =	dma.local @!p0 [hbm:s0], s1  }
0x7c: {  	s0 =	simm.s32 @!p0 $0x1  }
0x7d: {  	_ =	swait.ge @!p0 [sflag:s0], s1  }
0x7e: {  	s1 =	ssub.s32 @!p0 $0x0, s1;
	[sflag:s0] =	ssyncset.done @!p0 $0x0  }
0x7f: {  	[sflag:s0] =	ssyncadd.s32 @!p0 s1  }
0x80: {  	[bflag:$0x3] =	sbarrier.arrive $0xFFFF  }
0x81: {  	_ =	shalt  }

// kernel: kernel.14.cloned.1.call-start
scs
__scs_entry_jumppad:
0x0: {  	(pc) =	sbr.rel $0x88, $3  }
0x1: {  	(tag) =	ssettag $0x0;
	lr =	simm.s32 $0x1  }
0x2: {  	[smem:$0x3F91] =	sst lr;
	_ =	strace $0xD0000000  }
0x3: {  	_ = 	snop  }
0x4: {  	_ = 	snop  }
0x5: {  	_ = 	snop  }
0x6: {  	_ = 	snop  }
0x7: {  	_ = 	snop  }
__scs_overlays_trampoline_lowered:
0x8: {  	[smem:$0x3FA0] =	sst s0  }
0x9: {  	[smem:$0x3FA1] =	sst s1  }
0xa: {  	[smem:$0x3FA2] =	sst s2  }
0xb: {  	[smem:$0x3FA3] =	sst s3  }
0xc: {  	[smem:$0x3FA4] =	sst s4  }
0xd: {  	[smem:$0x3FA5] =	sst s5  }
0xe: {  	[smem:$0x3FA6] =	sst s6  }
0xf: {  	[smem:$0x3FA7] =	sst s7  }
0x10: {  	[smem:$0x3FA8] =	sst s8  }
0x11: {  	[smem:$0x3FA9] =	sst s9;
	s0 =	simm.s32 @!p0 $0x0  }
0x12: {  	s1 =	sld [smem:$0x3F8F];
	s0 =	simm.s32 @p0 $0x1  }
0x13: {  	[smem:$0x3FAA] =	sst s0;
	s0 =	simm.s32 @!p1 $0x0  }
0x14: {  	s2 =	sld [smem:$0x3F8E];
	s0 =	simm.s32 @p1 $0x1  }
0x15: {  	[smem:$0x3FAB] =	sst s0;
	s0 =	simm.s32 @!p2 $0x0  }
0x16: {  	s3 =	sld [smem:$0x3FDB];
	s0 =	simm.s32 @p2 $0x1  }
0x17: {  	s4 =	simm.s32 $0x1BF5;
	[smem:$0x3FAD] =	sst s0  }
0x18: {  	s0 =	sld [smem:$0x3F90];
	_ =	swait.ge [sflag:s4], $0x0  }
0x19: {  	s7 =	sld [smem:$0x3F91]  }
0x1a: {  	s8 =	sadd.s32 $0xFFFFE003, lr  }
0x1b: {  	s9 =	sadd.s32 $0xFFFFFEF7, lr;
	s5 =	simm.s32 $0xFFFFFFFF;
	p2 =	slt.u32 s8, $0xFFFFF086  }
0x1c: {  	p1 =	slt.u32 s9, $0xF7A;
	s5 =	simm.s32 @!p2 $0x0  }
0x1d: {  	s5 =	simm.s32 @p1 $0x1;
	p0 =	seq.s32 s7, s2  }
0x1e: {  	s7 =	smul.u32 @!p0 $0xF7A, s2;
	p2 =	seq.s32 @!p0 s5, $0x0  }
0x1f: {  	s9 =	smul.u32 $0xF7A, s1;
	s8 =	simm.s32 @!p0 $0x1BF5;
	p2 =	por !p2, p0  }
0x20: {  	[sflag:s8] =	ssyncset.s32 @!p0 $0xFFFFF086;
	s6 =	sadd.s32 @!p0 s3, s7;
	s7 =	simm.s32 @!p0 $0x108  }
0x21: {  	s3 =	sadd.s32 s3, s9;
	s6 =	sadd.s32 @!p0 $0x88, s6;
	s7 =	simm.s32 @p2 $0x1082  }
0x22: {  	[simem:s7], [sflag:s8] =	dma.local @!p0 [hbm:s6], $0xF7A  }
0x23: {  	s9 =	sor.u32 $0xD0000000, s2;
	s6 =	simm.s32 $0x108;
	_ =	swait.ge @!p0 [sflag:s8], $0x0  }
0x24: {  	s3 =	sadd.s32 $0x88, s3;
	s6 =	simm.s32 @!p1 $0x1082;
	[sflag:s4] =	ssyncset.s32 $0xFFFFF086  }
0x25: {  	[simem:s6], [sflag:s4] =	dma.local [hbm:s3], $0xF7A  }
0x26: {  	[smem:$0x3F91] =	sst s1;
	(tag) =	ssettag s2;
	_ =	strace s9  }
0x27: {  	s1 =	sld [smem:$0x3FA1]  }
0x28: {  	s2 =	sld [smem:$0x3FA2]  }
0x29: {  	s4 =	sld [smem:$0x3FA4]  }
0x2a: {  	p0 =	seq.s32 s5, $0x0;
	s5 =	sld [smem:$0x3FA5]  }
0x2b: {  	s6 =	sld [smem:$0x3FA6]  }
0x2c: {  	s7 =	sld [smem:$0x3FA7]  }
0x2d: {  	s3 =	simm.s32 $0x108;
	s8 =	sld [smem:$0x3FA8]  }
0x2e: {  	s3 =	simm.s32 @!p0 $0x1082;
	s9 =	sld [smem:$0x3FA9]  }
0x2f: {  	lr =	sadd.s32 s0, s3;
	s0 =	sld [smem:$0x3FA0]  }
0x30: {  	s3 =	sld [smem:$0x3FA3]  }
0x31: {  	[smem:$0x3FAC] =	sst s10  }
0x32: {  	s10 =	sld [smem:$0x3FAA];
	_ =	sdelay $0x3  }
0x33: {  	p0 =	seq.s32 s10, $0x1;
	s10 =	sld [smem:$0x3FAC];
	_ =	sdelay $0x3  }
0x34: {  	[smem:$0x3FAC] =	sst s10  }
0x35: {  	s10 =	sld [smem:$0x3FAB];
	_ =	sdelay $0x3  }
0x36: {  	p1 =	seq.s32 s10, $0x1;
	s10 =	sld [smem:$0x3FAC];
	_ =	sdelay $0x3  }
0x37: {  	[smem:$0x3FAC] =	sst s10  }
0x38: {  	s10 =	sld [smem:$0x3FAD]  }
0x39: {  	_ = 	snop;
	(pc) =	sbr.ind lr, $3  }
0x3a: {  	_ = 	snop  }
0x3b: {  	_ = 	snop  }
0x3c: {  	p2 =	seq.s32 s10, $0x1;
	s10 =	sld [smem:$0x3FAC]  }
0x3d: {  	_ =	shalt  }
0x3e: {  	_ =	shalt  }
0x3f: {  	_ =	shalt  }
0x40: {  	_ =	shalt  }
0x41: {  	_ =	shalt  }
0x42: {  	_ =	shalt  }
0x43: {  	_ =	shalt  }
0x44: {  	_ =	shalt  }
0x45: {  	_ =	shalt  }
0x46: {  	_ =	shalt  }
0x47: {  	_ =	shalt  }
0x48: {  	_ =	shalt  }
0x49: {  	_ =	shalt  }
0x4a: {  	_ =	shalt  }
0x4b: {  	_ =	shalt  }
0x4c: {  	_ =	shalt  }
0x4d: {  	_ =	shalt  }
0x4e: {  	_ =	shalt  }
0x4f: {  	_ =	shalt  }
0x50: {  	_ =	shalt  }
0x51: {  	_ =	shalt  }
0x52: {  	_ =	shalt  }
0x53: {  	_ =	shalt  }
0x54: {  	_ =	shalt  }
0x55: {  	_ =	shalt  }
0x56: {  	_ =	shalt  }
0x57: {  	_ =	shalt  }
0x58: {  	_ =	shalt  }
0x59: {  	_ =	shalt  }
0x5a: {  	_ =	shalt  }
0x5b: {  	_ =	shalt  }
0x5c: {  	_ =	shalt  }
0x5d: {  	_ =	shalt  }
0x5e: {  	_ =	shalt  }
0x5f: {  	_ =	shalt  }
0x60: {  	_ =	shalt  }
0x61: {  	_ =	shalt  }
0x62: {  	_ =	shalt  }
0x63: {  	_ =	shalt  }
0x64: {  	_ =	shalt  }
0x65: {  	_ =	shalt  }
0x66: {  	_ =	shalt  }
0x67: {  	_ =	shalt  }
0x68: {  	_ =	shalt  }
0x69: {  	_ =	shalt  }
0x6a: {  	_ =	shalt  }
0x6b: {  	_ =	shalt  }
0x6c: {  	_ =	shalt  }
0x6d: {  	_ =	shalt  }
0x6e: {  	_ =	shalt  }
0x6f: {  	_ =	shalt  }
0x70: {  	_ =	shalt  }
0x71: {  	_ =	shalt  }
0x72: {  	_ =	shalt  }
0x73: {  	_ =	shalt  }
0x74: {  	_ =	shalt  }
0x75: {  	_ =	shalt  }
0x76: {  	_ =	shalt  }
0x77: {  	_ =	shalt  }
0x78: {  	_ =	shalt  }
0x79: {  	_ =	shalt  }
0x7a: {  	_ =	shalt  }
0x7b: {  	_ =	shalt  }
0x7c: {  	_ =	shalt  }
0x7d: {  	_ =	shalt  }
0x7e: {  	_ =	shalt  }
0x7f: {  	_ =	shalt  }
0x80: {  	_ =	shalt  }
0x81: {  	_ =	shalt  }
0x82: {  	_ =	shalt  }
0x83: {  	_ =	shalt  }
0x84: {  	_ =	shalt  }
0x85: {  	_ =	shalt  }
0x86: {  	_ =	shalt  }
0x87: {  	_ =	shalt  }
.Lfunc_end0:
.L_simem_size_0:
called_computation.1_lowered:
.L_overlay_start_0:
0x88: {  	s2 =	sld [smem:$0x3FD9]  }
0x89: {  	s3 =	sld [smem:$0x3FFE];
	_ =	sdelay $0x1  }
0x8a: {  	s1 =	srdreg.scid  }
0x8b: {  	s0 =	sand.u32 $0x1, s1  }
0x8c: {  	s16 =	sshll.u32 s0, $0xA;
	s2 =	sadd.s32 s3, s2  }
0x8d: {  	s2 =	sadd.s32 s2, s16  }
0x8e: {  	[smem:$0x3FB8] =	sst s2  }
0x8f: {  	_ = 	snop  }
0x90: {  	(tm) =	ssettm $0x1  }
0x91: {  	s17 =	sld [smem:$0x3FFB];
	_ =	sdelay $0x3  }
0x92: {  	_ =	strace s17  }
0x93: {  	s2 =	sld [smem:$0x3FFC];
	_ =	sdelay $0x3  }
0x94: {  	_ =	strace s2  }
0x95: {  	s2 =	sld [smem:$0x3FFD];
	_ =	sdelay $0x3  }
0x96: {  	_ =	strace s2  }
0x97: {  	_ =	strace $0x8FFFFFFF  }
0x98: {  	s18 =	sld [smem:$0x3FDB];
	_ =	sdelay $0x1  }
0x99: {  	s19 =	simm.s32 $_scs_section_size  }
0x9a: {  	s4 =	simm.s32 $_size__tile_overlayer_lowered;
	s5 =	simm.s32 $_tile_overlayer_lowered  }
0x9b: {  	s22 =	simm.s32 $0x1BFF;
	s21 =	sshll.u32 s5, $0x1;
	s2 =	sadd.s32 s19, s18  }
0x9c: {  	s6 =	simm.s32 $0x0;
	s20 =	sshll.u32 s4, $0x1;
	s4 =	sadd.s32 s21, s2  }
0x9d: {  	[timem:s6], [sflag:s22] =	dma.local [hbm:s4], s20  }
0x9e: {  	_ =	swait.ge [sflag:s22], s20  }
0x9f: {  	s3 =	ssub.s32 $0x0, s20;
	[sflag:s22] =	ssyncset.done $0x0  }
0xa0: {  	[sflag:s22] =	ssyncadd.s32 s3;
	_ =	sdelay $0x1  }
0xa1: {  	s23 =	simm.s32 $0x1B8B  }
0xa2: {  	_ =	swait.ge [sflag:s23], $0x1  }
0xa3: {  	[sflag:s23] =	ssyncset.done $0x0  }
0xa4: {  	s25 =	simm.s32 $0x1B8E;
	s24 =	sld [smem:$0x3FFE];
	[sflag:s23] =	ssyncadd.s32 $0xFFFFFFFF  }
0xa5: {  	s26 =	simm.s32 $execute0_lowered;
	[smem:$0x3FD2] =	sst s25  }
0xa6: {  	s4 =	sshll.u32 s26, $0x1;
	_ =	strace $0x80000049;
	[dreg:$0x1] =	wrdreg $0xFFFFFFFF  }
0xa7: {  	s28 =	simm.s32 $_size_execute0_lowered;
	s2 =	sadd.s32 s2, s4;
	[dreg:$0x0] =	wrdreg $0x0  }
0xa8: {  	s4 =	sshll.u32 s28, $0x1;
	[dreg:$0x2] =	wrdreg s2  }
0xa9: {  	[dreg:$0x3] =	wrdreg s4  }
0xaa: {  	[dreg:$0x4] =	wrdreg $0xC0  }
0xab: {  	_ =	task [dreg:s6], $0x5FFFF  }
0xac: {  	[dreg:$0x1] =	wrdreg $0xFFFFFFFF  }
0xad: {  	[dreg:$0x0] =	wrdreg $0x60  }
0xae: {  	[dreg:$0x2] =	wrdreg s24  }
0xaf: {  	[dreg:$0x3] =	wrdreg $0x4A000  }
0xb0: {  	[dreg:$0x4] =	wrdreg $0x9  }
0xb1: {  	_ =	task.clear_ibuf [dreg:s6], $0x5FFFF;
	_ =	strace $0x90000049  }
0xb2: {  	s29 =	simm.s32 $0x9;
	_ =	strace $0x8000004B  }
0xb3: {  	_ =	swait.ge [sflag:s29], $0x1  }
0xb4: {  	[sflag:s29] =	ssyncadd.s32 $0xFFFFFFFF  }
0xb5: {  	_ =	strace $0x9000004B  }
0xb6: {  	_ =	sfence  }
0xb7: {  	s30 =	sld [smem:$0x0];
	_ =	sdelay $0x2  }
0xb8: {  	s31 =	sshll.u32 s1, $0xD;
	s1 =	sshrl.u32 s1, $0x2  }
0xb9: {  	s3 =	sand.u32 $0x4000, s31;
	s1 =	sadd.s32 s1, s30  }
0xba: {  	s0 =	sor.u32 s3, s0;
	s1 =	sshll.u32 s1, $0x11  }
0xbb: {  	s0 =	sor.u32 s1, s0  }
0xbc: {  	s0 =	sadd.s32 $0x8F2B, s0  }
0xbd: {  	[sflag:s0] =	ssyncadd.remote.s32 $0x1  }
0xbe: {  	_ =	sfence.sel $0xFFFF  }
0xbf: {  	[dreg:$0x0] =	wrdreg $0xFFFFFFFF;
	(pc) =	sbr.abs _section_cstart, $3  }
0xc0: {  	[dreg:$0x1] =	wrdreg $0xFFFFFFFF  }
0xc1: {  	_ =	task.clear_ibuf [dreg:s6], $0x2FFFF;
	_ =	strace $0x9FFFFFFF  }
0xc2: {  	(tm) =	ssettm $0x7FFFFFFF  }
0xc3: {  	_ =	shalt  }
tec
execute0_lowered:
.L_overlay_start_1:
0x0: {  	(tag) =	ssettag $0x1  }
0x1: {  	s5 =	rddreg [dreg:$0x0]  }
0x2: {  	s2 =	rddreg [dreg:$0x1]  }
0x3: {  	s0 =	rddreg [dreg:$0x2];
	s3 =	simm.s32 $0x0;
	s1 =	stileid.u32  }
0x4: {  	s4 =	srdreg.scid;
	s18 =	simm.s32 $0x100;
	s19 =	simm.s32 $0x180  }
0x5: {  	s20 =	simm.s32 $0x10;
	s21 =	simm.s32 $0x4200;
	s22 =	simm.s32 $0x0  }
0x6: {  	[smem:$0x7FF] =	sst s3;
	s6 =	smul.u32 $0x14000, s1;
	s7 =	sand.u32 $0x1, s4  }
0x7: {  	s4 =	sadd.s32 $0x21600, s5;
	s12 =	sadd.s32 $0x17800, s5;
	s24 =	smul.u32 $0x50000, s1  }
0x8: {  	s11 =	sadd.s32 $0xDA00, s5;
	s10 =	sshll.u32 s1, $0x1;
	s15 =	smul.u32 $0x4E20, s1  }
0x9: {  	s29 =	sshll.u32 s1, $0x6;
	_ =	strace $0x8000004A;
	s8 =	smul.u32 $0x140000, s7  }
0xa: {  	s25 =	ssub.s32 $0x2, s7;
	s26 =	sor.u32 s7, s10;
	s9 =	sshrl.u32 s6, $0x3  }
0xb: {  	s17 =	smul.u32 $0x2710, s7;
	s28 =	sshrl.u32 s25, $0x1;
	s9 =	sadd.s32 s9, s5  }
0xc: {  	s6 =	sadd.s32 s6, s8;
	s8 =	sshrl.u32 s24, $0x2;
	s10 =	ssub.s32 s25, s28  }
0xd: {  	s15 =	sadd.s32 s17, s15;
	s17 =	simm.s32 $0x1;
	s6 =	sshrl.u32 s6, $0x3  }
0xe: {  	s14 =	sadd.s32 s8, s2;
	s13 =	sadd.s32 s6, s5;
	s6 =	smul.u32 $0x2710, s26  }
0xf: {  	s10 =	smax.u32 s10, $0x1;
	s31 =	sshrl.u32 s15, $0x3;
	s15 =	simm.s32 $0x80  }
0x10: {  	s5 =	sadd.s32 $0x48800, s9;
	s9 =	sadd.s32 $0x70800, s13;
	s16 =	sshrl.u32 s6, $0x3  }
0x11: {  	s13 =	sshrl.u32 s14, $0x3;
	s14 =	simm.s32 $0x2;
	s30 =	sadd.s32 $0x4E0, s16  }
0x12: {  	s6 =	sor.u32 $0x1C02, s29;
	s16 =	simm.s32 $0x200;
	s7 =	sadd.s32 s12, s30  }
0x13: {  	s8 =	sadd.s32 s11, s30;
	s11 =	sadd.s32 s31, s11;
	s12 =	sadd.s32 s31, s12  }
.LBB2_1:
0x14: {  	[spmem:s13], [sflag:s6] =	dma.local [hbm:s5], $0x2800  }
0x15: {  	_ =	swait.ge [sflag:s14], $0x2800  }
0x16: {  	[sflag:s14] =	ssyncset.done $0x0  }
0x17: {  	[sflag:s14] =	ssyncadd.s32 $0xFFFFD800  }
0x18: {  	s23 =	sadd.s32 $0x0, s12;
	[bflag:$0x0] =	sbarrier.arrive $0xFFFF  }
0x19: {  	[tilespmem:s3], [sflag:$0x2] =	stream.linear.gather [hbm4b:s23+s3], $0x80, $0x38;
	[tilespmem:$0x18A00] =	vst v63  }
0x1a: {  	_ =	swait.ge [sflag:s14], $0x80  }
0x1b: {  	[sflag:s14] =	ssyncset.done $0x0  }
0x1c: {  	s31 =	sadd.s32 $0x0, s11;
	[sflag:s14] =	ssyncadd.s32 $0xFFFFFF80  }
0x1d: {  	[tilespmem:s15], [sflag:$0x2] =	stream.linear.gather [hbm4b:s31+s3], $0x80, $0x38;
	[tilespmem:$0x18A00] =	vst v63  }
0x1e: {  	_ =	swait.ge [sflag:s14], $0x80  }
0x1f: {  	[sflag:s14] =	ssyncset.done $0x0  }
0x20: {  	[sflag:s14] =	ssyncadd.s32 $0xFFFFFF80  }
0x21: {  	[tilespmem:s16], [sflag:$0x1] =	stream.indirect.gather [hbm4b:s4+s15], $0x80, s3, s15, $0xb8;
	[tilespmem:$0x18A00] =	vst v63  }
0x22: {  	_ =	swait.ge [sflag:s17], $0x4000  }
0x23: {  	[sflag:s17] =	ssyncset.done $0x0  }
0x24: {  	[sflag:s17] =	ssyncadd.s32 $0xFFFFC000  }
0x25: {  	[spmem:s2] =	stream.indirect.scatter.add.f32 [tilespmem:s16], [sflag:$0x2], $0x80, s15, s15, $0xb8;
	[tilespmem:$0x18A00] =	vst v63  }
0x26: {  	_ =	swait.ge [sflag:s14], $0x4000  }
0x27: {  	s24 =	simm.s32 $0x20;
	s23 =	simm.s32 $0x10;
	[sflag:s14] =	ssyncset.done $0x0  }
.LBB2_2:
0x28: {  	s25 =	sadd.s32 s23, s12  }
0x29: {  	[sflag:s14] =	ssyncadd.s32 $0xFFFFC000;
	s26 =	smov.u32 s24;
	s28 =	sadd.s32 $0x10, s24  }
0x2a: {  	[tilespmem:s3], [sflag:$0x2] =	stream.linear.gather [hbm4b:s25+s3], $0x80, $0x38;
	[tilespmem:$0x18A00] =	vst v63  }
0x2b: {  	p0 =	sne.s32 s24, $0x4D0;
	_ =	swait.ge [sflag:s14], $0x80  }
0x2c: {  	[sflag:s14] =	ssyncset.done $0x0  }
0x2d: {  	s24 =	sadd.s32 s23, s11;
	s23 =	smov.u32 s26;
	[sflag:s14] =	ssyncadd.s32 $0xFFFFFF80  }
0x2e: {  	[tilespmem:s15], [sflag:$0x2] =	stream.linear.gather [hbm4b:s24+s3], $0x80, $0x38;
	[tilespmem:$0x18A00] =	vst v63  }
0x2f: {  	_ =	swait.ge [sflag:s14], $0x80  }
0x30: {  	[sflag:s14] =	ssyncset.done $0x0  }
0x31: {  	[sflag:s14] =	ssyncadd.s32 $0xFFFFFF80  }
0x32: {  	[tilespmem:s16], [sflag:$0x1] =	stream.indirect.gather [hbm4b:s4+s15], $0x80, s3, s15, $0xb8;
	[tilespmem:$0x18A00] =	vst v63  }
0x33: {  	_ =	swait.ge [sflag:s17], $0x4000  }
.Ltmp0:
0x34: {  	[sflag:s17] =	ssyncset.done $0x0;
	(pc) =	sbr.rel @p0 .LBB2_2-.Ltmp0, $4  }
0x35: {  	[sflag:s17] =	ssyncadd.s32 $0xFFFFC000  }
0x36: {  	[spmem:s2] =	stream.indirect.scatter.add.f32 [tilespmem:s16], [sflag:$0x2], $0x80, s15, s15, $0xb8;
	[tilespmem:$0x18A00] =	vst v63  }
0x37: {  	_ =	swait.ge [sflag:s14], $0x4000  }
0x38: {  	s24 =	smov.u32 s28;
	[sflag:s14] =	ssyncset.done $0x0  }
0x39: {  	s24 =	sadd.s32 s23, s12;
	[sflag:s14] =	ssyncadd.s32 $0xFFFFC000  }
0x3a: {  	[tilespmem:s3], [sflag:$0x2] =	stream.linear.gather [hbm4b:s24+s3], $0x80, $0x38;
	[tilespmem:$0x18A00] =	vst v63  }
0x3b: {  	_ =	swait.ge [sflag:s14], $0x80  }
0x3c: {  	[sflag:s14] =	ssyncset.done $0x0  }
0x3d: {  	s31 =	sadd.s32 s23, s11;
	[sflag:s14] =	ssyncadd.s32 $0xFFFFFF80  }
0x3e: {  	[tilespmem:s15], [sflag:$0x2] =	stream.linear.gather [hbm4b:s31+s3], $0x80, $0x38;
	[tilespmem:$0x18A00] =	vst v63  }
0x3f: {  	_ =	swait.ge [sflag:s14], $0x80  }
0x40: {  	[sflag:s14] =	ssyncset.done $0x0  }
0x41: {  	[sflag:s14] =	ssyncadd.s32 $0xFFFFFF80  }
0x42: {  	[tilespmem:s16], [sflag:$0x1] =	stream.indirect.gather [hbm4b:s4+s15], $0x80, s3, s15, $0xb8;
	[tilespmem:$0x18A00] =	vst v63  }
0x43: {  	_ =	swait.ge [sflag:s17], $0x4000  }
0x44: {  	[sflag:s17] =	ssyncset.done $0x0  }
0x45: {  	[sflag:s17] =	ssyncadd.s32 $0xFFFFC000  }
0x46: {  	[spmem:s2] =	stream.indirect.scatter.add.f32 [tilespmem:s16], [sflag:$0x2], $0x80, s15, s15, $0xb8;
	[tilespmem:$0x18A00] =	vst v63  }
0x47: {  	_ =	swait.ge [sflag:s14], $0x4000  }
0x48: {  	[sflag:s14] =	ssyncset.done $0x0  }
0x49: {  	[sflag:s14] =	ssyncadd.s32 $0xFFFFC000  }
0x4a: {  	[tilespmem:s18], [sflag:$0x2] =	stream.linear.gather [hbm4b:s7+s3], $0x10, $0x38;
	[tilespmem:$0x18A00] =	vst v63  }
0x4b: {  	_ =	swait.ge [sflag:s14], $0x10  }
0x4c: {  	[sflag:s14] =	ssyncset.done $0x0  }
0x4d: {  	[sflag:s14] =	ssyncadd.s32 $0xFFFFFFF0  }
0x4e: {  	[tilespmem:s19], [sflag:$0x2] =	stream.linear.gather [hbm4b:s8+s3], $0x10, $0x38;
	[tilespmem:$0x18A00] =	vst v63  }
0x4f: {  	_ =	swait.ge [sflag:s14], $0x10  }
0x50: {  	[sflag:s14] =	ssyncset.done $0x0  }
0x51: {  	[sflag:s14] =	ssyncadd.s32 $0xFFFFFFF0  }
0x52: {  	[tilespmem:s21], [sflag:$0x1] =	stream.indirect.gather [hbm4b:s4+s20], $0x80, s18, s20, $0xb8;
	[tilespmem:$0x18A00] =	vst v63  }
0x53: {  	_ =	swait.ge [sflag:s17], $0x800  }
0x54: {  	[sflag:s17] =	ssyncset.done $0x0  }
0x55: {  	[sflag:s17] =	ssyncadd.s32 $0xFFFFF800  }
0x56: {  	[spmem:s2] =	stream.indirect.scatter.add.f32 [tilespmem:s21], [sflag:$0x2], $0x80, s19, s20, $0xb8;
	[tilespmem:$0x18A00] =	vst v63  }
0x57: {  	_ =	swait.ge [sflag:s14], $0x800  }
0x58: {  	s22 =	sadd.s32 $0x1, s22;
	[sflag:s14] =	ssyncset.done $0x0  }
0x59: {  	p0 =	sne.s32 s22, s10;
	[sflag:s14] =	ssyncadd.s32 $0xFFFFF800  }
.Ltmp1:
0x5a: {  	[bflag:$0x0] =	sbarrier.arrive $0xFFFF;
	(pc) =	sbr.rel @p0 .LBB2_1-.Ltmp1, $4  }
0x5b: {  	[hbm:s9], [sflag:s6] =	dma.local [spmem:s13], $0x2800  }
0x5c: {  	_ =	swait.ge [sflag:s14], $0x2800  }
0x5d: {  	[sflag:s14] =	ssyncset.done $0x0  }
0x5e: {  	[sflag:s14] =	ssyncadd.s32 $0xFFFFD800  }
0x5f: {  	_ =	sfence.sel $0x180000  }
0x60: {  	[bflag:$0x0] =	sbarrier.arrive $0xFFFF  }
0x61: {  	p0 =	sne.s32 s1, $0x0;
	_ =	strace $0x9000004A  }
0x62: {  	s0 =	sadd.s32 @!p0 $0x100000, s0;
	[bflag:$0x2] =	sbarrier.arrive $0xFFFF  }
0x63: {  	[sflag:s0] =	ssyncadd.tile.s32 @!p0 $0x1;
	_ =	shalt  }
.Lfunc_end2:
_tile_overlayer_lowered:
.L_overlay_start_2:
0x64: {  	(tag) =	ssettag $0x2  }
0x65: {  	s0 =	rddreg [dreg:$0x0];
	s2 =	stileid.u32  }
0x66: {  	s1 =	rddreg [dreg:$0x1];
	p0 =	sne.s32 s2, $0x0  }
0x67: {  	s3 =	rddreg [dreg:$0x2];
	[bflag:$0x3] =	sbarrier.arrive $0xFFFF;
	s2 =	simm.s32 @!p0 $0x1C02  }
0x68: {  	[timem:s3], [sflag:s2] =	dma.local @!p0 [hbm:s0], s1  }
0x69: {  	s0 =	simm.s32 @!p0 $0x2  }
0x6a: {  	_ =	swait.ge @!p0 [sflag:s0], s1  }
0x6b: {  	s1 =	ssub.s32 @!p0 $0x0, s1;
	[sflag:s0] =	ssyncset.done @!p0 $0x0  }
0x6c: {  	[sflag:s0] =	ssyncadd.s32 @!p0 s1  }
0x6d: {  	[bflag:$0x3] =	sbarrier.arrive $0xFFFF  }
0x6e: {  	_ =	shalt  }

// kernel: kernel.17.cloned.1.call-start
scs
__scs_entry_jumppad:
0x0: {  	(pc) =	sbr.rel $0x88, $3  }
0x1: {  	(tag) =	ssettag $0x0;
	lr =	simm.s32 $0x1  }
0x2: {  	[smem:$0x3F91] =	sst lr;
	_ =	strace $0xD0000000  }
0x3: {  	_ = 	snop  }
0x4: {  	_ = 	snop  }
0x5: {  	_ = 	snop  }
0x6: {  	_ = 	snop  }
0x7: {  	_ = 	snop  }
__scs_overlays_trampoline_lowered:
0x8: {  	[smem:$0x3FA0] =	sst s0  }
0x9: {  	[smem:$0x3FA1] =	sst s1  }
0xa: {  	[smem:$0x3FA2] =	sst s2  }
0xb: {  	[smem:$0x3FA3] =	sst s3  }
0xc: {  	[smem:$0x3FA4] =	sst s4  }
0xd: {  	[smem:$0x3FA5] =	sst s5  }
0xe: {  	[smem:$0x3FA6] =	sst s6  }
0xf: {  	[smem:$0x3FA7] =	sst s7  }
0x10: {  	[smem:$0x3FA8] =	sst s8  }
0x11: {  	[smem:$0x3FA9] =	sst s9;
	s0 =	simm.s32 @!p0 $0x0  }
0x12: {  	s1 =	sld [smem:$0x3F8F];
	s0 =	simm.s32 @p0 $0x1  }
0x13: {  	[smem:$0x3FAA] =	sst s0;
	s0 =	simm.s32 @!p1 $0x0  }
0x14: {  	s2 =	sld [smem:$0x3F8E];
	s0 =	simm.s32 @p1 $0x1  }
0x15: {  	[smem:$0x3FAB] =	sst s0;
	s0 =	simm.s32 @!p2 $0x0  }
0x16: {  	s3 =	sld [smem:$0x3FDB];
	s0 =	simm.s32 @p2 $0x1  }
0x17: {  	s4 =	simm.s32 $0x1BF5;
	[smem:$0x3FAD] =	sst s0  }
0x18: {  	s0 =	sld [smem:$0x3F90];
	_ =	swait.ge [sflag:s4], $0x0  }
0x19: {  	s7 =	sld [smem:$0x3F91]  }
0x1a: {  	s8 =	sadd.s32 $0xFFFFE003, lr  }
0x1b: {  	s9 =	sadd.s32 $0xFFFFFEF7, lr;
	s5 =	simm.s32 $0xFFFFFFFF;
	p2 =	slt.u32 s8, $0xFFFFF086  }
0x1c: {  	p1 =	slt.u32 s9, $0xF7A;
	s5 =	simm.s32 @!p2 $0x0  }
0x1d: {  	s5 =	simm.s32 @p1 $0x1;
	p0 =	seq.s32 s7, s2  }
0x1e: {  	s7 =	smul.u32 @!p0 $0xF7A, s2;
	p2 =	seq.s32 @!p0 s5, $0x0  }
0x1f: {  	s9 =	smul.u32 $0xF7A, s1;
	s8 =	simm.s32 @!p0 $0x1BF5;
	p2 =	por !p2, p0  }
0x20: {  	[sflag:s8] =	ssyncset.s32 @!p0 $0xFFFFF086;
	s6 =	sadd.s32 @!p0 s3, s7;
	s7 =	simm.s32 @!p0 $0x108  }
0x21: {  	s3 =	sadd.s32 s3, s9;
	s6 =	sadd.s32 @!p0 $0x88, s6;
	s7 =	simm.s32 @p2 $0x1082  }
0x22: {  	[simem:s7], [sflag:s8] =	dma.local @!p0 [hbm:s6], $0xF7A  }
0x23: {  	s9 =	sor.u32 $0xD0000000, s2;
	s6 =	simm.s32 $0x108;
	_ =	swait.ge @!p0 [sflag:s8], $0x0  }
0x24: {  	s3 =	sadd.s32 $0x88, s3;
	s6 =	simm.s32 @!p1 $0x1082;
	[sflag:s4] =	ssyncset.s32 $0xFFFFF086  }
0x25: {  	[simem:s6], [sflag:s4] =	dma.local [hbm:s3], $0xF7A  }
0x26: {  	[smem:$0x3F91] =	sst s1;
	(tag) =	ssettag s2;
	_ =	strace s9  }
0x27: {  	s1 =	sld [smem:$0x3FA1]  }
0x28: {  	s2 =	sld [smem:$0x3FA2]  }
0x29: {  	s4 =	sld [smem:$0x3FA4]  }
0x2a: {  	p0 =	seq.s32 s5, $0x0;
	s5 =	sld [smem:$0x3FA5]  }
0x2b: {  	s6 =	sld [smem:$0x3FA6]  }
0x2c: {  	s7 =	sld [smem:$0x3FA7]  }
0x2d: {  	s3 =	simm.s32 $0x108;
	s8 =	sld [smem:$0x3FA8]  }
0x2e: {  	s3 =	simm.s32 @!p0 $0x1082;
	s9 =	sld [smem:$0x3FA9]  }
0x2f: {  	lr =	sadd.s32 s0, s3;
	s0 =	sld [smem:$0x3FA0]  }
0x30: {  	s3 =	sld [smem:$0x3FA3]  }
0x31: {  	[smem:$0x3FAC] =	sst s10  }
0x32: {  	s10 =	sld [smem:$0x3FAA];
	_ =	sdelay $0x3  }
0x33: {  	p0 =	seq.s32 s10, $0x1;
	s10 =	sld [smem:$0x3FAC];
	_ =	sdelay $0x3  }
0x34: {  	[smem:$0x3FAC] =	sst s10  }
0x35: {  	s10 =	sld [smem:$0x3FAB];
	_ =	sdelay $0x3  }
0x36: {  	p1 =	seq.s32 s10, $0x1;
	s10 =	sld [smem:$0x3FAC];
	_ =	sdelay $0x3  }
0x37: {  	[smem:$0x3FAC] =	sst s10  }
0x38: {  	s10 =	sld [smem:$0x3FAD]  }
0x39: {  	_ = 	snop;
	(pc) =	sbr.ind lr, $3  }
0x3a: {  	_ = 	snop  }
0x3b: {  	_ = 	snop  }
0x3c: {  	p2 =	seq.s32 s10, $0x1;
	s10 =	sld [smem:$0x3FAC]  }
0x3d: {  	_ =	shalt  }
0x3e: {  	_ =	shalt  }
0x3f: {  	_ =	shalt  }
0x40: {  	_ =	shalt  }
0x41: {  	_ =	shalt  }
0x42: {  	_ =	shalt  }
0x43: {  	_ =	shalt  }
0x44: {  	_ =	shalt  }
0x45: {  	_ =	shalt  }
0x46: {  	_ =	shalt  }
0x47: {  	_ =	shalt  }
0x48: {  	_ =	shalt  }
0x49: {  	_ =	shalt  }
0x4a: {  	_ =	shalt  }
0x4b: {  	_ =	shalt  }
0x4c: {  	_ =	shalt  }
0x4d: {  	_ =	shalt  }
0x4e: {  	_ =	shalt  }
0x4f: {  	_ =	shalt  }
0x50: {  	_ =	shalt  }
0x51: {  	_ =	shalt  }
0x52: {  	_ =	shalt  }
0x53: {  	_ =	shalt  }
0x54: {  	_ =	shalt  }
0x55: {  	_ =	shalt  }
0x56: {  	_ =	shalt  }
0x57: {  	_ =	shalt  }
0x58: {  	_ =	shalt  }
0x59: {  	_ =	shalt  }
0x5a: {  	_ =	shalt  }
0x5b: {  	_ =	shalt  }
0x5c: {  	_ =	shalt  }
0x5d: {  	_ =	shalt  }
0x5e: {  	_ =	shalt  }
0x5f: {  	_ =	shalt  }
0x60: {  	_ =	shalt  }
0x61: {  	_ =	shalt  }
0x62: {  	_ =	shalt  }
0x63: {  	_ =	shalt  }
0x64: {  	_ =	shalt  }
0x65: {  	_ =	shalt  }
0x66: {  	_ =	shalt  }
0x67: {  	_ =	shalt  }
0x68: {  	_ =	shalt  }
0x69: {  	_ =	shalt  }
0x6a: {  	_ =	shalt  }
0x6b: {  	_ =	shalt  }
0x6c: {  	_ =	shalt  }
0x6d: {  	_ =	shalt  }
0x6e: {  	_ =	shalt  }
0x6f: {  	_ =	shalt  }
0x70: {  	_ =	shalt  }
0x71: {  	_ =	shalt  }
0x72: {  	_ =	shalt  }
0x73: {  	_ =	shalt  }
0x74: {  	_ =	shalt  }
0x75: {  	_ =	shalt  }
0x76: {  	_ =	shalt  }
0x77: {  	_ =	shalt  }
0x78: {  	_ =	shalt  }
0x79: {  	_ =	shalt  }
0x7a: {  	_ =	shalt  }
0x7b: {  	_ =	shalt  }
0x7c: {  	_ =	shalt  }
0x7d: {  	_ =	shalt  }
0x7e: {  	_ =	shalt  }
0x7f: {  	_ =	shalt  }
0x80: {  	_ =	shalt  }
0x81: {  	_ =	shalt  }
0x82: {  	_ =	shalt  }
0x83: {  	_ =	shalt  }
0x84: {  	_ =	shalt  }
0x85: {  	_ =	shalt  }
0x86: {  	_ =	shalt  }
0x87: {  	_ =	shalt  }
.Lfunc_end0:
.L_simem_size_0:
called_computation.2_lowered:
.L_overlay_start_0:
0x88: {  	s2 =	sld [smem:$0x3FD9]  }
0x89: {  	s3 =	sld [smem:$0x3FFE];
	_ =	sdelay $0x1  }
0x8a: {  	s1 =	srdreg.scid  }
0x8b: {  	s0 =	sand.u32 $0x1, s1  }
0x8c: {  	s17 =	sshll.u32 s0, $0xA;
	s2 =	sadd.s32 s3, s2  }
0x8d: {  	s2 =	sadd.s32 s2, s17  }
0x8e: {  	[smem:$0x3FB8] =	sst s2  }
0x8f: {  	_ = 	snop  }
0x90: {  	(tm) =	ssettm $0x1  }
0x91: {  	s18 =	sld [smem:$0x3FFB];
	_ =	sdelay $0x3  }
0x92: {  	_ =	strace s18  }
0x93: {  	s2 =	sld [smem:$0x3FFC];
	_ =	sdelay $0x3  }
0x94: {  	_ =	strace s2  }
0x95: {  	s2 =	sld [smem:$0x3FFD];
	_ =	sdelay $0x3  }
0x96: {  	_ =	strace s2  }
0x97: {  	_ =	strace $0x8FFFFFFF  }
0x98: {  	s19 =	sld [smem:$0x3FDB];
	_ =	sdelay $0x1  }
0x99: {  	s20 =	simm.s32 $_scs_section_size  }
0x9a: {  	s4 =	simm.s32 $_size__tile_overlayer_lowered;
	s5 =	simm.s32 $_tile_overlayer_lowered  }
0x9b: {  	s6 =	simm.s32 $0x1BFF;
	s21 =	sshll.u32 s5, $0x1;
	s3 =	sadd.s32 s20, s19  }
0x9c: {  	s22 =	simm.s32 $0x0;
	s4 =	sshll.u32 s4, $0x1;
	s5 =	sadd.s32 s21, s3  }
0x9d: {  	[timem:s22], [sflag:s6] =	dma.local [hbm:s5], s4  }
0x9e: {  	_ =	swait.ge [sflag:s6], s4  }
0x9f: {  	s4 =	ssub.s32 $0x0, s4;
	[sflag:s6] =	ssyncset.done $0x0  }
0xa0: {  	[sflag:s6] =	ssyncadd.s32 s4;
	_ =	sdelay $0x1  }
0xa1: {  	s23 =	simm.s32 $0x1B8B  }
0xa2: {  	_ =	swait.ge [sflag:s23], $0x1  }
0xa3: {  	[sflag:s23] =	ssyncset.done $0x0  }
0xa4: {  	[sflag:s23] =	ssyncadd.s32 $0xFFFFFFFF  }
0xa5: {  	s4 =	sld [smem:$0x0]  }
0xa6: {  	s5 =	sand.u32 $0xFFFFFFFE, s1  }
0xa7: {  	p0 =	sne.s32 s1, s5  }
0xa8: {  	s5 =	sshll.u32 @p0 s5, $0xE  }
0xa9: {  	s5 =	sadd.s32 @p0 $0x11B8D, s5;
	s6 =	sshll.u32 @p0 s4, $0x11  }
0xaa: {  	s5 =	sor.u32 @p0 s6, s5  }
0xab: {  	[sflag:s5] =	ssyncadd.remote.s32 @p0 $0x1;
	_ =	sdelay $0x1  }
0xac: {  	s5 =	simm.s32 @p0 $0x1B8D  }
0xad: {  	_ =	swait.eq @p0 [sflag:s5], $0x1  }
0xae: {  	[sflag:s5] =	ssyncadd.s32 @p0 $0xFFFFFFFF  }
0xaf: {  	s6 =	sshll.u32 @!p0 s1, $0xE  }
0xb0: {  	s6 =	sor.u32 @!p0 $0x4000, s6;
	s5 =	simm.s32 @!p0 $0x1B8D  }
0xb1: {  	s4 =	sshll.u32 @!p0 s4, $0x11;
	s6 =	sadd.s32 @!p0 $0x11B8D, s6;
	_ =	swait.eq @!p0 [sflag:s5], $0x1  }
0xb2: {  	s4 =	sor.u32 @!p0 s4, s6;
	[sflag:s5] =	ssyncadd.s32 @!p0 $0xFFFFFFFF  }
0xb3: {  	s25 =	simm.s32 $0x1B8E;
	s24 =	sld [smem:$0x3FFE];
	[sflag:s4] =	ssyncadd.remote.s32 @!p0 $0x1  }
0xb4: {  	s26 =	simm.s32 $execute0_lowered;
	[smem:$0x3FD2] =	sst s25  }
0xb5: {  	s5 =	sshll.u32 s26, $0x1;
	_ =	strace $0x8000004F;
	[dreg:$0x1] =	wrdreg $0xFFFFFFFF  }
0xb6: {  	s28 =	simm.s32 $_size_execute0_lowered;
	s3 =	sadd.s32 s3, s5;
	[dreg:$0x0] =	wrdreg $0x0  }
0xb7: {  	s5 =	sshll.u32 s28, $0x1;
	[dreg:$0x2] =	wrdreg s3  }
0xb8: {  	[dreg:$0x3] =	wrdreg s5  }
0xb9: {  	[dreg:$0x4] =	wrdreg $0xC0  }
0xba: {  	_ =	task [dreg:s22], $0x5FFFF  }
0xbb: {  	[dreg:$0x1] =	wrdreg $0xFFFFFFFF  }
0xbc: {  	[dreg:$0x0] =	wrdreg $0x60  }
0xbd: {  	[dreg:$0x2] =	wrdreg s24  }
0xbe: {  	[dreg:$0x3] =	wrdreg $0x4A000  }
0xbf: {  	[dreg:$0x4] =	wrdreg $0x9  }
0xc0: {  	_ =	task.clear_ibuf [dreg:s22], $0x5FFFF;
	_ =	strace $0x9000004F  }
0xc1: {  	s29 =	simm.s32 $0x9;
	_ =	strace $0x80000051  }
0xc2: {  	_ =	swait.ge [sflag:s29], $0x1  }
0xc3: {  	[sflag:s29] =	ssyncadd.s32 $0xFFFFFFFF  }
0xc4: {  	_ =	strace $0x90000051  }
0xc5: {  	_ =	sfence  }
0xc6: {  	s30 =	sld [smem:$0x0];
	_ =	sdelay $0x2  }
0xc7: {  	s31 =	sshll.u32 s1, $0xD;
	s1 =	sshrl.u32 s1, $0x2  }
0xc8: {  	s4 =	sand.u32 $0x4000, s31;
	s1 =	sadd.s32 s1, s30  }
0xc9: {  	s0 =	sor.u32 s4, s0;
	s1 =	sshll.u32 s1, $0x11  }
0xca: {  	s0 =	sor.u32 s1, s0  }
0xcb: {  	s0 =	sadd.s32 $0x8F2B, s0  }
0xcc: {  	[sflag:s0] =	ssyncadd.remote.s32 $0x1  }
0xcd: {  	_ =	sfence.sel $0xFFFF  }
0xce: {  	[dreg:$0x0] =	wrdreg $0xFFFFFFFF;
	(pc) =	sbr.abs _section_cstart, $3  }
0xcf: {  	[dreg:$0x1] =	wrdreg $0xFFFFFFFF  }
0xd0: {  	_ =	task.clear_ibuf [dreg:s22], $0x2FFFF;
	_ =	strace $0x9FFFFFFF  }
0xd1: {  	(tm) =	ssettm $0x7FFFFFFF  }
tec
execute0_lowered:
.L_overlay_start_1:
0x0: {  	(tag) =	ssettag $0x1  }
0x1: {  	s5 =	rddreg [dreg:$0x0]  }
0x2: {  	s2 =	rddreg [dreg:$0x1]  }
0x3: {  	s0 =	rddreg [dreg:$0x2];
	s3 =	simm.s32 $0x0;
	s1 =	stileid.u32  }
0x4: {  	s4 =	srdreg.scid;
	s18 =	simm.s32 $0x100;
	s19 =	simm.s32 $0x180  }
0x5: {  	s20 =	simm.s32 $0x10;
	s21 =	simm.s32 $0x4200;
	s22 =	simm.s32 $0x0  }
0x6: {  	[smem:$0x7FF] =	sst s3;
	s6 =	smul.u32 $0x14000, s1;
	s7 =	sand.u32 $0x1, s4  }
0x7: {  	s4 =	sadd.s32 $0x98800, s5;
	s12 =	sadd.s32 $0x17800, s5;
	s24 =	smul.u32 $0x50000, s1  }
0x8: {  	s11 =	sadd.s32 $0xDA00, s5;
	s10 =	sshll.u32 s1, $0x1;
	s15 =	smul.u32 $0x4E20, s1  }
0x9: {  	s29 =	sshll.u32 s1, $0x6;
	_ =	strace $0x80000050;
	s8 =	smul.u32 $0x140000, s7  }
0xa: {  	s25 =	ssub.s32 $0x2, s7;
	s26 =	sor.u32 s7, s10;
	s9 =	sshrl.u32 s6, $0x3  }
0xb: {  	s17 =	smul.u32 $0x2710, s7;
	s28 =	sshrl.u32 s25, $0x1;
	s9 =	sadd.s32 s9, s5  }
0xc: {  	s6 =	sadd.s32 s6, s8;
	s8 =	sshrl.u32 s24, $0x2;
	s10 =	ssub.s32 s25, s28  }
0xd: {  	s15 =	sadd.s32 s17, s15;
	s17 =	simm.s32 $0x1;
	s6 =	sshrl.u32 s6, $0x3  }
0xe: {  	s14 =	sadd.s32 s8, s2;
	s13 =	sadd.s32 s6, s5;
	s6 =	smul.u32 $0x2710, s26  }
0xf: {  	s10 =	smax.u32 s10, $0x1;
	s31 =	sshrl.u32 s15, $0x3;
	s15 =	simm.s32 $0x80  }
0x10: {  	s5 =	sadd.s32 $0x48800, s9;
	s9 =	sadd.s32 $0x110800, s13;
	s16 =	sshrl.u32 s6, $0x3  }
0x11: {  	s13 =	sshrl.u32 s14, $0x3;
	s14 =	simm.s32 $0x2;
	s30 =	sadd.s32 $0x4E0, s16  }
0x12: {  	s6 =	sor.u32 $0x1C02, s29;
	s16 =	simm.s32 $0x200;
	s7 =	sadd.s32 s12, s30  }
0x13: {  	s8 =	sadd.s32 s11, s30;
	s11 =	sadd.s32 s31, s11;
	s12 =	sadd.s32 s31, s12  }
.LBB2_1:
0x14: {  	[spmem:s13], [sflag:s6] =	dma.local [hbm:s5], $0x2800  }
0x15: {  	_ =	swait.ge [sflag:s14], $0x2800  }
0x16: {  	[sflag:s14] =	ssyncset.done $0x0  }
0x17: {  	[sflag:s14] =	ssyncadd.s32 $0xFFFFD800  }
0x18: {  	s23 =	sadd.s32 $0x0, s12;
	[bflag:$0x0] =	sbarrier.arrive $0xFFFF  }
0x19: {  	[tilespmem:s3], [sflag:$0x2] =	stream.linear.gather [hbm4b:s23+s3], $0x80, $0x38;
	[tilespmem:$0x18A00] =	vst v63  }
0x1a: {  	_ =	swait.ge [sflag:s14], $0x80  }
0x1b: {  	[sflag:s14] =	ssyncset.done $0x0  }
0x1c: {  	s31 =	sadd.s32 $0x0, s11;
	[sflag:s14] =	ssyncadd.s32 $0xFFFFFF80  }
0x1d: {  	[tilespmem:s15], [sflag:$0x2] =	stream.linear.gather [hbm4b:s31+s3], $0x80, $0x38;
	[tilespmem:$0x18A00] =	vst v63  }
0x1e: {  	_ =	swait.ge [sflag:s14], $0x80  }
0x1f: {  	[sflag:s14] =	ssyncset.done $0x0  }
0x20: {  	[sflag:s14] =	ssyncadd.s32 $0xFFFFFF80  }
0x21: {  	[tilespmem:s16], [sflag:$0x1] =	stream.indirect.gather [hbm4b:s4+s15], $0x80, s3, s15, $0xb8;
	[tilespmem:$0x18A00] =	vst v63  }
0x22: {  	_ =	swait.ge [sflag:s17], $0x4000  }
0x23: {  	[sflag:s17] =	ssyncset.done $0x0  }
0x24: {  	[sflag:s17] =	ssyncadd.s32 $0xFFFFC000  }
0x25: {  	[spmem:s2] =	stream.indirect.scatter.add.f32 [tilespmem:s16], [sflag:$0x2], $0x80, s15, s15, $0xb8;
	[tilespmem:$0x18A00] =	vst v63  }
0x26: {  	_ =	swait.ge [sflag:s14], $0x4000  }
0x27: {  	s24 =	simm.s32 $0x20;
	s23 =	simm.s32 $0x10;
	[sflag:s14] =	ssyncset.done $0x0  }
.LBB2_2:
0x28: {  	s25 =	sadd.s32 s23, s12  }
0x29: {  	[sflag:s14] =	ssyncadd.s32 $0xFFFFC000;
	s26 =	smov.u32 s24;
	s28 =	sadd.s32 $0x10, s24  }
0x2a: {  	[tilespmem:s3], [sflag:$0x2] =	stream.linear.gather [hbm4b:s25+s3], $0x80, $0x38;
	[tilespmem:$0x18A00] =	vst v63  }
0x2b: {  	p0 =	sne.s32 s24, $0x4D0;
	_ =	swait.ge [sflag:s14], $0x80  }
0x2c: {  	[sflag:s14] =	ssyncset.done $0x0  }
0x2d: {  	s24 =	sadd.s32 s23, s11;
	s23 =	smov.u32 s26;
	[sflag:s14] =	ssyncadd.s32 $0xFFFFFF80  }
0x2e: {  	[tilespmem:s15], [sflag:$0x2] =	stream.linear.gather [hbm4b:s24+s3], $0x80, $0x38;
	[tilespmem:$0x18A00] =	vst v63  }
0x2f: {  	_ =	swait.ge [sflag:s14], $0x80  }
0x30: {  	[sflag:s14] =	ssyncset.done $0x0  }
0x31: {  	[sflag:s14] =	ssyncadd.s32 $0xFFFFFF80  }
0x32: {  	[tilespmem:s16], [sflag:$0x1] =	stream.indirect.gather [hbm4b:s4+s15], $0x80, s3, s15, $0xb8;
	[tilespmem:$0x18A00] =	vst v63  }
0x33: {  	_ =	swait.ge [sflag:s17], $0x4000  }
.Ltmp0:
0x34: {  	[sflag:s17] =	ssyncset.done $0x0;
	(pc) =	sbr.rel @p0 .LBB2_2-.Ltmp0, $4  }
0x35: {  	[sflag:s17] =	ssyncadd.s32 $0xFFFFC000  }
0x36: {  	[spmem:s2] =	stream.indirect.scatter.add.f32 [tilespmem:s16], [sflag:$0x2], $0x80, s15, s15, $0xb8;
	[tilespmem:$0x18A00] =	vst v63  }
0x37: {  	_ =	swait.ge [sflag:s14], $0x4000  }
0x38: {  	s24 =	smov.u32 s28;
	[sflag:s14] =	ssyncset.done $0x0  }
0x39: {  	s24 =	sadd.s32 s23, s12;
	[sflag:s14] =	ssyncadd.s32 $0xFFFFC000  }
0x3a: {  	[tilespmem:s3], [sflag:$0x2] =	stream.linear.gather [hbm4b:s24+s3], $0x80, $0x38;
	[tilespmem:$0x18A00] =	vst v63  }
0x3b: {  	_ =	swait.ge [sflag:s14], $0x80  }
0x3c: {  	[sflag:s14] =	ssyncset.done $0x0  }
0x3d: {  	s31 =	sadd.s32 s23, s11;
	[sflag:s14] =	ssyncadd.s32 $0xFFFFFF80  }
0x3e: {  	[tilespmem:s15], [sflag:$0x2] =	stream.linear.gather [hbm4b:s31+s3], $0x80, $0x38;
	[tilespmem:$0x18A00] =	vst v63  }
0x3f: {  	_ =	swait.ge [sflag:s14], $0x80  }
0x40: {  	[sflag:s14] =	ssyncset.done $0x0  }
0x41: {  	[sflag:s14] =	ssyncadd.s32 $0xFFFFFF80  }
0x42: {  	[tilespmem:s16], [sflag:$0x1] =	stream.indirect.gather [hbm4b:s4+s15], $0x80, s3, s15, $0xb8;
	[tilespmem:$0x18A00] =	vst v63  }
0x43: {  	_ =	swait.ge [sflag:s17], $0x4000  }
0x44: {  	[sflag:s17] =	ssyncset.done $0x0  }
0x45: {  	[sflag:s17] =	ssyncadd.s32 $0xFFFFC000  }
0x46: {  	[spmem:s2] =	stream.indirect.scatter.add.f32 [tilespmem:s16], [sflag:$0x2], $0x80, s15, s15, $0xb8;
	[tilespmem:$0x18A00] =	vst v63  }
0x47: {  	_ =	swait.ge [sflag:s14], $0x4000  }
0x48: {  	[sflag:s14] =	ssyncset.done $0x0  }
0x49: {  	[sflag:s14] =	ssyncadd.s32 $0xFFFFC000  }
0x4a: {  	[tilespmem:s18], [sflag:$0x2] =	stream.linear.gather [hbm4b:s7+s3], $0x10, $0x38;
	[tilespmem:$0x18A00] =	vst v63  }
0x4b: {  	_ =	swait.ge [sflag:s14], $0x10  }
0x4c: {  	[sflag:s14] =	ssyncset.done $0x0  }
0x4d: {  	[sflag:s14] =	ssyncadd.s32 $0xFFFFFFF0  }
0x4e: {  	[tilespmem:s19], [sflag:$0x2] =	stream.linear.gather [hbm4b:s8+s3], $0x10, $0x38;
	[tilespmem:$0x18A00] =	vst v63  }
0x4f: {  	_ =	swait.ge [sflag:s14], $0x10  }
0x50: {  	[sflag:s14] =	ssyncset.done $0x0  }
0x51: {  	[sflag:s14] =	ssyncadd.s32 $0xFFFFFFF0  }
0x52: {  	[tilespmem:s21], [sflag:$0x1] =	stream.indirect.gather [hbm4b:s4+s20], $0x80, s18, s20, $0xb8;
	[tilespmem:$0x18A00] =	vst v63  }
0x53: {  	_ =	swait.ge [sflag:s17], $0x800  }
0x54: {  	[sflag:s17] =	ssyncset.done $0x0  }
0x55: {  	[sflag:s17] =	ssyncadd.s32 $0xFFFFF800  }
0x56: {  	[spmem:s2] =	stream.indirect.scatter.add.f32 [tilespmem:s21], [sflag:$0x2], $0x80, s19, s20, $0xb8;
	[tilespmem:$0x18A00] =	vst v63  }
0x57: {  	_ =	swait.ge [sflag:s14], $0x800  }
0x58: {  	s22 =	sadd.s32 $0x1, s22;
	[sflag:s14] =	ssyncset.done $0x0  }
0x59: {  	p0 =	sne.s32 s22, s10;
	[sflag:s14] =	ssyncadd.s32 $0xFFFFF800  }
.Ltmp1:
0x5a: {  	[bflag:$0x0] =	sbarrier.arrive $0xFFFF;
	(pc) =	sbr.rel @p0 .LBB2_1-.Ltmp1, $4  }
0x5b: {  	[hbm:s9], [sflag:s6] =	dma.local [spmem:s13], $0x2800  }
0x5c: {  	_ =	swait.ge [sflag:s14], $0x2800  }
0x5d: {  	[sflag:s14] =	ssyncset.done $0x0  }
0x5e: {  	[sflag:s14] =	ssyncadd.s32 $0xFFFFD800  }
0x5f: {  	_ =	sfence.sel $0x180000  }
0x60: {  	[bflag:$0x0] =	sbarrier.arrive $0xFFFF  }
0x61: {  	p0 =	sne.s32 s1, $0x0;
	_ =	strace $0x90000050  }
0x62: {  	s0 =	sadd.s32 @!p0 $0x100000, s0;
	[bflag:$0x2] =	sbarrier.arrive $0xFFFF  }
0x63: {  	[sflag:s0] =	ssyncadd.tile.s32 @!p0 $0x1;
	_ =	shalt  }
.Lfunc_end2:
_tile_overlayer_lowered:
.L_overlay_start_2:
0x64: {  	(tag) =	ssettag $0x2  }
0x65: {  	s0 =	rddreg [dreg:$0x0];
	s2 =	stileid.u32  }
0x66: {  	s1 =	rddreg [dreg:$0x1];
	p0 =	sne.s32 s2, $0x0  }
0x67: {  	s3 =	rddreg [dreg:$0x2];
	[bflag:$0x3] =	sbarrier.arrive $0xFFFF;
	s2 =	simm.s32 @!p0 $0x1C02  }
0x68: {  	[timem:s3], [sflag:s2] =	dma.local @!p0 [hbm:s0], s1  }
0x69: {  	s0 =	simm.s32 @!p0 $0x2  }
0x6a: {  	_ =	swait.ge @!p0 [sflag:s0], s1  }
0x6b: {  	s1 =	ssub.s32 @!p0 $0x0, s1;
	[sflag:s0] =	ssyncset.done @!p0 $0x0  }
0x6c: {  	[sflag:s0] =	ssyncadd.s32 @!p0 s1  }
0x6d: {  	[bflag:$0x3] =	sbarrier.arrive $0xFFFF  }
0x6e: {  	_ =	shalt  }

// kernel: kernel.20.cloned.1.call-start
scs
__scs_entry_jumppad:
0x0: {  	(pc) =	sbr.rel $0x88, $3  }
0x1: {  	(tag) =	ssettag $0x0;
	lr =	simm.s32 $0x1  }
0x2: {  	[smem:$0x3F91] =	sst lr;
	_ =	strace $0xD0000000  }
0x3: {  	_ = 	snop  }
0x4: {  	_ = 	snop  }
0x5: {  	_ = 	snop  }
0x6: {  	_ = 	snop  }
0x7: {  	_ = 	snop  }
__scs_overlays_trampoline_lowered:
0x8: {  	[smem:$0x3FA0] =	sst s0  }
0x9: {  	[smem:$0x3FA1] =	sst s1  }
0xa: {  	[smem:$0x3FA2] =	sst s2  }
0xb: {  	[smem:$0x3FA3] =	sst s3  }
0xc: {  	[smem:$0x3FA4] =	sst s4  }
0xd: {  	[smem:$0x3FA5] =	sst s5  }
0xe: {  	[smem:$0x3FA6] =	sst s6  }
0xf: {  	[smem:$0x3FA7] =	sst s7  }
0x10: {  	[smem:$0x3FA8] =	sst s8  }
0x11: {  	[smem:$0x3FA9] =	sst s9;
	s0 =	simm.s32 @!p0 $0x0  }
0x12: {  	s1 =	sld [smem:$0x3F8F];
	s0 =	simm.s32 @p0 $0x1  }
0x13: {  	[smem:$0x3FAA] =	sst s0;
	s0 =	simm.s32 @!p1 $0x0  }
0x14: {  	s2 =	sld [smem:$0x3F8E];
	s0 =	simm.s32 @p1 $0x1  }
0x15: {  	[smem:$0x3FAB] =	sst s0;
	s0 =	simm.s32 @!p2 $0x0  }
0x16: {  	s3 =	sld [smem:$0x3FDB];
	s0 =	simm.s32 @p2 $0x1  }
0x17: {  	s4 =	simm.s32 $0x1BF5;
	[smem:$0x3FAD] =	sst s0  }
0x18: {  	s0 =	sld [smem:$0x3F90];
	_ =	swait.ge [sflag:s4], $0x0  }
0x19: {  	s7 =	sld [smem:$0x3F91]  }
0x1a: {  	s8 =	sadd.s32 $0xFFFFE003, lr  }
0x1b: {  	s9 =	sadd.s32 $0xFFFFFEF7, lr;
	s5 =	simm.s32 $0xFFFFFFFF;
	p2 =	slt.u32 s8, $0xFFFFF086  }
0x1c: {  	p1 =	slt.u32 s9, $0xF7A;
	s5 =	simm.s32 @!p2 $0x0  }
0x1d: {  	s5 =	simm.s32 @p1 $0x1;
	p0 =	seq.s32 s7, s2  }
0x1e: {  	s7 =	smul.u32 @!p0 $0xF7A, s2;
	p2 =	seq.s32 @!p0 s5, $0x0  }
0x1f: {  	s9 =	smul.u32 $0xF7A, s1;
	s8 =	simm.s32 @!p0 $0x1BF5;
	p2 =	por !p2, p0  }
0x20: {  	[sflag:s8] =	ssyncset.s32 @!p0 $0xFFFFF086;
	s6 =	sadd.s32 @!p0 s3, s7;
	s7 =	simm.s32 @!p0 $0x108  }
0x21: {  	s3 =	sadd.s32 s3, s9;
	s6 =	sadd.s32 @!p0 $0x88, s6;
	s7 =	simm.s32 @p2 $0x1082  }
0x22: {  	[simem:s7], [sflag:s8] =	dma.local @!p0 [hbm:s6], $0xF7A  }
0x23: {  	s9 =	sor.u32 $0xD0000000, s2;
	s6 =	simm.s32 $0x108;
	_ =	swait.ge @!p0 [sflag:s8], $0x0  }
0x24: {  	s3 =	sadd.s32 $0x88, s3;
	s6 =	simm.s32 @!p1 $0x1082;
	[sflag:s4] =	ssyncset.s32 $0xFFFFF086  }
0x25: {  	[simem:s6], [sflag:s4] =	dma.local [hbm:s3], $0xF7A  }
0x26: {  	[smem:$0x3F91] =	sst s1;
	(tag) =	ssettag s2;
	_ =	strace s9  }
0x27: {  	s1 =	sld [smem:$0x3FA1]  }
0x28: {  	s2 =	sld [smem:$0x3FA2]  }
0x29: {  	s4 =	sld [smem:$0x3FA4]  }
0x2a: {  	p0 =	seq.s32 s5, $0x0;
	s5 =	sld [smem:$0x3FA5]  }
0x2b: {  	s6 =	sld [smem:$0x3FA6]  }
0x2c: {  	s7 =	sld [smem:$0x3FA7]  }
0x2d: {  	s3 =	simm.s32 $0x108;
	s8 =	sld [smem:$0x3FA8]  }
0x2e: {  	s3 =	simm.s32 @!p0 $0x1082;
	s9 =	sld [smem:$0x3FA9]  }
0x2f: {  	lr =	sadd.s32 s0, s3;
	s0 =	sld [smem:$0x3FA0]  }
0x30: {  	s3 =	sld [smem:$0x3FA3]  }
0x31: {  	[smem:$0x3FAC] =	sst s10  }
0x32: {  	s10 =	sld [smem:$0x3FAA];
	_ =	sdelay $0x3  }
0x33: {  	p0 =	seq.s32 s10, $0x1;
	s10 =	sld [smem:$0x3FAC];
	_ =	sdelay $0x3  }
0x34: {  	[smem:$0x3FAC] =	sst s10  }
0x35: {  	s10 =	sld [smem:$0x3FAB];
	_ =	sdelay $0x3  }
0x36: {  	p1 =	seq.s32 s10, $0x1;
	s10 =	sld [smem:$0x3FAC];
	_ =	sdelay $0x3  }
0x37: {  	[smem:$0x3FAC] =	sst s10  }
0x38: {  	s10 =	sld [smem:$0x3FAD]  }
0x39: {  	_ = 	snop;
	(pc) =	sbr.ind lr, $3  }
0x3a: {  	_ = 	snop  }
0x3b: {  	_ = 	snop  }
0x3c: {  	p2 =	seq.s32 s10, $0x1;
	s10 =	sld [smem:$0x3FAC]  }
0x3d: {  	_ =	shalt  }
0x3e: {  	_ =	shalt  }
0x3f: {  	_ =	shalt  }
0x40: {  	_ =	shalt  }
0x41: {  	_ =	shalt  }
0x42: {  	_ =	shalt  }
0x43: {  	_ =	shalt  }
0x44: {  	_ =	shalt  }
0x45: {  	_ =	shalt  }
0x46: {  	_ =	shalt  }
0x47: {  	_ =	shalt  }
0x48: {  	_ =	shalt  }
0x49: {  	_ =	shalt  }
0x4a: {  	_ =	shalt  }
0x4b: {  	_ =	shalt  }
0x4c: {  	_ =	shalt  }
0x4d: {  	_ =	shalt  }
0x4e: {  	_ =	shalt  }
0x4f: {  	_ =	shalt  }
0x50: {  	_ =	shalt  }
0x51: {  	_ =	shalt  }
0x52: {  	_ =	shalt  }
0x53: {  	_ =	shalt  }
0x54: {  	_ =	shalt  }
0x55: {  	_ =	shalt  }
0x56: {  	_ =	shalt  }
0x57: {  	_ =	shalt  }
0x58: {  	_ =	shalt  }
0x59: {  	_ =	shalt  }
0x5a: {  	_ =	shalt  }
0x5b: {  	_ =	shalt  }
0x5c: {  	_ =	shalt  }
0x5d: {  	_ =	shalt  }
0x5e: {  	_ =	shalt  }
0x5f: {  	_ =	shalt  }
0x60: {  	_ =	shalt  }
0x61: {  	_ =	shalt  }
0x62: {  	_ =	shalt  }
0x63: {  	_ =	shalt  }
0x64: {  	_ =	shalt  }
0x65: {  	_ =	shalt  }
0x66: {  	_ =	shalt  }
0x67: {  	_ =	shalt  }
0x68: {  	_ =	shalt  }
0x69: {  	_ =	shalt  }
0x6a: {  	_ =	shalt  }
0x6b: {  	_ =	shalt  }
0x6c: {  	_ =	shalt  }
0x6d: {  	_ =	shalt  }
0x6e: {  	_ =	shalt  }
0x6f: {  	_ =	shalt  }
0x70: {  	_ =	shalt  }
0x71: {  	_ =	shalt  }
0x72: {  	_ =	shalt  }
0x73: {  	_ =	shalt  }
0x74: {  	_ =	shalt  }
0x75: {  	_ =	shalt  }
0x76: {  	_ =	shalt  }
0x77: {  	_ =	shalt  }
0x78: {  	_ =	shalt  }
0x79: {  	_ =	shalt  }
0x7a: {  	_ =	shalt  }
0x7b: {  	_ =	shalt  }
0x7c: {  	_ =	shalt  }
0x7d: {  	_ =	shalt  }
0x7e: {  	_ =	shalt  }
0x7f: {  	_ =	shalt  }
0x80: {  	_ =	shalt  }
0x81: {  	_ =	shalt  }
0x82: {  	_ =	shalt  }
0x83: {  	_ =	shalt  }
0x84: {  	_ =	shalt  }
0x85: {  	_ =	shalt  }
0x86: {  	_ =	shalt  }
0x87: {  	_ =	shalt  }
.Lfunc_end0:
.L_simem_size_0:
called_computation.3_lowered:
.L_overlay_start_0:
0x88: {  	s2 =	sld [smem:$0x3FD9]  }
0x89: {  	s3 =	sld [smem:$0x3FFE];
	_ =	sdelay $0x1  }
0x8a: {  	s1 =	srdreg.scid  }
0x8b: {  	s0 =	sand.u32 $0x1, s1  }
0x8c: {  	s16 =	sshll.u32 s0, $0xA;
	s2 =	sadd.s32 s3, s2  }
0x8d: {  	s2 =	sadd.s32 s2, s16  }
0x8e: {  	[smem:$0x3FB8] =	sst s2  }
0x8f: {  	_ = 	snop  }
0x90: {  	(tm) =	ssettm $0x1  }
0x91: {  	s17 =	sld [smem:$0x3FFB];
	_ =	sdelay $0x3  }
0x92: {  	_ =	strace s17  }
0x93: {  	s2 =	sld [smem:$0x3FFC];
	_ =	sdelay $0x3  }
0x94: {  	_ =	strace s2  }
0x95: {  	s2 =	sld [smem:$0x3FFD];
	_ =	sdelay $0x3  }
0x96: {  	_ =	strace s2  }
0x97: {  	_ =	strace $0x8FFFFFFF  }
0x98: {  	s18 =	sld [smem:$0x3FDB];
	_ =	sdelay $0x1  }
0x99: {  	s19 =	simm.s32 $_scs_section_size  }
0x9a: {  	s4 =	simm.s32 $_size__tile_overlayer_lowered;
	s5 =	simm.s32 $_tile_overlayer_lowered  }
0x9b: {  	s22 =	simm.s32 $0x1BFF;
	s21 =	sshll.u32 s5, $0x1;
	s2 =	sadd.s32 s19, s18  }
0x9c: {  	s6 =	simm.s32 $0x0;
	s20 =	sshll.u32 s4, $0x1;
	s4 =	sadd.s32 s21, s2  }
0x9d: {  	[timem:s6], [sflag:s22] =	dma.local [hbm:s4], s20  }
0x9e: {  	_ =	swait.ge [sflag:s22], s20  }
0x9f: {  	s3 =	ssub.s32 $0x0, s20;
	[sflag:s22] =	ssyncset.done $0x0  }
0xa0: {  	[sflag:s22] =	ssyncadd.s32 s3;
	_ =	sdelay $0x1  }
0xa1: {  	s23 =	simm.s32 $0x1B8B  }
0xa2: {  	_ =	swait.ge [sflag:s23], $0x1  }
0xa3: {  	[sflag:s23] =	ssyncset.done $0x0  }
0xa4: {  	s25 =	simm.s32 $0x1B8E;
	s24 =	sld [smem:$0x3FFE];
	[sflag:s23] =	ssyncadd.s32 $0xFFFFFFFF  }
0xa5: {  	s26 =	simm.s32 $execute0_lowered;
	[smem:$0x3FD2] =	sst s25  }
0xa6: {  	s4 =	sshll.u32 s26, $0x1;
	_ =	strace $0x8000004C;
	[dreg:$0x1] =	wrdreg $0xFFFFFFFF  }
0xa7: {  	s28 =	simm.s32 $_size_execute0_lowered;
	s2 =	sadd.s32 s2, s4;
	[dreg:$0x0] =	wrdreg $0x0  }
0xa8: {  	s4 =	sshll.u32 s28, $0x1;
	[dreg:$0x2] =	wrdreg s2  }
0xa9: {  	[dreg:$0x3] =	wrdreg s4  }
0xaa: {  	[dreg:$0x4] =	wrdreg $0xC0  }
0xab: {  	_ =	task [dreg:s6], $0x5FFFF  }
0xac: {  	[dreg:$0x1] =	wrdreg $0xFFFFFFFF  }
0xad: {  	[dreg:$0x0] =	wrdreg $0x60  }
0xae: {  	[dreg:$0x2] =	wrdreg s24  }
0xaf: {  	[dreg:$0x3] =	wrdreg $0x4A000  }
0xb0: {  	[dreg:$0x4] =	wrdreg $0xA  }
0xb1: {  	_ =	task.clear_ibuf [dreg:s6], $0x5FFFF;
	_ =	strace $0x9000004C  }
0xb2: {  	s29 =	simm.s32 $0xA;
	_ =	strace $0x8000004E  }
0xb3: {  	_ =	swait.ge [sflag:s29], $0x1  }
0xb4: {  	[sflag:s29] =	ssyncadd.s32 $0xFFFFFFFF  }
0xb5: {  	_ =	strace $0x9000004E  }
0xb6: {  	_ =	sfence  }
0xb7: {  	s30 =	sld [smem:$0x0];
	_ =	sdelay $0x2  }
0xb8: {  	s31 =	sshll.u32 s1, $0xD;
	s1 =	sshrl.u32 s1, $0x2  }
0xb9: {  	s3 =	sand.u32 $0x4000, s31;
	s1 =	sadd.s32 s1, s30  }
0xba: {  	s0 =	sor.u32 s3, s0;
	s1 =	sshll.u32 s1, $0x11  }
0xbb: {  	s0 =	sor.u32 s1, s0  }
0xbc: {  	s0 =	sadd.s32 $0x8F2B, s0  }
0xbd: {  	[sflag:s0] =	ssyncadd.remote.s32 $0x1  }
0xbe: {  	_ =	sfence.sel $0xFFFF  }
0xbf: {  	[dreg:$0x0] =	wrdreg $0xFFFFFFFF;
	(pc) =	sbr.abs _section_cstart, $3  }
0xc0: {  	[dreg:$0x1] =	wrdreg $0xFFFFFFFF  }
0xc1: {  	_ =	task.clear_ibuf [dreg:s6], $0x2FFFF;
	_ =	strace $0x9FFFFFFF  }
0xc2: {  	(tm) =	ssettm $0x7FFFFFFF  }
0xc3: {  	_ =	shalt  }
tec
execute0_lowered:
.L_overlay_start_1:
0x0: {  	(tag) =	ssettag $0x1  }
0x1: {  	s5 =	rddreg [dreg:$0x0]  }
0x2: {  	s2 =	rddreg [dreg:$0x1]  }
0x3: {  	s0 =	rddreg [dreg:$0x2];
	s3 =	simm.s32 $0x0;
	s1 =	stileid.u32  }
0x4: {  	s4 =	srdreg.scid;
	s18 =	simm.s32 $0x100;
	s19 =	simm.s32 $0x180  }
0x5: {  	s20 =	simm.s32 $0x10;
	s21 =	simm.s32 $0x4200;
	s22 =	simm.s32 $0x0  }
0x6: {  	[smem:$0x7FF] =	sst s3;
	s6 =	smul.u32 $0x14000, s1;
	s7 =	sand.u32 $0x1, s4  }
0x7: {  	s4 =	sadd.s32 $0x70800, s5;
	s12 =	sadd.s32 $0x17800, s5;
	s24 =	smul.u32 $0x50000, s1  }
0x8: {  	s11 =	sadd.s32 $0xDA00, s5;
	s10 =	sshll.u32 s1, $0x1;
	s15 =	smul.u32 $0x4E20, s1  }
0x9: {  	s29 =	sshll.u32 s1, $0x6;
	_ =	strace $0x8000004D;
	s8 =	smul.u32 $0x140000, s7  }
0xa: {  	s25 =	ssub.s32 $0x2, s7;
	s26 =	sor.u32 s7, s10;
	s9 =	sshrl.u32 s6, $0x3  }
0xb: {  	s17 =	smul.u32 $0x2710, s7;
	s28 =	sshrl.u32 s25, $0x1;
	s9 =	sadd.s32 s9, s5  }
0xc: {  	s6 =	sadd.s32 s6, s8;
	s8 =	sshrl.u32 s24, $0x2;
	s10 =	ssub.s32 s25, s28  }
0xd: {  	s15 =	sadd.s32 s17, s15;
	s17 =	simm.s32 $0x1;
	s6 =	sshrl.u32 s6, $0x3  }
0xe: {  	s14 =	sadd.s32 s8, s2;
	s13 =	sadd.s32 s6, s5;
	s6 =	smul.u32 $0x2710, s26  }
0xf: {  	s10 =	smax.u32 s10, $0x1;
	s31 =	sshrl.u32 s15, $0x3;
	s15 =	simm.s32 $0x80  }
0x10: {  	s5 =	sadd.s32 $0x48800, s9;
	s9 =	sadd.s32 $0xC0800, s13;
	s16 =	sshrl.u32 s6, $0x3  }
0x11: {  	s13 =	sshrl.u32 s14, $0x3;
	s14 =	simm.s32 $0x2;
	s30 =	sadd.s32 $0x4E0, s16  }
0x12: {  	s6 =	sor.u32 $0x1C02, s29;
	s16 =	simm.s32 $0x200;
	s7 =	sadd.s32 s12, s30  }
0x13: {  	s8 =	sadd.s32 s11, s30;
	s11 =	sadd.s32 s31, s11;
	s12 =	sadd.s32 s31, s12  }
.LBB2_1:
0x14: {  	[spmem:s13], [sflag:s6] =	dma.local [hbm:s5], $0x2800  }
0x15: {  	_ =	swait.ge [sflag:s14], $0x2800  }
0x16: {  	[sflag:s14] =	ssyncset.done $0x0  }
0x17: {  	[sflag:s14] =	ssyncadd.s32 $0xFFFFD800  }
0x18: {  	s23 =	sadd.s32 $0x0, s12;
	[bflag:$0x0] =	sbarrier.arrive $0xFFFF  }
0x19: {  	[tilespmem:s3], [sflag:$0x2] =	stream.linear.gather [hbm4b:s23+s3], $0x80, $0x38;
	[tilespmem:$0x18A00] =	vst v63  }
0x1a: {  	_ =	swait.ge [sflag:s14], $0x80  }
0x1b: {  	[sflag:s14] =	ssyncset.done $0x0  }
0x1c: {  	s31 =	sadd.s32 $0x0, s11;
	[sflag:s14] =	ssyncadd.s32 $0xFFFFFF80  }
0x1d: {  	[tilespmem:s15], [sflag:$0x2] =	stream.linear.gather [hbm4b:s31+s3], $0x80, $0x38;
	[tilespmem:$0x18A00] =	vst v63  }
0x1e: {  	_ =	swait.ge [sflag:s14], $0x80  }
0x1f: {  	[sflag:s14] =	ssyncset.done $0x0  }
0x20: {  	[sflag:s14] =	ssyncadd.s32 $0xFFFFFF80  }
0x21: {  	[tilespmem:s16], [sflag:$0x1] =	stream.indirect.gather [hbm4b:s4+s15], $0x80, s3, s15, $0xb8;
	[tilespmem:$0x18A00] =	vst v63  }
0x22: {  	_ =	swait.ge [sflag:s17], $0x4000  }
0x23: {  	[sflag:s17] =	ssyncset.done $0x0  }
0x24: {  	[sflag:s17] =	ssyncadd.s32 $0xFFFFC000  }
0x25: {  	[spmem:s2] =	stream.indirect.scatter.add.f32 [tilespmem:s16], [sflag:$0x2], $0x80, s15, s15, $0xb8;
	[tilespmem:$0x18A00] =	vst v63  }
0x26: {  	_ =	swait.ge [sflag:s14], $0x4000  }
0x27: {  	s24 =	simm.s32 $0x20;
	s23 =	simm.s32 $0x10;
	[sflag:s14] =	ssyncset.done $0x0  }
.LBB2_2:
0x28: {  	s25 =	sadd.s32 s23, s12  }
0x29: {  	[sflag:s14] =	ssyncadd.s32 $0xFFFFC000;
	s26 =	smov.u32 s24;
	s28 =	sadd.s32 $0x10, s24  }
0x2a: {  	[tilespmem:s3], [sflag:$0x2] =	stream.linear.gather [hbm4b:s25+s3], $0x80, $0x38;
	[tilespmem:$0x18A00] =	vst v63  }
0x2b: {  	p0 =	sne.s32 s24, $0x4D0;
	_ =	swait.ge [sflag:s14], $0x80  }
0x2c: {  	[sflag:s14] =	ssyncset.done $0x0  }
0x2d: {  	s24 =	sadd.s32 s23, s11;
	s23 =	smov.u32 s26;
	[sflag:s14] =	ssyncadd.s32 $0xFFFFFF80  }
0x2e: {  	[tilespmem:s15], [sflag:$0x2] =	stream.linear.gather [hbm4b:s24+s3], $0x80, $0x38;
	[tilespmem:$0x18A00] =	vst v63  }
0x2f: {  	_ =	swait.ge [sflag:s14], $0x80  }
0x30: {  	[sflag:s14] =	ssyncset.done $0x0  }
0x31: {  	[sflag:s14] =	ssyncadd.s32 $0xFFFFFF80  }
0x32: {  	[tilespmem:s16], [sflag:$0x1] =	stream.indirect.gather [hbm4b:s4+s15], $0x80, s3, s15, $0xb8;
	[tilespmem:$0x18A00] =	vst v63  }
0x33: {  	_ =	swait.ge [sflag:s17], $0x4000  }
.Ltmp0:
0x34: {  	[sflag:s17] =	ssyncset.done $0x0;
	(pc) =	sbr.rel @p0 .LBB2_2-.Ltmp0, $4  }
0x35: {  	[sflag:s17] =	ssyncadd.s32 $0xFFFFC000  }
0x36: {  	[spmem:s2] =	stream.indirect.scatter.add.f32 [tilespmem:s16], [sflag:$0x2], $0x80, s15, s15, $0xb8;
	[tilespmem:$0x18A00] =	vst v63  }
0x37: {  	_ =	swait.ge [sflag:s14], $0x4000  }
0x38: {  	s24 =	smov.u32 s28;
	[sflag:s14] =	ssyncset.done $0x0  }
0x39: {  	s24 =	sadd.s32 s23, s12;
	[sflag:s14] =	ssyncadd.s32 $0xFFFFC000  }
0x3a: {  	[tilespmem:s3], [sflag:$0x2] =	stream.linear.gather [hbm4b:s24+s3], $0x80, $0x38;
	[tilespmem:$0x18A00] =	vst v63  }
0x3b: {  	_ =	swait.ge [sflag:s14], $0x80  }
0x3c: {  	[sflag:s14] =	ssyncset.done $0x0  }
0x3d: {  	s31 =	sadd.s32 s23, s11;
	[sflag:s14] =	ssyncadd.s32 $0xFFFFFF80  }
0x3e: {  	[tilespmem:s15], [sflag:$0x2] =	stream.linear.gather [hbm4b:s31+s3], $0x80, $0x38;
	[tilespmem:$0x18A00] =	vst v63  }
0x3f: {  	_ =	swait.ge [sflag:s14], $0x80  }
0x40: {  	[sflag:s14] =	ssyncset.done $0x0  }
0x41: {  	[sflag:s14] =	ssyncadd.s32 $0xFFFFFF80  }
0x42: {  	[tilespmem:s16], [sflag:$0x1] =	stream.indirect.gather [hbm4b:s4+s15], $0x80, s3, s15, $0xb8;
	[tilespmem:$0x18A00] =	vst v63  }
0x43: {  	_ =	swait.ge [sflag:s17], $0x4000  }
0x44: {  	[sflag:s17] =	ssyncset.done $0x0  }
0x45: {  	[sflag:s17] =	ssyncadd.s32 $0xFFFFC000  }
0x46: {  	[spmem:s2] =	stream.indirect.scatter.add.f32 [tilespmem:s16], [sflag:$0x2], $0x80, s15, s15, $0xb8;
	[tilespmem:$0x18A00] =	vst v63  }
0x47: {  	_ =	swait.ge [sflag:s14], $0x4000  }
0x48: {  	[sflag:s14] =	ssyncset.done $0x0  }
0x49: {  	[sflag:s14] =	ssyncadd.s32 $0xFFFFC000  }
0x4a: {  	[tilespmem:s18], [sflag:$0x2] =	stream.linear.gather [hbm4b:s7+s3], $0x10, $0x38;
	[tilespmem:$0x18A00] =	vst v63  }
0x4b: {  	_ =	swait.ge [sflag:s14], $0x10  }
0x4c: {  	[sflag:s14] =	ssyncset.done $0x0  }
0x4d: {  	[sflag:s14] =	ssyncadd.s32 $0xFFFFFFF0  }
0x4e: {  	[tilespmem:s19], [sflag:$0x2] =	stream.linear.gather [hbm4b:s8+s3], $0x10, $0x38;
	[tilespmem:$0x18A00] =	vst v63  }
0x4f: {  	_ =	swait.ge [sflag:s14], $0x10  }
0x50: {  	[sflag:s14] =	ssyncset.done $0x0  }
0x51: {  	[sflag:s14] =	ssyncadd.s32 $0xFFFFFFF0  }
0x52: {  	[tilespmem:s21], [sflag:$0x1] =	stream.indirect.gather [hbm4b:s4+s20], $0x80, s18, s20, $0xb8;
	[tilespmem:$0x18A00] =	vst v63  }
0x53: {  	_ =	swait.ge [sflag:s17], $0x800  }
0x54: {  	[sflag:s17] =	ssyncset.done $0x0  }
0x55: {  	[sflag:s17] =	ssyncadd.s32 $0xFFFFF800  }
0x56: {  	[spmem:s2] =	stream.indirect.scatter.add.f32 [tilespmem:s21], [sflag:$0x2], $0x80, s19, s20, $0xb8;
	[tilespmem:$0x18A00] =	vst v63  }
0x57: {  	_ =	swait.ge [sflag:s14], $0x800  }
0x58: {  	s22 =	sadd.s32 $0x1, s22;
	[sflag:s14] =	ssyncset.done $0x0  }
0x59: {  	p0 =	sne.s32 s22, s10;
	[sflag:s14] =	ssyncadd.s32 $0xFFFFF800  }
.Ltmp1:
0x5a: {  	[bflag:$0x0] =	sbarrier.arrive $0xFFFF;
	(pc) =	sbr.rel @p0 .LBB2_1-.Ltmp1, $4  }
0x5b: {  	[hbm:s9], [sflag:s6] =	dma.local [spmem:s13], $0x2800  }
0x5c: {  	_ =	swait.ge [sflag:s14], $0x2800  }
0x5d: {  	[sflag:s14] =	ssyncset.done $0x0  }
0x5e: {  	[sflag:s14] =	ssyncadd.s32 $0xFFFFD800  }
0x5f: {  	_ =	sfence.sel $0x180000  }
0x60: {  	[bflag:$0x0] =	sbarrier.arrive $0xFFFF  }
0x61: {  	p0 =	sne.s32 s1, $0x0;
	_ =	strace $0x9000004D  }
0x62: {  	s0 =	sadd.s32 @!p0 $0x100000, s0;
	[bflag:$0x2] =	sbarrier.arrive $0xFFFF  }
0x63: {  	[sflag:s0] =	ssyncadd.tile.s32 @!p0 $0x1;
	_ =	shalt  }
.Lfunc_end2:
_tile_overlayer_lowered:
.L_overlay_start_2:
0x64: {  	(tag) =	ssettag $0x2  }
0x65: {  	s0 =	rddreg [dreg:$0x0];
	s2 =	stileid.u32  }
0x66: {  	s1 =	rddreg [dreg:$0x1];
	p0 =	sne.s32 s2, $0x0  }
0x67: {  	s3 =	rddreg [dreg:$0x2];
	[bflag:$0x3] =	sbarrier.arrive $0xFFFF;
	s2 =	simm.s32 @!p0 $0x1C02  }
0x68: {  	[timem:s3], [sflag:s2] =	dma.local @!p0 [hbm:s0], s1  }
0x69: {  	s0 =	simm.s32 @!p0 $0x2  }
0x6a: {  	_ =	swait.ge @!p0 [sflag:s0], s1  }
0x6b: {  	s1 =	ssub.s32 @!p0 $0x0, s1;
	[sflag:s0] =	ssyncset.done @!p0 $0x0  }
0x6c: {  	[sflag:s0] =	ssyncadd.s32 @!p0 s1  }
0x6d: {  	[bflag:$0x3] =	sbarrier.arrive $0xFFFF  }
0x6e: {  	_ =	shalt  }

// kernel: kernel.23.cloned.1.call-start
scs
__scs_entry_jumppad:
0x0: {  	(pc) =	sbr.rel $0x88, $3  }
0x1: {  	(tag) =	ssettag $0x0;
	lr =	simm.s32 $0x1  }
0x2: {  	[smem:$0x3F91] =	sst lr;
	_ =	strace $0xD0000000  }
0x3: {  	_ = 	snop  }
0x4: {  	_ = 	snop  }
0x5: {  	_ = 	snop  }
0x6: {  	_ = 	snop  }
0x7: {  	_ = 	snop  }
__scs_overlays_trampoline_lowered:
0x8: {  	[smem:$0x3FA0] =	sst s0  }
0x9: {  	[smem:$0x3FA1] =	sst s1  }
0xa: {  	[smem:$0x3FA2] =	sst s2  }
0xb: {  	[smem:$0x3FA3] =	sst s3  }
0xc: {  	[smem:$0x3FA4] =	sst s4  }
0xd: {  	[smem:$0x3FA5] =	sst s5  }
0xe: {  	[smem:$0x3FA6] =	sst s6  }
0xf: {  	[smem:$0x3FA7] =	sst s7  }
0x10: {  	[smem:$0x3FA8] =	sst s8  }
0x11: {  	[smem:$0x3FA9] =	sst s9;
	s0 =	simm.s32 @!p0 $0x0  }
0x12: {  	s1 =	sld [smem:$0x3F8F];
	s0 =	simm.s32 @p0 $0x1  }
0x13: {  	[smem:$0x3FAA] =	sst s0;
	s0 =	simm.s32 @!p1 $0x0  }
0x14: {  	s2 =	sld [smem:$0x3F8E];
	s0 =	simm.s32 @p1 $0x1  }
0x15: {  	[smem:$0x3FAB] =	sst s0;
	s0 =	simm.s32 @!p2 $0x0  }
0x16: {  	s3 =	sld [smem:$0x3FDB];
	s0 =	simm.s32 @p2 $0x1  }
0x17: {  	s4 =	simm.s32 $0x1BF5;
	[smem:$0x3FAD] =	sst s0  }
0x18: {  	s0 =	sld [smem:$0x3F90];
	_ =	swait.ge [sflag:s4], $0x0  }
0x19: {  	s7 =	sld [smem:$0x3F91]  }
0x1a: {  	s8 =	sadd.s32 $0xFFFFE003, lr  }
0x1b: {  	s9 =	sadd.s32 $0xFFFFFEF7, lr;
	s5 =	simm.s32 $0xFFFFFFFF;
	p2 =	slt.u32 s8, $0xFFFFF086  }
0x1c: {  	p1 =	slt.u32 s9, $0xF7A;
	s5 =	simm.s32 @!p2 $0x0  }
0x1d: {  	s5 =	simm.s32 @p1 $0x1;
	p0 =	seq.s32 s7, s2  }
0x1e: {  	s7 =	smul.u32 @!p0 $0xF7A, s2;
	p2 =	seq.s32 @!p0 s5, $0x0  }
0x1f: {  	s9 =	smul.u32 $0xF7A, s1;
	s8 =	simm.s32 @!p0 $0x1BF5;
	p2 =	por !p2, p0  }
0x20: {  	[sflag:s8] =	ssyncset.s32 @!p0 $0xFFFFF086;
	s6 =	sadd.s32 @!p0 s3, s7;
	s7 =	simm.s32 @!p0 $0x108  }
0x21: {  	s3 =	sadd.s32 s3, s9;
	s6 =	sadd.s32 @!p0 $0x88, s6;
	s7 =	simm.s32 @p2 $0x1082  }
0x22: {  	[simem:s7], [sflag:s8] =	dma.local @!p0 [hbm:s6], $0xF7A  }
0x23: {  	s9 =	sor.u32 $0xD0000000, s2;
	s6 =	simm.s32 $0x108;
	_ =	swait.ge @!p0 [sflag:s8], $0x0  }
0x24: {  	s3 =	sadd.s32 $0x88, s3;
	s6 =	simm.s32 @!p1 $0x1082;
	[sflag:s4] =	ssyncset.s32 $0xFFFFF086  }
0x25: {  	[simem:s6], [sflag:s4] =	dma.local [hbm:s3], $0xF7A  }
0x26: {  	[smem:$0x3F91] =	sst s1;
	(tag) =	ssettag s2;
	_ =	strace s9  }
0x27: {  	s1 =	sld [smem:$0x3FA1]  }
0x28: {  	s2 =	sld [smem:$0x3FA2]  }
0x29: {  	s4 =	sld [smem:$0x3FA4]  }
0x2a: {  	p0 =	seq.s32 s5, $0x0;
	s5 =	sld [smem:$0x3FA5]  }
0x2b: {  	s6 =	sld [smem:$0x3FA6]  }
0x2c: {  	s7 =	sld [smem:$0x3FA7]  }
0x2d: {  	s3 =	simm.s32 $0x108;
	s8 =	sld [smem:$0x3FA8]  }
0x2e: {  	s3 =	simm.s32 @!p0 $0x1082;
	s9 =	sld [smem:$0x3FA9]  }
0x2f: {  	lr =	sadd.s32 s0, s3;
	s0 =	sld [smem:$0x3FA0]  }
0x30: {  	s3 =	sld [smem:$0x3FA3]  }
0x31: {  	[smem:$0x3FAC] =	sst s10  }
0x32: {  	s10 =	sld [smem:$0x3FAA];
	_ =	sdelay $0x3  }
0x33: {  	p0 =	seq.s32 s10, $0x1;
	s10 =	sld [smem:$0x3FAC];
	_ =	sdelay $0x3  }
0x34: {  	[smem:$0x3FAC] =	sst s10  }
0x35: {  	s10 =	sld [smem:$0x3FAB];
	_ =	sdelay $0x3  }
0x36: {  	p1 =	seq.s32 s10, $0x1;
	s10 =	sld [smem:$0x3FAC];
	_ =	sdelay $0x3  }
0x37: {  	[smem:$0x3FAC] =	sst s10  }
0x38: {  	s10 =	sld [smem:$0x3FAD]  }
0x39: {  	_ = 	snop;
	(pc) =	sbr.ind lr, $3  }
0x3a: {  	_ = 	snop  }
0x3b: {  	_ = 	snop  }
0x3c: {  	p2 =	seq.s32 s10, $0x1;
	s10 =	sld [smem:$0x3FAC]  }
0x3d: {  	_ =	shalt  }
0x3e: {  	_ =	shalt  }
0x3f: {  	_ =	shalt  }
0x40: {  	_ =	shalt  }
0x41: {  	_ =	shalt  }
0x42: {  	_ =	shalt  }
0x43: {  	_ =	shalt  }
0x44: {  	_ =	shalt  }
0x45: {  	_ =	shalt  }
0x46: {  	_ =	shalt  }
0x47: {  	_ =	shalt  }
0x48: {  	_ =	shalt  }
0x49: {  	_ =	shalt  }
0x4a: {  	_ =	shalt  }
0x4b: {  	_ =	shalt  }
0x4c: {  	_ =	shalt  }
0x4d: {  	_ =	shalt  }
0x4e: {  	_ =	shalt  }
0x4f: {  	_ =	shalt  }
0x50: {  	_ =	shalt  }
0x51: {  	_ =	shalt  }
0x52: {  	_ =	shalt  }
0x53: {  	_ =	shalt  }
0x54: {  	_ =	shalt  }
0x55: {  	_ =	shalt  }
0x56: {  	_ =	shalt  }
0x57: {  	_ =	shalt  }
0x58: {  	_ =	shalt  }
0x59: {  	_ =	shalt  }
0x5a: {  	_ =	shalt  }
0x5b: {  	_ =	shalt  }
0x5c: {  	_ =	shalt  }
0x5d: {  	_ =	shalt  }
0x5e: {  	_ =	shalt  }
0x5f: {  	_ =	shalt  }
0x60: {  	_ =	shalt  }
0x61: {  	_ =	shalt  }
0x62: {  	_ =	shalt  }
0x63: {  	_ =	shalt  }
0x64: {  	_ =	shalt  }
0x65: {  	_ =	shalt  }
0x66: {  	_ =	shalt  }
0x67: {  	_ =	shalt  }
0x68: {  	_ =	shalt  }
0x69: {  	_ =	shalt  }
0x6a: {  	_ =	shalt  }
0x6b: {  	_ =	shalt  }
0x6c: {  	_ =	shalt  }
0x6d: {  	_ =	shalt  }
0x6e: {  	_ =	shalt  }
0x6f: {  	_ =	shalt  }
0x70: {  	_ =	shalt  }
0x71: {  	_ =	shalt  }
0x72: {  	_ =	shalt  }
0x73: {  	_ =	shalt  }
0x74: {  	_ =	shalt  }
0x75: {  	_ =	shalt  }
0x76: {  	_ =	shalt  }
0x77: {  	_ =	shalt  }
0x78: {  	_ =	shalt  }
0x79: {  	_ =	shalt  }
0x7a: {  	_ =	shalt  }
0x7b: {  	_ =	shalt  }
0x7c: {  	_ =	shalt  }
0x7d: {  	_ =	shalt  }
0x7e: {  	_ =	shalt  }
0x7f: {  	_ =	shalt  }
0x80: {  	_ =	shalt  }
0x81: {  	_ =	shalt  }
0x82: {  	_ =	shalt  }
0x83: {  	_ =	shalt  }
0x84: {  	_ =	shalt  }
0x85: {  	_ =	shalt  }
0x86: {  	_ =	shalt  }
0x87: {  	_ =	shalt  }
.Lfunc_end0:
.L_simem_size_0:
called_computation.4_lowered:
.L_overlay_start_0:
0x88: {  	s2 =	sld [smem:$0x3FD9]  }
0x89: {  	s3 =	sld [smem:$0x3FFE];
	_ =	sdelay $0x1  }
0x8a: {  	s1 =	srdreg.scid  }
0x8b: {  	s0 =	sand.u32 $0x1, s1  }
0x8c: {  	s14 =	sshll.u32 s0, $0xA;
	s2 =	sadd.s32 s3, s2  }
0x8d: {  	s2 =	sadd.s32 s2, s14  }
0x8e: {  	[smem:$0x3FB8] =	sst s2  }
0x8f: {  	_ = 	snop  }
0x90: {  	s2 =	sld [smem:$0x3FD0];
	_ =	sdelay $0x2  }
0x91: {  	s15 =	simm.s32 $0xB;
	s4 =	simm.s32 $0x10  }
0x92: {  	[smem:s4], [sflag:s15] =	dma.local [hbm:s2], $0x1  }
0x93: {  	_ =	swait.eq [sflag:s15], $0x1  }
0x94: {  	[sflag:s15] =	ssyncset.done $0x0  }
0x95: {  	s16 =	sld [smem:$0x10];
	[sflag:s15] =	ssyncadd.s32 $0xFFFFFFFF  }
0x96: {  	s17 =	sld [smem:$0x11];
	(tm) =	ssettm $0x1  }
0x97: {  	s18 =	sld [smem:$0x3FFB];
	_ =	sdelay $0x3  }
0x98: {  	_ =	strace s18  }
0x99: {  	s4 =	sld [smem:$0x3FFC];
	_ =	sdelay $0x3  }
0x9a: {  	_ =	strace s4  }
0x9b: {  	s4 =	sld [smem:$0x3FFD];
	_ =	sdelay $0x3  }
0x9c: {  	_ =	strace s4  }
0x9d: {  	_ =	strace $0x8FFFFFFF  }
0x9e: {  	s19 =	sld [smem:$0x3FDB];
	_ =	sdelay $0x1  }
0x9f: {  	s5 =	simm.s32 $_scs_section_size  }
0xa0: {  	s6 =	simm.s32 $_size__tile_overlayer_lowered;
	s7 =	simm.s32 $_tile_overlayer_lowered  }
0xa1: {  	s22 =	simm.s32 $0x1BFF;
	s21 =	sshll.u32 s7, $0x1;
	s4 =	sadd.s32 s5, s19  }
0xa2: {  	s8 =	simm.s32 $0x0;
	s20 =	sshll.u32 s6, $0x1;
	s6 =	sadd.s32 s21, s4  }
0xa3: {  	[timem:s8], [sflag:s22] =	dma.local [hbm:s6], s20  }
0xa4: {  	_ =	swait.ge [sflag:s22], s20  }
0xa5: {  	s5 =	ssub.s32 $0x0, s20;
	[sflag:s22] =	ssyncset.done $0x0  }
0xa6: {  	[sflag:s22] =	ssyncadd.s32 s5;
	_ =	sdelay $0x1  }
0xa7: {  	s23 =	simm.s32 $0x1B8B  }
0xa8: {  	_ =	swait.ge [sflag:s23], $0x1  }
0xa9: {  	[sflag:s23] =	ssyncset.done $0x0  }
0xaa: {  	s25 =	simm.s32 $0x1B8E;
	s24 =	sld [smem:$0x3FFE];
	[sflag:s23] =	ssyncadd.s32 $0xFFFFFFFF  }
0xab: {  	s26 =	simm.s32 $execute0_lowered;
	[smem:$0x3FD2] =	sst s25  }
0xac: {  	s6 =	sshll.u32 s26, $0x1;
	_ =	strace $0x80000052;
	[dreg:$0x1] =	wrdreg $0xFFFFFFFF  }
0xad: {  	s28 =	simm.s32 $_size_execute0_lowered;
	s4 =	sadd.s32 s4, s6;
	[dreg:$0x0] =	wrdreg $0x0  }
0xae: {  	s6 =	sshll.u32 s28, $0x1;
	[dreg:$0x2] =	wrdreg s4  }
0xaf: {  	[dreg:$0x3] =	wrdreg s6  }
0xb0: {  	[dreg:$0x4] =	wrdreg $0xC0  }
0xb1: {  	_ =	task [dreg:s8], $0x5FFFF  }
0xb2: {  	[dreg:$0x1] =	wrdreg $0xFFFFFFFF  }
0xb3: {  	[dreg:$0x0] =	wrdreg $0x60  }
0xb4: {  	[dreg:$0x2] =	wrdreg s16  }
0xb5: {  	[dreg:$0x3] =	wrdreg s17  }
0xb6: {  	[dreg:$0x4] =	wrdreg s24  }
0xb7: {  	[dreg:$0x5] =	wrdreg $0x9  }
0xb8: {  	_ =	task.clear_ibuf [dreg:s8], $0x6FFFF;
	_ =	strace $0x90000052  }
0xb9: {  	s29 =	simm.s32 $0x9;
	_ =	strace $0x80000054  }
0xba: {  	_ =	swait.ge [sflag:s29], $0x1  }
0xbb: {  	[sflag:s29] =	ssyncadd.s32 $0xFFFFFFFF  }
0xbc: {  	_ =	strace $0x90000054  }
0xbd: {  	_ =	sfence  }
0xbe: {  	s30 =	sld [smem:$0x0];
	_ =	sdelay $0x2  }
0xbf: {  	s31 =	sshll.u32 s1, $0xD;
	s1 =	sshrl.u32 s1, $0x2  }
0xc0: {  	s3 =	sand.u32 $0x4000, s31;
	s1 =	sadd.s32 s1, s30  }
0xc1: {  	s0 =	sor.u32 s3, s0;
	s1 =	sshll.u32 s1, $0x11  }
0xc2: {  	s0 =	sor.u32 s1, s0  }
0xc3: {  	s0 =	sadd.s32 $0x8F2B, s0  }
0xc4: {  	[sflag:s0] =	ssyncadd.remote.s32 $0x1  }
0xc5: {  	_ =	sfence.sel $0xFFFF  }
0xc6: {  	[dreg:$0x0] =	wrdreg $0xFFFFFFFF;
	(pc) =	sbr.abs _section_cstart, $3  }
0xc7: {  	[dreg:$0x1] =	wrdreg $0xFFFFFFFF  }
0xc8: {  	_ =	task.clear_ibuf [dreg:s8], $0x2FFFF;
	_ =	strace $0x9FFFFFFF  }
0xc9: {  	(tm) =	ssettm $0x7FFFFFFF  }
tec
execute0_lowered:
.L_overlay_start_1:
0x0: {  	(tag) =	ssettag $0x1  }
0x1: {  	s1 =	rddreg [dreg:$0x0]  }
0x2: {  	s3 =	rddreg [dreg:$0x1]  }
0x3: {  	s5 =	rddreg [dreg:$0x2]  }
0x4: {  	s0 =	rddreg [dreg:$0x3];
	s6 =	srdreg.scid  }
0x5: {  	s2 =	stileid.u32;
	s4 =	simm.s32 $0x0;
	s11 =	simm.s32 $0x50  }
0x6: {  	s12 =	simm.s32 $0x80;
	s13 =	simm.s32 $0x1;
	s7 =	smul.u32 $0x280, s2  }
0x7: {  	s14 =	simm.s32 $0x0;
	s6 =	sand.u32 $0x1, s6;
	s9 =	smul.u32 $0x2800, s2  }
0x8: {  	[smem:$0x7FF] =	sst s4;
	s8 =	smul.u32 $0x140, s6;
	s10 =	ssub.s32 $0x2, s6  }
0x9: {  	_ =	strace $0x80000053;
	s6 =	smul.u32 $0x1400, s6;
	s29 =	sshrl.u32 s10, $0x1  }
0xa: {  	s9 =	sadd.s32 s9, s5;
	s7 =	sadd.s32 s8, s7;
	s8 =	ssub.s32 s10, s29  }
0xb: {  	s31 =	sadd.s32 s6, s9;
	s10 =	simm.s32 $0x2;
	s7 =	sshrl.u32 s7, $0x3  }
0xc: {  	s6 =	sadd.s32 $0x3000, s31;
	s30 =	sadd.s32 s7, s5;
	s5 =	smax.u32 s8, $0x1  }
0xd: {  	s7 =	sadd.s32 $0x2B000, s31;
	s8 =	sadd.s32 $0x2A00, s30;
	s9 =	sadd.s32 $0x2400, s30  }
.LBB2_1:
0xe: {  	s15 =	sadd.s32 $0x0, s9  }
0xf: {  	[tilespmem:s4], [sflag:$0x2] =	stream.linear.gather [hbm4b:s15+s4], $0x50, $0x38;
	[tilespmem:$0x2880] =	vst v63  }
0x10: {  	_ =	swait.ge [sflag:s10], $0x50  }
0x11: {  	[sflag:s10] =	ssyncset.done $0x0  }
0x12: {  	[sflag:s10] =	ssyncadd.s32 $0xFFFFFFB0  }
0x13: {  	[tilespmem:s12], [sflag:$0x1] =	stream.indirect.gather [hbm4b:s1+s11], $0x80, s4, s11, $0xb8;
	[tilespmem:$0x2880] =	vst v63  }
0x14: {  	_ =	swait.ge [sflag:s13], $0x2800  }
0x15: {  	[sflag:s13] =	ssyncset.done $0x0  }
0x16: {  	[sflag:s13] =	ssyncadd.s32 $0xFFFFD800  }
0x17: {  	[hbm4b:s6+s4] =	stream.linear.scatter [tilespmem:s12], [sflag:$0x2], $0x2800, $0x38;
	[tilespmem:$0x2880] =	vst v63  }
0x18: {  	_ =	swait.ge [sflag:s10], $0x2800  }
0x19: {  	[sflag:s10] =	ssyncset.done $0x0  }
0x1a: {  	s31 =	sadd.s32 $0x0, s8;
	[sflag:s10] =	ssyncadd.s32 $0xFFFFD800  }
0x1b: {  	[tilespmem:s4], [sflag:$0x2] =	stream.linear.gather [hbm4b:s31+s4], $0x50, $0x38;
	[tilespmem:$0x2880] =	vst v63  }
0x1c: {  	_ =	swait.ge [sflag:s10], $0x50  }
0x1d: {  	[sflag:s10] =	ssyncset.done $0x0  }
0x1e: {  	[sflag:s10] =	ssyncadd.s32 $0xFFFFFFB0  }
0x1f: {  	[tilespmem:s12], [sflag:$0x1] =	stream.indirect.gather [hbm4b:s3+s11], $0x80, s4, s11, $0xb8;
	[tilespmem:$0x2880] =	vst v63  }
0x20: {  	_ =	swait.ge [sflag:s13], $0x2800  }
0x21: {  	[sflag:s13] =	ssyncset.done $0x0  }
0x22: {  	[sflag:s13] =	ssyncadd.s32 $0xFFFFD800  }
0x23: {  	[hbm4b:s7+s4] =	stream.linear.scatter [tilespmem:s12], [sflag:$0x2], $0x2800, $0x38;
	[tilespmem:$0x2880] =	vst v63  }
0x24: {  	s16 =	simm.s32 $0xA;
	s18 =	simm.s32 $0x14;
	_ =	swait.ge [sflag:s10], $0x2800  }
0x25: {  	s17 =	sadd.s32 $0x500, s6;
	s15 =	sadd.s32 $0x500, s7;
	[sflag:s10] =	ssyncset.done $0x0  }
.LBB2_2:
0x26: {  	s19 =	sadd.s32 s16, s9  }
0x27: {  	[sflag:s10] =	ssyncadd.s32 $0xFFFFD800;
	s20 =	smov.u32 s18;
	s21 =	sadd.s32 $0xA, s18  }
0x28: {  	[tilespmem:s4], [sflag:$0x2] =	stream.linear.gather [hbm4b:s19+s4], $0x50, $0x38;
	[tilespmem:$0x2880] =	vst v63  }
0x29: {  	p0 =	sne.s32 s18, $0x1E;
	_ =	swait.ge [sflag:s10], $0x50  }
0x2a: {  	[sflag:s10] =	ssyncset.done $0x0  }
0x2b: {  	[sflag:s10] =	ssyncadd.s32 $0xFFFFFFB0  }
0x2c: {  	[tilespmem:s12], [sflag:$0x1] =	stream.indirect.gather [hbm4b:s1+s11], $0x80, s4, s11, $0xb8;
	[tilespmem:$0x2880] =	vst v63  }
0x2d: {  	_ =	swait.ge [sflag:s13], $0x2800  }
0x2e: {  	[sflag:s13] =	ssyncset.done $0x0  }
0x2f: {  	[sflag:s13] =	ssyncadd.s32 $0xFFFFD800  }
0x30: {  	[hbm4b:s17+s4] =	stream.linear.scatter [tilespmem:s12], [sflag:$0x2], $0x2800, $0x38;
	[tilespmem:$0x2880] =	vst v63  }
0x31: {  	_ =	swait.ge [sflag:s10], $0x2800  }
0x32: {  	[sflag:s10] =	ssyncset.done $0x0  }
0x33: {  	s18 =	sadd.s32 s16, s8;
	s16 =	smov.u32 s20;
	[sflag:s10] =	ssyncadd.s32 $0xFFFFD800  }
0x34: {  	[tilespmem:s4], [sflag:$0x2] =	stream.linear.gather [hbm4b:s18+s4], $0x50, $0x38;
	[tilespmem:$0x2880] =	vst v63  }
0x35: {  	_ =	swait.ge [sflag:s10], $0x50  }
0x36: {  	[sflag:s10] =	ssyncset.done $0x0  }
0x37: {  	[sflag:s10] =	ssyncadd.s32 $0xFFFFFFB0  }
0x38: {  	[tilespmem:s12], [sflag:$0x1] =	stream.indirect.gather [hbm4b:s3+s11], $0x80, s4, s11, $0xb8;
	[tilespmem:$0x2880] =	vst v63  }
0x39: {  	_ =	swait.ge [sflag:s13], $0x2800  }
.Ltmp0:
0x3a: {  	[sflag:s13] =	ssyncset.done $0x0;
	(pc) =	sbr.rel @p0 .LBB2_2-.Ltmp0, $4  }
0x3b: {  	[sflag:s13] =	ssyncadd.s32 $0xFFFFD800  }
0x3c: {  	[hbm4b:s15+s4] =	stream.linear.scatter [tilespmem:s12], [sflag:$0x2], $0x2800, $0x38;
	[tilespmem:$0x2880] =	vst v63  }
0x3d: {  	s17 =	sadd.s32 $0x500, s17;
	_ =	swait.ge [sflag:s10], $0x2800  }
0x3e: {  	s18 =	smov.u32 s21;
	s15 =	sadd.s32 $0x500, s15;
	[sflag:s10] =	ssyncset.done $0x0  }
0x3f: {  	s18 =	sadd.s32 s16, s9;
	[sflag:s10] =	ssyncadd.s32 $0xFFFFD800  }
0x40: {  	[tilespmem:s4], [sflag:$0x2] =	stream.linear.gather [hbm4b:s18+s4], $0x50, $0x38;
	[tilespmem:$0x2880] =	vst v63  }
0x41: {  	_ =	swait.ge [sflag:s10], $0x50  }
0x42: {  	[sflag:s10] =	ssyncset.done $0x0  }
0x43: {  	[sflag:s10] =	ssyncadd.s32 $0xFFFFFFB0  }
0x44: {  	[tilespmem:s12], [sflag:$0x1] =	stream.indirect.gather [hbm4b:s1+s11], $0x80, s4, s11, $0xb8;
	[tilespmem:$0x2880] =	vst v63  }
0x45: {  	_ =	swait.ge [sflag:s13], $0x2800  }
0x46: {  	[sflag:s13] =	ssyncset.done $0x0  }
0x47: {  	[sflag:s13] =	ssyncadd.s32 $0xFFFFD800  }
0x48: {  	[hbm4b:s17+s4] =	stream.linear.scatter [tilespmem:s12], [sflag:$0x2], $0x2800, $0x38;
	[tilespmem:$0x2880] =	vst v63  }
0x49: {  	_ =	swait.ge [sflag:s10], $0x2800  }
0x4a: {  	[sflag:s10] =	ssyncset.done $0x0  }
0x4b: {  	s31 =	sadd.s32 s16, s8;
	[sflag:s10] =	ssyncadd.s32 $0xFFFFD800  }
0x4c: {  	[tilespmem:s4], [sflag:$0x2] =	stream.linear.gather [hbm4b:s31+s4], $0x50, $0x38;
	[tilespmem:$0x2880] =	vst v63  }
0x4d: {  	_ =	swait.ge [sflag:s10], $0x50  }
0x4e: {  	[sflag:s10] =	ssyncset.done $0x0  }
0x4f: {  	[sflag:s10] =	ssyncadd.s32 $0xFFFFFFB0  }
0x50: {  	[tilespmem:s12], [sflag:$0x1] =	stream.indirect.gather [hbm4b:s3+s11], $0x80, s4, s11, $0xb8;
	[tilespmem:$0x2880] =	vst v63  }
0x51: {  	s14 =	sadd.s32 $0x1, s14;
	_ =	swait.ge [sflag:s13], $0x2800  }
0x52: {  	p0 =	sne.s32 s14, s5;
	[sflag:s13] =	ssyncset.done $0x0  }
.Ltmp1:
0x53: {  	[sflag:s13] =	ssyncadd.s32 $0xFFFFD800;
	(pc) =	sbr.rel @p0 .LBB2_1-.Ltmp1, $4  }
0x54: {  	[hbm4b:s15+s4] =	stream.linear.scatter [tilespmem:s12], [sflag:$0x2], $0x2800, $0x38;
	[tilespmem:$0x2880] =	vst v63  }
0x55: {  	_ =	swait.ge [sflag:s10], $0x2800  }
0x56: {  	[sflag:s10] =	ssyncset.done $0x0  }
0x57: {  	[sflag:s10] =	ssyncadd.s32 $0xFFFFD800  }
0x58: {  	_ =	sfence.sel $0x180000  }
0x59: {  	[bflag:$0x0] =	sbarrier.arrive $0xFFFF  }
0x5a: {  	p0 =	sne.s32 s2, $0x0;
	_ =	strace $0x90000053  }
0x5b: {  	s0 =	sadd.s32 @!p0 $0x100000, s0;
	[bflag:$0x2] =	sbarrier.arrive $0xFFFF  }
0x5c: {  	[sflag:s0] =	ssyncadd.tile.s32 @!p0 $0x1;
	_ =	shalt  }
.Lfunc_end2:
_tile_overlayer_lowered:
.L_overlay_start_2:
0x5d: {  	(tag) =	ssettag $0x2  }
0x5e: {  	s0 =	rddreg [dreg:$0x0];
	s2 =	stileid.u32  }
0x5f: {  	s1 =	rddreg [dreg:$0x1];
	p0 =	sne.s32 s2, $0x0  }
0x60: {  	s3 =	rddreg [dreg:$0x2];
	[bflag:$0x3] =	sbarrier.arrive $0xFFFF;
	s2 =	simm.s32 @!p0 $0x1C02  }
0x61: {  	[timem:s3], [sflag:s2] =	dma.local @!p0 [hbm:s0], s1  }
0x62: {  	s0 =	simm.s32 @!p0 $0x2  }
0x63: {  	_ =	swait.ge @!p0 [sflag:s0], s1  }
0x64: {  	s1 =	ssub.s32 @!p0 $0x0, s1;
	[sflag:s0] =	ssyncset.done @!p0 $0x0  }
0x65: {  	[sflag:s0] =	ssyncadd.s32 @!p0 s1  }
0x66: {  	[bflag:$0x3] =	sbarrier.arrive $0xFFFF  }
0x67: {  	_ =	shalt  }

</sc_bundles>
